<compile_context>
chip_gen: v7x
topology: tpu7x:2x2x1
jax: 0.10.2.dev20260603
libtpu: 0.0.44.dev20260713+nightly
codegen_flags: <defaults>
</compile_context>

<pallas_src>
import functools

import jax
import jax.numpy as jnp
from jax.experimental import pallas as pl
from jax.experimental.pallas import tpu as pltpu
from jax.experimental.pallas import tpu_sc as plsc

N, K, D = 18432, 1024, 64
BLK = 3072


def _vq_tc_kernel(e2_ref, zt_ref, zz_ref, ee_ref, idx_ref, loss_ref):
    i = pl.program_id(0)
    e2 = e2_ref[...]
    zt = zt_ref[...]
    ze2 = jax.lax.dot_general(e2, zt, (((1,), (0,)), ((), ())),
                              preferred_element_type=jnp.float32)
    d2 = (zz_ref[...] + ze2) + ee_ref[...]
    c = jnp.maximum(d2, 0.0)
    m2 = c[:8]
    for r in range(8, K, 8):
        m2 = jnp.minimum(m2, c[r:r + 8])
    for h in (4, 2, 1):
        m2 = jnp.minimum(m2[:h], m2[h:])
    s = jnp.where(m2 == 0.0, 0.0, m2 * jax.lax.rsqrt(m2))
    iota8 = jax.lax.broadcasted_iota(
        jnp.int32, (8, BLK), 0).astype(jnp.float32)
    ix = jnp.full((8, BLK), float(K), jnp.float32)
    for r in range(0, K, 8):
        cr = c[r:r + 8]
        dr = jnp.where(cr == 0.0, 0.0, cr * jax.lax.rsqrt(cr))
        ix = jnp.minimum(ix, jnp.where(dr == s, iota8 + float(r), float(K)))
    for h in (4, 2, 1):
        ix = jnp.minimum(ix[:h], ix[h:])
    idx_ref[...] = ix.astype(jnp.int32).reshape(1, 1, BLK)
    m2sum = jnp.sum(m2).reshape(1, 1)

    @pl.when(i == 0)
    def _():
        loss_ref[...] = m2sum

    @pl.when(i > 0)
    def _():
        loss_ref[...] += m2sum


def _argmin_distances(zt, e2, zz, ee):
    rows = zt.shape[1]
    grid = rows // BLK
    return pl.pallas_call(
        _vq_tc_kernel,
        grid=(grid,),
        in_specs=[
            pl.BlockSpec((K, D), lambda i: (0, 0)),
            pl.BlockSpec((D, BLK), lambda i: (0, i)),
            pl.BlockSpec((1, BLK), lambda i: (0, i)),
            pl.BlockSpec((K, 1), lambda i: (0, 0)),
        ],
        out_specs=[
            pl.BlockSpec((1, 1, BLK), lambda i: (i, 0, 0)),
            pl.BlockSpec((1, 1), lambda i: (0, 0)),
        ],
        out_shape=[
            jax.ShapeDtypeStruct((grid, 1, BLK), jnp.int32),
            jax.ShapeDtypeStruct((1, 1), jnp.float32),
        ],
    )(e2, zt, zz, ee)


def _gather_codebook(epad, indices):
    num_indices = indices.shape[0]
    w = 256
    mesh = plsc.VectorSubcoreMesh(core_axis_name="core",
                                  subcore_axis_name="subcore")
    idx2 = indices.reshape(1, num_indices)

    @functools.partial(
        pl.kernel,
        out_type=jax.ShapeDtypeStruct((num_indices, 2 * D), epad.dtype),
        mesh=mesh)
    def k(e_hbm, i_hbm, o_hbm):
        def body(i_vmem, o_vmem):
            pltpu.sync_copy(e_hbm.at[i_vmem.at[0]], o_vmem)

        pltpu.emit_pipeline(
            body,
            grid=(num_indices // w,),
            in_specs=[pl.BlockSpec((1, w), index_map=lambda i: (0, i))],
            out_specs=[pl.BlockSpec((w, 2 * D), index_map=lambda i: (i, 0))],
            core_axis_name=("core", "subcore"),
            dimension_semantics=(pltpu.PARALLEL,),
        )(i_hbm, o_hbm)

    return k(epad, idx2)


def kernel(z, e):
    zz = jnp.sum(z * z, axis=1)[None, :]
    ee = jnp.sum(e * e, axis=1, keepdims=True)
    zt = z.T
    e2 = -2.0 * e
    epad = jnp.concatenate([e, jnp.zeros((K, D), e.dtype)], axis=1)
    idx3, loss_sum = _argmin_distances(zt, e2, zz, ee)
    min_indices = idx3.reshape(N)
    zq = _gather_codebook(epad, min_indices)[:, :D]
    commit_loss = loss_sum[0, 0] / (N * D)
    return zq, min_indices, commit_loss

# --- scband reference (transcript-rebuilt; emitter-appended) ---
"""Pipeline reference for scband-quantizer-19018115187057 (READ-ONLY COPY).

The authoritative reference and input builder live on the scoring server;
editing this copy changes nothing except your own understanding.
"""

import jax, jax.numpy as jnp
import numpy as np


def setup_inputs(seed: int = 0) -> dict:
    key = jax.random.key(seed)
    k1, k2 = jax.random.split(key)
    z = jax.random.normal(k1, (18432, 64), dtype=jnp.float32)
    e = jax.random.normal(k2, (1024, 64), dtype=jnp.float32)
    return {"z": z, "e": e}


def reference(z, e):
    # torch.cdist(z, e) with p=2: pairwise Euclidean distances [N, K]
    d2 = (
        jnp.sum(z * z, axis=1, keepdims=True)
        - 2.0 * (z @ e.T)
        + jnp.sum(e * e, axis=1)[None, :]
    )
    distances = jnp.sqrt(jnp.maximum(d2, 0.0))
    min_indices = jnp.argmin(distances, axis=1)
    z_q = jnp.take(e, min_indices, axis=0)
    commit_loss = jnp.mean((z - z_q) ** 2)
    # quantize=True branch, T defaults to 0 (no quant_temp kwarg)
    T = 0.0
    ze = z
    z_new = z + (1.0 - T) * jax.lax.stop_gradient(z_q - z)
    zq = z_new
    return (zq, min_indices, commit_loss)

if __name__ == "__main__":
    import jax
    _d = setup_inputs()
    print(jax.jit(kernel)(*tuple(_d.values())))

</pallas_src>

<mosaic_0001>
#map = affine_map<(d0, d1) -> (0, 0)>
module attributes {stable_mosaic.version = 14 : i64} {
  func.func @k(%arg0: i32, %arg1: i32, %arg2: memref<1024x128xf32, #tpu.memory_space<hbm>>, %arg3: memref<1x18432xi32, #tpu.memory_space<hbm>>, %arg4: memref<18432x128xf32, #tpu.memory_space<hbm>>) attributes {dimension_semantics = [#tpu.dimension_semantics<core_parallel>, #tpu.dimension_semantics<subcore_parallel>], iteration_bounds = array<i64: 2, 16>, scalar_prefetch = 0 : i64, scratch_operands = 0 : i64, tpu.core_type = #tpu.core_type<sc_vector_subcore>, window_params = [{transform_indices = #map}, {transform_indices = #map}, {transform_indices = #map}]} {
    %mul3A = arith.constant 1 : i32
    %mul3A_0 = arith.muli %arg1, %mul3A : i32
    %add3A = arith.constant 0 : i32
    %add3A_1 = arith.addi %add3A, %mul3A_0 : i32
    %mul3A_2 = arith.constant 16 : i32
    %mul3A_3 = arith.muli %arg0, %mul3A_2 : i32
    %add3A_4 = arith.addi %add3A_1, %mul3A_3 : i32
    %lt3A = arith.constant 8 : i32
    %lt3A_5 = arith.cmpi slt, %add3A_4, %lt3A : i32
    %jit3A = arith.constant 3 : i32
    %jit3A_6 = arith.constant 2 : i32
    %select_n3A = arith.select %lt3A_5, %jit3A, %jit3A_6 : i32
    %lt3A_7 = arith.constant 8 : i32
    %lt3A_8 = arith.cmpi slt, %add3A_4, %lt3A_7 : i32
    %mul3A_9 = arith.muli %add3A_4, %select_n3A : i32
    %mul3A_10 = arith.constant 2 : i32
    %mul3A_11 = arith.muli %add3A_4, %mul3A_10 : i32
    %add3A_12 = arith.constant 8 : i32
    %add3A_13 = arith.addi %mul3A_11, %add3A_12 : i32
    %select_n3A_14 = arith.select %lt3A_8, %mul3A_9, %add3A_13 : i32
    %mul3A_15 = arith.constant 1 : i32
    %mul3A_16 = arith.muli %mul3A_15, %select_n3A : i32
    "tpu.region"() ({
      %run_scoped3A = memref.alloca() : memref<2x1x256xi32, #tpu.memory_space<vmem>>
      %run_scoped3A_17 = tpu.sem_alloc : memref<2x!tpu.dma_semaphore, #tpu.memory_space<semaphore_mem>>
      %run_scoped3A_18 = memref.alloca() : memref<2x256x128xf32, #tpu.memory_space<vmem>>
      %run_scoped3A_19 = tpu.sem_alloc : memref<2x!tpu.dma_semaphore, #tpu.memory_space<semaphore_mem>>
      %gt3A = arith.constant 0 : i32
      %gt3A_20 = arith.cmpi sgt, %mul3A_16, %gt3A : i32
      %convert_element_type3A = arith.extui %gt3A_20 : i1 to i32
      %cond3A = arith.constant 0 : i32
      %cond3A_21 = arith.cmpi ne, %convert_element_type3A, %cond3A : i32
      scf.if %cond3A_21 {
        %mul3A_22 = arith.constant 1 : i32
        %mul3A_23 = arith.muli %mul3A_22, %select_n3A : i32
        %sub3A = arith.constant 1 : i32
        %sub3A_24 = arith.subi %mul3A_23, %sub3A : i32
        %eq3A = arith.constant 0 : i32
        %eq3A_25 = arith.cmpi eq, %sub3A_24, %eq3A : i32
        %add3A_26 = arith.constant 0 : i32
        %add3A_27 = arith.addi %add3A_26, %select_n3A_14 : i32
        %select_n3A_28 = arith.constant true
        %select_n3A_29 = arith.constant 0 : i32
        %select_n3A_30 = arith.constant -1 : i32
        %select_n3A_31 = arith.select %select_n3A_28, %select_n3A_30, %select_n3A_29 : i32
        %eq3A_32 = arith.constant -1 : i32
        %eq3A_33 = arith.cmpi eq, %select_n3A_31, %eq3A_32 : i32
        %sub3A_34 = arith.constant 1 : i32
        %sub3A_35 = arith.subi %select_n3A, %sub3A_34 : i32
        %select_n3A_36 = arith.select %eq3A_33, %sub3A_35, %select_n3A_31 : i32
        %add3A_37 = arith.addi %select_n3A_36, %select_n3A_14 : i32
        %select_n3A_38 = arith.constant true
        %select_n3A_39 = arith.constant 0 : i32
        %select_n3A_40 = arith.constant 1 : i32
        %select_n3A_41 = arith.select %select_n3A_38, %select_n3A_40, %select_n3A_39 : i32
        %eq3A_42 = arith.cmpi eq, %select_n3A_41, %select_n3A : i32
        %select_n3A_43 = arith.constant 0 : i32
        %select_n3A_44 = arith.select %eq3A_42, %select_n3A_43, %select_n3A_41 : i32
        %add3A_45 = arith.addi %select_n3A_44, %select_n3A_14 : i32
        %add3A_46 = arith.constant 1 : i32
        %add3A_47 = arith.addi %select_n3A_44, %add3A_46 : i32
        %select_n3A_48 = arith.constant true
        %select_n3A_49 = arith.select %select_n3A_48, %add3A_47, %select_n3A_44 : i32
        %eq3A_50 = arith.cmpi eq, %select_n3A_49, %select_n3A : i32
        %select_n3A_51 = arith.constant 0 : i32
        %select_n3A_52 = arith.select %eq3A_50, %select_n3A_51, %select_n3A_49 : i32
        %add3A_53 = arith.addi %select_n3A_52, %select_n3A_14 : i32
        "tpu.trace_start"() <{level = 10 : i32, message = "ep_initialize_0"}> : () -> ()
        %rem3A = arith.constant 0 : i32
        %rem3A_54 = arith.constant 2 : i32
        %rem3A_55 = arith.remui %rem3A, %rem3A_54 : i32
        %mul3A_56 = arith.constant 256 : i32
        %mul3A_57 = arith.muli %mul3A_56, %add3A_27 : i32
        %dma_start3A = arith.constant 0 : i32
        %dma_start3A_58 = arith.constant 0 : i32
        %dma_start3A_59 = tpu.memref_slice %run_scoped3A[%rem3A_55, %dma_start3A, %dma_start3A_58] : memref<2x1x256xi32, #tpu.memory_space<vmem>> -> memref<1x1x256xi32, #tpu.memory_space<vmem>>
        %dma_start3A_60 = tpu.memref_squeeze %dma_start3A_59 : memref<1x1x256xi32, #tpu.memory_space<vmem>> -> memref<1x256xi32, #tpu.memory_space<vmem>>
        %dma_start3A_61 = arith.constant 0 : i32
        %dma_start3A_62 = tpu.memref_slice %arg3[%dma_start3A_61, %mul3A_57] : memref<1x18432xi32, #tpu.memory_space<hbm>> -> memref<1x256xi32, #tpu.memory_space<hbm>>
        %dma_start3A_63 = tpu.memref_slice %run_scoped3A_17[%rem3A_55] : memref<2x!tpu.dma_semaphore, #tpu.memory_space<semaphore_mem>> -> memref<1x!tpu.dma_semaphore, #tpu.memory_space<semaphore_mem>>
        %dma_start3A_64 = tpu.memref_squeeze %dma_start3A_63 : memref<1x!tpu.dma_semaphore, #tpu.memory_space<semaphore_mem>> -> memref<!tpu.dma_semaphore, #tpu.memory_space<semaphore_mem>>
        %dma_start3A_65 = arith.constant 0 : i32
        %dma_start3A_66 = arith.constant 0 : i32
        %dma_start3A_67 = tpu.memref_slice %run_scoped3A[%rem3A_55, %dma_start3A_65, %dma_start3A_66] : memref<2x1x256xi32, #tpu.memory_space<vmem>> -> memref<1x1x256xi32, #tpu.memory_space<vmem>>
        %dma_start3A_68 = tpu.memref_squeeze %dma_start3A_67 : memref<1x1x256xi32, #tpu.memory_space<vmem>> -> memref<1x256xi32, #tpu.memory_space<vmem>>
        %dma_start3A_69 = arith.constant 0 : i32
        %dma_start3A_70 = tpu.memref_slice %arg3[%dma_start3A_69, %mul3A_57] : memref<1x18432xi32, #tpu.memory_space<hbm>> -> memref<1x256xi32, #tpu.memory_space<hbm>>
        tpu.enqueue_dma source(%dma_start3A_70 : memref<1x256xi32, #tpu.memory_space<hbm>>) target(%dma_start3A_68 : memref<1x256xi32, #tpu.memory_space<vmem>>) target_semaphore(%dma_start3A_64 : memref<!tpu.dma_semaphore, #tpu.memory_space<semaphore_mem>>)
        %add3A_71 = arith.constant 0 : i32
        %add3A_72 = arith.constant 1 : i32
        %add3A_73 = arith.addi %add3A_71, %add3A_72 : i32
        %select_n3A_74 = arith.constant true
        %select_n3A_75 = arith.constant 0 : i32
        %select_n3A_76 = arith.select %select_n3A_74, %add3A_73, %select_n3A_75 : i32
        %while3A = arith.constant 0 : i32
        %while3A_77 = arith.constant 0 : i32
        %while3A_78 = arith.constant 0 : i32
        %while3A_79 = arith.constant 0 : i32
        %while3A_80 = arith.constant 0 : i32
        "tpu.trace_stop"() : () -> ()
        %while3A_81 = arith.subi %mul3A_16, %while3A : i32
        %while3A_82 = arith.addi %while3A, %while3A_81 : i32
        %while3A_83 = arith.constant 1 : i32
        %while3A_84 = arith.divsi %while3A_81, %while3A_83 : i32
        %while3A_85 = arith.muli %while3A_84, %while3A_83 : i32
        %while3A_86 = arith.addi %while3A, %while3A_85 : i32
        %while3A_87 = arith.constant 1 : i32
        %while3A_88:5 = scf.for %while3A_142 = %while3A to %while3A_86 step %while3A_87 iter_args(%while3A_143 = %select_n3A_76, %while3A_144 = %while3A_77, %while3A_145 = %while3A_78, %while3A_146 = %while3A_79, %while3A_147 = %while3A_80) -> (i32, i32, i32, i32, i32)  : i32 {
          %mul3A_148 = arith.constant 1 : i32
          %mul3A_149 = arith.muli %mul3A_148, %select_n3A : i32
          %eq3A_150 = arith.constant 0 : i32
          %eq3A_151 = arith.cmpi eq, %while3A_142, %eq3A_150 : i32
          %sub3A_152 = arith.constant 1 : i32
          %sub3A_153 = arith.subi %mul3A_149, %sub3A_152 : i32
          %eq3A_154 = arith.cmpi eq, %while3A_142, %sub3A_153 : i32
          %add3A_155 = arith.addi %while3A_147, %select_n3A_14 : i32
          %sub3A_156 = arith.constant 1 : i32
          %sub3A_157 = arith.subi %while3A_147, %sub3A_156 : i32
          %select_n3A_158 = arith.constant true
          %select_n3A_159 = arith.select %select_n3A_158, %sub3A_157, %while3A_147 : i32
          %eq3A_160 = arith.constant -1 : i32
          %eq3A_161 = arith.cmpi eq, %select_n3A_159, %eq3A_160 : i32
          %sub3A_162 = arith.constant 1 : i32
          %sub3A_163 = arith.subi %select_n3A, %sub3A_162 : i32
          %select_n3A_164 = arith.select %eq3A_161, %sub3A_163, %select_n3A_159 : i32
          %add3A_165 = arith.addi %select_n3A_164, %select_n3A_14 : i32
          %add3A_166 = arith.constant 1 : i32
          %add3A_167 = arith.addi %while3A_147, %add3A_166 : i32
          %select_n3A_168 = arith.constant true
          %select_n3A_169 = arith.select %select_n3A_168, %add3A_167, %while3A_147 : i32
          %eq3A_170 = arith.cmpi eq, %select_n3A_169, %select_n3A : i32
          %select_n3A_171 = arith.constant 0 : i32
          %select_n3A_172 = arith.select %eq3A_170, %select_n3A_171, %select_n3A_169 : i32
          %add3A_173 = arith.addi %select_n3A_172, %select_n3A_14 : i32
          %add3A_174 = arith.constant 1 : i32
          %add3A_175 = arith.addi %select_n3A_172, %add3A_174 : i32
          %select_n3A_176 = arith.constant true
          %select_n3A_177 = arith.select %select_n3A_176, %add3A_175, %select_n3A_172 : i32
          %eq3A_178 = arith.cmpi eq, %select_n3A_177, %select_n3A : i32
          %select_n3A_179 = arith.constant 0 : i32
          %select_n3A_180 = arith.select %eq3A_178, %select_n3A_179, %select_n3A_177 : i32
          %add3A_181 = arith.addi %select_n3A_180, %select_n3A_14 : i32
          %ne3A = arith.cmpi ne, %add3A_155, %add3A_173 : i32
          %or3A = arith.constant false
          %or3A_182 = arith.ori %or3A, %ne3A : i1
          %sub3A_183 = arith.constant 2 : i32
          %sub3A_184 = arith.subi %mul3A_149, %sub3A_183 : i32
          %add3A_185 = arith.constant 1 : i32
          %add3A_186 = arith.addi %sub3A_184, %add3A_185 : i32
          %ge3A = arith.cmpi sge, %while3A_142, %add3A_186 : i32
          %not3A = arith.constant true
          %not3A_187 = arith.xori %ge3A, %not3A : i1
          %and3A = arith.andi %or3A_182, %not3A_187 : i1
          %convert_element_type3A_188 = arith.extui %and3A : i1 to i32
          %cond3A_189 = arith.constant 0 : i32
          %cond3A_190 = arith.cmpi ne, %convert_element_type3A_188, %cond3A_189 : i32
          scf.if %cond3A_190 {
            "tpu.trace_start"() <{level = 10 : i32, message = "ep_copy_in"}> : () -> ()
            %rem3A_294 = arith.constant 2 : i32
            %rem3A_295 = arith.remui %while3A_143, %rem3A_294 : i32
            %mul3A_296 = arith.constant 256 : i32
            %mul3A_297 = arith.muli %mul3A_296, %add3A_173 : i32
            %dma_start3A_298 = arith.constant 0 : i32
            %dma_start3A_299 = arith.constant 0 : i32
            %dma_start3A_300 = tpu.memref_slice %run_scoped3A[%rem3A_295, %dma_start3A_298, %dma_start3A_299] : memref<2x1x256xi32, #tpu.memory_space<vmem>> -> memref<1x1x256xi32, #tpu.memory_space<vmem>>
            %dma_start3A_301 = tpu.memref_squeeze %dma_start3A_300 : memref<1x1x256xi32, #tpu.memory_space<vmem>> -> memref<1x256xi32, #tpu.memory_space<vmem>>
            %dma_start3A_302 = arith.constant 0 : i32
            %dma_start3A_303 = tpu.memref_slice %arg3[%dma_start3A_302, %mul3A_297] : memref<1x18432xi32, #tpu.memory_space<hbm>> -> memref<1x256xi32, #tpu.memory_space<hbm>>
            %dma_start3A_304 = tpu.memref_slice %run_scoped3A_17[%rem3A_295] : memref<2x!tpu.dma_semaphore, #tpu.memory_space<semaphore_mem>> -> memref<1x!tpu.dma_semaphore, #tpu.memory_space<semaphore_mem>>
            %dma_start3A_305 = tpu.memref_squeeze %dma_start3A_304 : memref<1x!tpu.dma_semaphore, #tpu.memory_space<semaphore_mem>> -> memref<!tpu.dma_semaphore, #tpu.memory_space<semaphore_mem>>
            %dma_start3A_306 = arith.constant 0 : i32
            %dma_start3A_307 = arith.constant 0 : i32
            %dma_start3A_308 = tpu.memref_slice %run_scoped3A[%rem3A_295, %dma_start3A_306, %dma_start3A_307] : memref<2x1x256xi32, #tpu.memory_space<vmem>> -> memref<1x1x256xi32, #tpu.memory_space<vmem>>
            %dma_start3A_309 = tpu.memref_squeeze %dma_start3A_308 : memref<1x1x256xi32, #tpu.memory_space<vmem>> -> memref<1x256xi32, #tpu.memory_space<vmem>>
            %dma_start3A_310 = arith.constant 0 : i32
            %dma_start3A_311 = tpu.memref_slice %arg3[%dma_start3A_310, %mul3A_297] : memref<1x18432xi32, #tpu.memory_space<hbm>> -> memref<1x256xi32, #tpu.memory_space<hbm>>
            tpu.enqueue_dma source(%dma_start3A_311 : memref<1x256xi32, #tpu.memory_space<hbm>>) target(%dma_start3A_309 : memref<1x256xi32, #tpu.memory_space<vmem>>) target_semaphore(%dma_start3A_305 : memref<!tpu.dma_semaphore, #tpu.memory_space<semaphore_mem>>)
            "tpu.trace_stop"() : () -> ()
          } else {
          }
          %and3A_191 = arith.constant true
          %and3A_192 = arith.andi %and3A, %and3A_191 : i1
          %add3A_193 = arith.constant 1 : i32
          %add3A_194 = arith.addi %while3A_143, %add3A_193 : i32
          %select_n3A_195 = arith.select %and3A_192, %add3A_194, %while3A_143 : i32
          %ne3A_196 = arith.cmpi ne, %add3A_155, %add3A_173 : i32
          %or3A_197 = arith.constant false
          %or3A_198 = arith.ori %or3A_197, %ne3A_196 : i1
          %or3A_199 = arith.constant false
          %or3A_200 = arith.ori %or3A_198, %or3A_199 : i1
          %sub3A_201 = arith.constant 2 : i32
          %sub3A_202 = arith.subi %mul3A_149, %sub3A_201 : i32
          %add3A_203 = arith.constant 1 : i32
          %add3A_204 = arith.addi %sub3A_202, %add3A_203 : i32
          %ge3A_205 = arith.cmpi sge, %while3A_142, %add3A_204 : i32
          %not3A_206 = arith.constant true
          %not3A_207 = arith.xori %ge3A_205, %not3A_206 : i1
          %and3A_208 = arith.andi %or3A_200, %not3A_207 : i1
          %ne3A_209 = arith.cmpi ne, %add3A_155, %add3A_165 : i32
          %or3A_210 = arith.constant false
          %or3A_211 = arith.ori %or3A_210, %ne3A_209 : i1
          %or3A_212 = arith.ori %or3A_211, %eq3A_151 : i1
          %convert_element_type3A_213 = arith.extui %or3A_212 : i1 to i32
          %cond3A_214 = arith.constant 0 : i32
          %cond3A_215 = arith.cmpi ne, %convert_element_type3A_213, %cond3A_214 : i32
          scf.if %cond3A_215 {
            "tpu.trace_start"() <{level = 10 : i32, message = "ep_wait_in"}> : () -> ()
            %mul3A_294 = arith.constant 256 : i32
            %mul3A_295 = arith.muli %mul3A_294, %add3A_155 : i32
            %rem3A_296 = arith.constant 2 : i32
            %rem3A_297 = arith.remui %while3A_144, %rem3A_296 : i32
            %dma_wait3A = arith.constant 0 : i32
            %dma_wait3A_298 = arith.constant 0 : i32
            %dma_wait3A_299 = tpu.memref_slice %run_scoped3A[%rem3A_297, %dma_wait3A, %dma_wait3A_298] : memref<2x1x256xi32, #tpu.memory_space<vmem>> -> memref<1x1x256xi32, #tpu.memory_space<vmem>>
            %dma_wait3A_300 = tpu.memref_squeeze %dma_wait3A_299 : memref<1x1x256xi32, #tpu.memory_space<vmem>> -> memref<1x256xi32, #tpu.memory_space<vmem>>
            %dma_wait3A_301 = arith.constant 0 : i32
            %dma_wait3A_302 = tpu.memref_slice %arg3[%dma_wait3A_301, %mul3A_295] : memref<1x18432xi32, #tpu.memory_space<hbm>> -> memref<1x256xi32, #tpu.memory_space<hbm>>
            %dma_wait3A_303 = tpu.memref_slice %run_scoped3A_17[%rem3A_297] : memref<2x!tpu.dma_semaphore, #tpu.memory_space<semaphore_mem>> -> memref<1x!tpu.dma_semaphore, #tpu.memory_space<semaphore_mem>>
            %dma_wait3A_304 = tpu.memref_squeeze %dma_wait3A_303 : memref<1x!tpu.dma_semaphore, #tpu.memory_space<semaphore_mem>> -> memref<!tpu.dma_semaphore, #tpu.memory_space<semaphore_mem>>
            %dma_wait3A_305 = arith.constant 0 : i32
            %dma_wait3A_306 = arith.constant 0 : i32
            %dma_wait3A_307 = tpu.memref_slice %run_scoped3A[%rem3A_297, %dma_wait3A_305, %dma_wait3A_306] : memref<2x1x256xi32, #tpu.memory_space<vmem>> -> memref<1x1x256xi32, #tpu.memory_space<vmem>>
            %dma_wait3A_308 = tpu.memref_squeeze %dma_wait3A_307 : memref<1x1x256xi32, #tpu.memory_space<vmem>> -> memref<1x256xi32, #tpu.memory_space<vmem>>
            %dma_wait3A_309 = arith.constant 0 : i32
            %dma_wait3A_310 = tpu.memref_slice %arg3[%dma_wait3A_309, %mul3A_295] : memref<1x18432xi32, #tpu.memory_space<hbm>> -> memref<1x256xi32, #tpu.memory_space<hbm>>
            tpu.wait_dma2 semaphore(%dma_wait3A_304 : memref<!tpu.dma_semaphore, #tpu.memory_space<semaphore_mem>>) src(%dma_wait3A_310 : memref<1x256xi32, #tpu.memory_space<hbm>>) dst(%dma_wait3A_308 : memref<1x256xi32, #tpu.memory_space<vmem>>)
            "tpu.trace_stop"() : () -> ()
          } else {
          }
          %ne3A_216 = arith.cmpi ne, %add3A_155, %add3A_165 : i32
          %or3A_217 = arith.constant false
          %or3A_218 = arith.ori %or3A_217, %ne3A_216 : i1
          %or3A_219 = arith.constant false
          %or3A_220 = arith.ori %or3A_218, %or3A_219 : i1
          %or3A_221 = arith.ori %or3A_220, %eq3A_151 : i1
          %convert_element_type3A_222 = arith.extui %or3A_221 : i1 to i32
          %cond3A_223 = arith.constant 0 : i32
          %cond3A_224 = arith.cmpi ne, %convert_element_type3A_222, %cond3A_223 : i32
          scf.if %cond3A_224 {
          } else {
          }
          %rem3A_225 = arith.constant 2 : i32
          %rem3A_226 = arith.remui %while3A_144, %rem3A_225 : i32
          %rem3A_227 = arith.constant 2 : i32
          %rem3A_228 = arith.remui %while3A_145, %rem3A_227 : i32
          %run_scoped3A_229 = arith.constant 0 : i32
          "tpu.trace_start"() <{level = 10 : i32, message = "ep_run_kernel"}> : () -> ()
          "tpu.region"() ({
            %run_scoped3A_294 = tpu.sem_alloc : memref<!tpu.dma_semaphore, #tpu.memory_space<semaphore_mem>>
            %dma_start3A_295 = arith.constant 0 : i32
            %dma_start3A_296 = arith.constant 0 : i32
            %dma_start3A_297 = tpu.memref_slice %run_scoped3A_18[%rem3A_228, %dma_start3A_295, %dma_start3A_296] : memref<2x256x128xf32, #tpu.memory_space<vmem>> -> memref<1x256x128xf32, #tpu.memory_space<vmem>>
            %dma_start3A_298 = tpu.memref_squeeze %dma_start3A_297 : memref<1x256x128xf32, #tpu.memory_space<vmem>> -> memref<256x128xf32, #tpu.memory_space<vmem>>
            %dma_start3A_299 = arith.constant 0 : i32
            %dma_start3A_300 = arith.constant 0 : i32
            %dma_start3A_301 = tpu.memref_slice %run_scoped3A[%rem3A_226, %dma_start3A_299, %dma_start3A_300] : memref<2x1x256xi32, #tpu.memory_space<vmem>> -> memref<1x1x256xi32, #tpu.memory_space<vmem>>
            %dma_start3A_302 = tpu.memref_squeeze %dma_start3A_301 : memref<1x1x256xi32, #tpu.memory_space<vmem>> -> memref<1x256xi32, #tpu.memory_space<vmem>>
            %dma_start3A_303 = arith.constant 0 : i32
            %dma_start3A_304 = tpu.memref_slice %dma_start3A_302[%run_scoped3A_229, %dma_start3A_303] : memref<1x256xi32, #tpu.memory_space<vmem>> -> memref<1x256xi32, #tpu.memory_space<vmem>>
            %dma_start3A_305 = tpu.memref_squeeze %dma_start3A_304 : memref<1x256xi32, #tpu.memory_space<vmem>> -> memref<256xi32, #tpu.memory_space<vmem>>
            %dma_start3A_306 = arith.constant 0 : i32
            %dma_start3A_307 = arith.constant 0 : i32
            %dma_start3A_308 = tpu.memref_slice %arg2[%dma_start3A_306, %dma_start3A_307] : memref<1024x128xf32, #tpu.memory_space<hbm>> -> memref<1024x128xf32, #tpu.memory_space<hbm>>
            tpu.enqueue_indirect_dma source(%dma_start3A_308 : memref<1024x128xf32, #tpu.memory_space<hbm>>) target(%dma_start3A_298 : memref<256x128xf32, #tpu.memory_space<vmem>>) offsets(%dma_start3A_305 : memref<256xi32, #tpu.memory_space<vmem>>) semaphore(%run_scoped3A_294 : memref<!tpu.dma_semaphore, #tpu.memory_space<semaphore_mem>>)
            %dma_wait3A = arith.constant 0 : i32
            %dma_wait3A_309 = arith.constant 0 : i32
            %dma_wait3A_310 = tpu.memref_slice %run_scoped3A_18[%rem3A_228, %dma_wait3A, %dma_wait3A_309] : memref<2x256x128xf32, #tpu.memory_space<vmem>> -> memref<1x256x128xf32, #tpu.memory_space<vmem>>
            %dma_wait3A_311 = tpu.memref_squeeze %dma_wait3A_310 : memref<1x256x128xf32, #tpu.memory_space<vmem>> -> memref<256x128xf32, #tpu.memory_space<vmem>>
            %dma_wait3A_312 = arith.constant 0 : i32
            %dma_wait3A_313 = arith.constant 0 : i32
            %dma_wait3A_314 = tpu.memref_slice %run_scoped3A[%rem3A_226, %dma_wait3A_312, %dma_wait3A_313] : memref<2x1x256xi32, #tpu.memory_space<vmem>> -> memref<1x1x256xi32, #tpu.memory_space<vmem>>
            %dma_wait3A_315 = tpu.memref_squeeze %dma_wait3A_314 : memref<1x1x256xi32, #tpu.memory_space<vmem>> -> memref<1x256xi32, #tpu.memory_space<vmem>>
            %dma_wait3A_316 = arith.constant 0 : i32
            %dma_wait3A_317 = tpu.memref_slice %dma_wait3A_315[%run_scoped3A_229, %dma_wait3A_316] : memref<1x256xi32, #tpu.memory_space<vmem>> -> memref<1x256xi32, #tpu.memory_space<vmem>>
            %dma_wait3A_318 = tpu.memref_squeeze %dma_wait3A_317 : memref<1x256xi32, #tpu.memory_space<vmem>> -> memref<256xi32, #tpu.memory_space<vmem>>
            %dma_wait3A_319 = arith.constant 0 : i32
            %dma_wait3A_320 = arith.constant 0 : i32
            %dma_wait3A_321 = tpu.memref_slice %arg2[%dma_wait3A_319, %dma_wait3A_320] : memref<1024x128xf32, #tpu.memory_space<hbm>> -> memref<1024x128xf32, #tpu.memory_space<hbm>>
            tpu.wait_indirect_dma semaphore(%run_scoped3A_294 : memref<!tpu.dma_semaphore, #tpu.memory_space<semaphore_mem>>) src(%dma_wait3A_321 : memref<1024x128xf32, #tpu.memory_space<hbm>>) dst(%dma_wait3A_311 : memref<256x128xf32, #tpu.memory_space<vmem>>)
            tpu.yield
          }) : () -> ()
          "tpu.trace_stop"() : () -> ()
          %ne3A_230 = arith.cmpi ne, %add3A_155, %add3A_173 : i32
          %or3A_231 = arith.constant false
          %or3A_232 = arith.ori %or3A_231, %ne3A_230 : i1
          %or3A_233 = arith.ori %or3A_232, %eq3A_154 : i1
          %convert_element_type3A_234 = arith.extui %or3A_233 : i1 to i32
          %cond3A_235 = arith.constant 0 : i32
          %cond3A_236 = arith.cmpi ne, %convert_element_type3A_234, %cond3A_235 : i32
          scf.if %cond3A_236 {
          } else {
          }
          %and3A_237 = arith.constant false
          %and3A_238 = arith.andi %or3A_233, %and3A_237 : i1
          %ne3A_239 = arith.cmpi ne, %add3A_155, %add3A_173 : i32
          %or3A_240 = arith.constant false
          %or3A_241 = arith.ori %or3A_240, %ne3A_239 : i1
          %or3A_242 = arith.constant false
          %or3A_243 = arith.ori %or3A_241, %or3A_242 : i1
          %or3A_244 = arith.ori %or3A_243, %eq3A_154 : i1
          %convert_element_type3A_245 = arith.extui %or3A_244 : i1 to i32
          %cond3A_246 = arith.constant 0 : i32
          %cond3A_247 = arith.cmpi ne, %convert_element_type3A_245, %cond3A_246 : i32
          scf.if %cond3A_247 {
            "tpu.trace_start"() <{level = 10 : i32, message = "ep_copy_out"}> : () -> ()
            %rem3A_294 = arith.constant 2 : i32
            %rem3A_295 = arith.remui %while3A_145, %rem3A_294 : i32
            %mul3A_296 = arith.constant 256 : i32
            %mul3A_297 = arith.muli %mul3A_296, %add3A_155 : i32
            %dma_start3A_298 = arith.constant 0 : i32
            %dma_start3A_299 = arith.constant 0 : i32
            %dma_start3A_300 = tpu.memref_slice %run_scoped3A_18[%rem3A_295, %dma_start3A_298, %dma_start3A_299] : memref<2x256x128xf32, #tpu.memory_space<vmem>> -> memref<1x256x128xf32, #tpu.memory_space<vmem>>
            %dma_start3A_301 = tpu.memref_squeeze %dma_start3A_300 : memref<1x256x128xf32, #tpu.memory_space<vmem>> -> memref<256x128xf32, #tpu.memory_space<vmem>>
            %dma_start3A_302 = arith.constant 0 : i32
            %dma_start3A_303 = tpu.memref_slice %arg4[%mul3A_297, %dma_start3A_302] : memref<18432x128xf32, #tpu.memory_space<hbm>> -> memref<256x128xf32, #tpu.memory_space<hbm>>
            %dma_start3A_304 = tpu.memref_slice %run_scoped3A_19[%rem3A_295] : memref<2x!tpu.dma_semaphore, #tpu.memory_space<semaphore_mem>> -> memref<1x!tpu.dma_semaphore, #tpu.memory_space<semaphore_mem>>
            %dma_start3A_305 = tpu.memref_squeeze %dma_start3A_304 : memref<1x!tpu.dma_semaphore, #tpu.memory_space<semaphore_mem>> -> memref<!tpu.dma_semaphore, #tpu.memory_space<semaphore_mem>>
            %dma_start3A_306 = arith.constant 0 : i32
            %dma_start3A_307 = tpu.memref_slice %arg4[%mul3A_297, %dma_start3A_306] : memref<18432x128xf32, #tpu.memory_space<hbm>> -> memref<256x128xf32, #tpu.memory_space<hbm>>
            %dma_start3A_308 = arith.constant 0 : i32
            %dma_start3A_309 = arith.constant 0 : i32
            %dma_start3A_310 = tpu.memref_slice %run_scoped3A_18[%rem3A_295, %dma_start3A_308, %dma_start3A_309] : memref<2x256x128xf32, #tpu.memory_space<vmem>> -> memref<1x256x128xf32, #tpu.memory_space<vmem>>
            %dma_start3A_311 = tpu.memref_squeeze %dma_start3A_310 : memref<1x256x128xf32, #tpu.memory_space<vmem>> -> memref<256x128xf32, #tpu.memory_space<vmem>>
            tpu.enqueue_dma source(%dma_start3A_311 : memref<256x128xf32, #tpu.memory_space<vmem>>) target(%dma_start3A_307 : memref<256x128xf32, #tpu.memory_space<hbm>>) target_semaphore(%dma_start3A_305 : memref<!tpu.dma_semaphore, #tpu.memory_space<semaphore_mem>>)
            "tpu.trace_stop"() : () -> ()
          } else {
          }
          %and3A_248 = arith.constant true
          %and3A_249 = arith.andi %or3A_244, %and3A_248 : i1
          %add3A_250 = arith.constant 1 : i32
          %add3A_251 = arith.addi %while3A_145, %add3A_250 : i32
          %select_n3A_252 = arith.select %and3A_249, %add3A_251, %while3A_145 : i32
          %ne3A_253 = arith.cmpi ne, %add3A_155, %add3A_165 : i32
          %or3A_254 = arith.constant false
          %or3A_255 = arith.ori %or3A_254, %ne3A_253 : i1
          %not3A_256 = arith.constant true
          %not3A_257 = arith.xori %eq3A_151, %not3A_256 : i1
          %and3A_258 = arith.andi %or3A_255, %not3A_257 : i1
          %convert_element_type3A_259 = arith.extui %and3A_258 : i1 to i32
          %cond3A_260 = arith.constant 0 : i32
          %cond3A_261 = arith.cmpi ne, %convert_element_type3A_259, %cond3A_260 : i32
          scf.if %cond3A_261 {
          } else {
          }
          %and3A_262 = arith.constant false
          %and3A_263 = arith.andi %and3A_258, %and3A_262 : i1
          %ne3A_264 = arith.cmpi ne, %add3A_155, %add3A_165 : i32
          %or3A_265 = arith.constant false
          %or3A_266 = arith.ori %or3A_265, %ne3A_264 : i1
          %or3A_267 = arith.constant false
          %or3A_268 = arith.ori %or3A_266, %or3A_267 : i1
          %not3A_269 = arith.constant true
          %not3A_270 = arith.xori %eq3A_151, %not3A_269 : i1
          %and3A_271 = arith.andi %or3A_268, %not3A_270 : i1
          %convert_element_type3A_272 = arith.extui %and3A_271 : i1 to i32
          %cond3A_273 = arith.constant 0 : i32
          %cond3A_274 = arith.cmpi ne, %convert_element_type3A_272, %cond3A_273 : i32
          scf.if %cond3A_274 {
            "tpu.trace_start"() <{level = 10 : i32, message = "ep_wait_out"}> : () -> ()
            %rem3A_294 = arith.constant 2 : i32
            %rem3A_295 = arith.remui %while3A_146, %rem3A_294 : i32
            %mul3A_296 = arith.constant 256 : i32
            %mul3A_297 = arith.muli %mul3A_296, %add3A_165 : i32
            %dma_wait3A = arith.constant 0 : i32
            %dma_wait3A_298 = arith.constant 0 : i32
            %dma_wait3A_299 = tpu.memref_slice %run_scoped3A_18[%rem3A_295, %dma_wait3A, %dma_wait3A_298] : memref<2x256x128xf32, #tpu.memory_space<vmem>> -> memref<1x256x128xf32, #tpu.memory_space<vmem>>
            %dma_wait3A_300 = tpu.memref_squeeze %dma_wait3A_299 : memref<1x256x128xf32, #tpu.memory_space<vmem>> -> memref<256x128xf32, #tpu.memory_space<vmem>>
            %dma_wait3A_301 = arith.constant 0 : i32
            %dma_wait3A_302 = tpu.memref_slice %arg4[%mul3A_297, %dma_wait3A_301] : memref<18432x128xf32, #tpu.memory_space<hbm>> -> memref<256x128xf32, #tpu.memory_space<hbm>>
            %dma_wait3A_303 = tpu.memref_slice %run_scoped3A_19[%rem3A_295] : memref<2x!tpu.dma_semaphore, #tpu.memory_space<semaphore_mem>> -> memref<1x!tpu.dma_semaphore, #tpu.memory_space<semaphore_mem>>
            %dma_wait3A_304 = tpu.memref_squeeze %dma_wait3A_303 : memref<1x!tpu.dma_semaphore, #tpu.memory_space<semaphore_mem>> -> memref<!tpu.dma_semaphore, #tpu.memory_space<semaphore_mem>>
            %dma_wait3A_305 = arith.constant 0 : i32
            %dma_wait3A_306 = tpu.memref_slice %arg4[%mul3A_297, %dma_wait3A_305] : memref<18432x128xf32, #tpu.memory_space<hbm>> -> memref<256x128xf32, #tpu.memory_space<hbm>>
            %dma_wait3A_307 = arith.constant 0 : i32
            %dma_wait3A_308 = arith.constant 0 : i32
            %dma_wait3A_309 = tpu.memref_slice %run_scoped3A_18[%rem3A_295, %dma_wait3A_307, %dma_wait3A_308] : memref<2x256x128xf32, #tpu.memory_space<vmem>> -> memref<1x256x128xf32, #tpu.memory_space<vmem>>
            %dma_wait3A_310 = tpu.memref_squeeze %dma_wait3A_309 : memref<1x256x128xf32, #tpu.memory_space<vmem>> -> memref<256x128xf32, #tpu.memory_space<vmem>>
            tpu.wait_dma2 semaphore(%dma_wait3A_304 : memref<!tpu.dma_semaphore, #tpu.memory_space<semaphore_mem>>) src(%dma_wait3A_310 : memref<256x128xf32, #tpu.memory_space<vmem>>) dst(%dma_wait3A_306 : memref<256x128xf32, #tpu.memory_space<hbm>>)
            "tpu.trace_stop"() : () -> ()
          } else {
          }
          %and3A_275 = arith.constant true
          %and3A_276 = arith.andi %and3A_271, %and3A_275 : i1
          %add3A_277 = arith.constant 1 : i32
          %add3A_278 = arith.addi %while3A_146, %add3A_277 : i32
          %select_n3A_279 = arith.select %and3A_276, %add3A_278, %while3A_146 : i32
          %ne3A_280 = arith.cmpi ne, %add3A_155, %add3A_173 : i32
          %or3A_281 = arith.constant false
          %or3A_282 = arith.ori %or3A_281, %ne3A_280 : i1
          %or3A_283 = arith.ori %or3A_282, %eq3A_154 : i1
          %add3A_284 = arith.constant 1 : i32
          %add3A_285 = arith.addi %while3A_144, %add3A_284 : i32
          %select_n3A_286 = arith.select %or3A_283, %add3A_285, %while3A_144 : i32
          %add3A_287 = arith.constant 1 : i32
          %add3A_288 = arith.addi %while3A_147, %add3A_287 : i32
          %select_n3A_289 = arith.constant true
          %select_n3A_290 = arith.select %select_n3A_289, %add3A_288, %while3A_147 : i32
          %eq3A_291 = arith.cmpi eq, %select_n3A_290, %select_n3A : i32
          %select_n3A_292 = arith.constant 0 : i32
          %select_n3A_293 = arith.select %eq3A_291, %select_n3A_292, %select_n3A_290 : i32
          scf.yield %select_n3A_195, %select_n3A_286, %select_n3A_252, %select_n3A_279, %select_n3A_293 : i32, i32, i32, i32, i32
        }
        %while3A_89 = arith.constant 1 : i32
        %while3A_90:5 = scf.for %while3A_142 = %while3A_86 to %while3A_82 step %while3A_89 iter_args(%while3A_143 = %while3A_88#0, %while3A_144 = %while3A_88#1, %while3A_145 = %while3A_88#2, %while3A_146 = %while3A_88#3, %while3A_147 = %while3A_88#4) -> (i32, i32, i32, i32, i32)  : i32 {
          %mul3A_148 = arith.constant 1 : i32
          %mul3A_149 = arith.muli %mul3A_148, %select_n3A : i32
          %eq3A_150 = arith.constant 0 : i32
          %eq3A_151 = arith.cmpi eq, %while3A_142, %eq3A_150 : i32
          %sub3A_152 = arith.constant 1 : i32
          %sub3A_153 = arith.subi %mul3A_149, %sub3A_152 : i32
          %eq3A_154 = arith.cmpi eq, %while3A_142, %sub3A_153 : i32
          %add3A_155 = arith.addi %while3A_147, %select_n3A_14 : i32
          %sub3A_156 = arith.constant 1 : i32
          %sub3A_157 = arith.subi %while3A_147, %sub3A_156 : i32
          %select_n3A_158 = arith.constant true
          %select_n3A_159 = arith.select %select_n3A_158, %sub3A_157, %while3A_147 : i32
          %eq3A_160 = arith.constant -1 : i32
          %eq3A_161 = arith.cmpi eq, %select_n3A_159, %eq3A_160 : i32
          %sub3A_162 = arith.constant 1 : i32
          %sub3A_163 = arith.subi %select_n3A, %sub3A_162 : i32
          %select_n3A_164 = arith.select %eq3A_161, %sub3A_163, %select_n3A_159 : i32
          %add3A_165 = arith.addi %select_n3A_164, %select_n3A_14 : i32
          %add3A_166 = arith.constant 1 : i32
          %add3A_167 = arith.addi %while3A_147, %add3A_166 : i32
          %select_n3A_168 = arith.constant true
          %select_n3A_169 = arith.select %select_n3A_168, %add3A_167, %while3A_147 : i32
          %eq3A_170 = arith.cmpi eq, %select_n3A_169, %select_n3A : i32
          %select_n3A_171 = arith.constant 0 : i32
          %select_n3A_172 = arith.select %eq3A_170, %select_n3A_171, %select_n3A_169 : i32
          %add3A_173 = arith.addi %select_n3A_172, %select_n3A_14 : i32
          %add3A_174 = arith.constant 1 : i32
          %add3A_175 = arith.addi %select_n3A_172, %add3A_174 : i32
          %select_n3A_176 = arith.constant true
          %select_n3A_177 = arith.select %select_n3A_176, %add3A_175, %select_n3A_172 : i32
          %eq3A_178 = arith.cmpi eq, %select_n3A_177, %select_n3A : i32
          %select_n3A_179 = arith.constant 0 : i32
          %select_n3A_180 = arith.select %eq3A_178, %select_n3A_179, %select_n3A_177 : i32
          %add3A_181 = arith.addi %select_n3A_180, %select_n3A_14 : i32
          %ne3A = arith.cmpi ne, %add3A_155, %add3A_173 : i32
          %or3A = arith.constant false
          %or3A_182 = arith.ori %or3A, %ne3A : i1
          %sub3A_183 = arith.constant 2 : i32
          %sub3A_184 = arith.subi %mul3A_149, %sub3A_183 : i32
          %add3A_185 = arith.constant 1 : i32
          %add3A_186 = arith.addi %sub3A_184, %add3A_185 : i32
          %ge3A = arith.cmpi sge, %while3A_142, %add3A_186 : i32
          %not3A = arith.constant true
          %not3A_187 = arith.xori %ge3A, %not3A : i1
          %and3A = arith.andi %or3A_182, %not3A_187 : i1
          %convert_element_type3A_188 = arith.extui %and3A : i1 to i32
          %cond3A_189 = arith.constant 0 : i32
          %cond3A_190 = arith.cmpi ne, %convert_element_type3A_188, %cond3A_189 : i32
          scf.if %cond3A_190 {
            "tpu.trace_start"() <{level = 10 : i32, message = "ep_copy_in"}> : () -> ()
            %rem3A_294 = arith.constant 2 : i32
            %rem3A_295 = arith.remui %while3A_143, %rem3A_294 : i32
            %mul3A_296 = arith.constant 256 : i32
            %mul3A_297 = arith.muli %mul3A_296, %add3A_173 : i32
            %dma_start3A_298 = arith.constant 0 : i32
            %dma_start3A_299 = arith.constant 0 : i32
            %dma_start3A_300 = tpu.memref_slice %run_scoped3A[%rem3A_295, %dma_start3A_298, %dma_start3A_299] : memref<2x1x256xi32, #tpu.memory_space<vmem>> -> memref<1x1x256xi32, #tpu.memory_space<vmem>>
            %dma_start3A_301 = tpu.memref_squeeze %dma_start3A_300 : memref<1x1x256xi32, #tpu.memory_space<vmem>> -> memref<1x256xi32, #tpu.memory_space<vmem>>
            %dma_start3A_302 = arith.constant 0 : i32
            %dma_start3A_303 = tpu.memref_slice %arg3[%dma_start3A_302, %mul3A_297] : memref<1x18432xi32, #tpu.memory_space<hbm>> -> memref<1x256xi32, #tpu.memory_space<hbm>>
            %dma_start3A_304 = tpu.memref_slice %run_scoped3A_17[%rem3A_295] : memref<2x!tpu.dma_semaphore, #tpu.memory_space<semaphore_mem>> -> memref<1x!tpu.dma_semaphore, #tpu.memory_space<semaphore_mem>>
            %dma_start3A_305 = tpu.memref_squeeze %dma_start3A_304 : memref<1x!tpu.dma_semaphore, #tpu.memory_space<semaphore_mem>> -> memref<!tpu.dma_semaphore, #tpu.memory_space<semaphore_mem>>
            %dma_start3A_306 = arith.constant 0 : i32
            %dma_start3A_307 = arith.constant 0 : i32
            %dma_start3A_308 = tpu.memref_slice %run_scoped3A[%rem3A_295, %dma_start3A_306, %dma_start3A_307] : memref<2x1x256xi32, #tpu.memory_space<vmem>> -> memref<1x1x256xi32, #tpu.memory_space<vmem>>
            %dma_start3A_309 = tpu.memref_squeeze %dma_start3A_308 : memref<1x1x256xi32, #tpu.memory_space<vmem>> -> memref<1x256xi32, #tpu.memory_space<vmem>>
            %dma_start3A_310 = arith.constant 0 : i32
            %dma_start3A_311 = tpu.memref_slice %arg3[%dma_start3A_310, %mul3A_297] : memref<1x18432xi32, #tpu.memory_space<hbm>> -> memref<1x256xi32, #tpu.memory_space<hbm>>
            tpu.enqueue_dma source(%dma_start3A_311 : memref<1x256xi32, #tpu.memory_space<hbm>>) target(%dma_start3A_309 : memref<1x256xi32, #tpu.memory_space<vmem>>) target_semaphore(%dma_start3A_305 : memref<!tpu.dma_semaphore, #tpu.memory_space<semaphore_mem>>)
            "tpu.trace_stop"() : () -> ()
          } else {
          }
          %and3A_191 = arith.constant true
          %and3A_192 = arith.andi %and3A, %and3A_191 : i1
          %add3A_193 = arith.constant 1 : i32
          %add3A_194 = arith.addi %while3A_143, %add3A_193 : i32
          %select_n3A_195 = arith.select %and3A_192, %add3A_194, %while3A_143 : i32
          %ne3A_196 = arith.cmpi ne, %add3A_155, %add3A_173 : i32
          %or3A_197 = arith.constant false
          %or3A_198 = arith.ori %or3A_197, %ne3A_196 : i1
          %or3A_199 = arith.constant false
          %or3A_200 = arith.ori %or3A_198, %or3A_199 : i1
          %sub3A_201 = arith.constant 2 : i32
          %sub3A_202 = arith.subi %mul3A_149, %sub3A_201 : i32
          %add3A_203 = arith.constant 1 : i32
          %add3A_204 = arith.addi %sub3A_202, %add3A_203 : i32
          %ge3A_205 = arith.cmpi sge, %while3A_142, %add3A_204 : i32
          %not3A_206 = arith.constant true
          %not3A_207 = arith.xori %ge3A_205, %not3A_206 : i1
          %and3A_208 = arith.andi %or3A_200, %not3A_207 : i1
          %ne3A_209 = arith.cmpi ne, %add3A_155, %add3A_165 : i32
          %or3A_210 = arith.constant false
          %or3A_211 = arith.ori %or3A_210, %ne3A_209 : i1
          %or3A_212 = arith.ori %or3A_211, %eq3A_151 : i1
          %convert_element_type3A_213 = arith.extui %or3A_212 : i1 to i32
          %cond3A_214 = arith.constant 0 : i32
          %cond3A_215 = arith.cmpi ne, %convert_element_type3A_213, %cond3A_214 : i32
          scf.if %cond3A_215 {
            "tpu.trace_start"() <{level = 10 : i32, message = "ep_wait_in"}> : () -> ()
            %mul3A_294 = arith.constant 256 : i32
            %mul3A_295 = arith.muli %mul3A_294, %add3A_155 : i32
            %rem3A_296 = arith.constant 2 : i32
            %rem3A_297 = arith.remui %while3A_144, %rem3A_296 : i32
            %dma_wait3A = arith.constant 0 : i32
            %dma_wait3A_298 = arith.constant 0 : i32
            %dma_wait3A_299 = tpu.memref_slice %run_scoped3A[%rem3A_297, %dma_wait3A, %dma_wait3A_298] : memref<2x1x256xi32, #tpu.memory_space<vmem>> -> memref<1x1x256xi32, #tpu.memory_space<vmem>>
            %dma_wait3A_300 = tpu.memref_squeeze %dma_wait3A_299 : memref<1x1x256xi32, #tpu.memory_space<vmem>> -> memref<1x256xi32, #tpu.memory_space<vmem>>
            %dma_wait3A_301 = arith.constant 0 : i32
            %dma_wait3A_302 = tpu.memref_slice %arg3[%dma_wait3A_301, %mul3A_295] : memref<1x18432xi32, #tpu.memory_space<hbm>> -> memref<1x256xi32, #tpu.memory_space<hbm>>
            %dma_wait3A_303 = tpu.memref_slice %run_scoped3A_17[%rem3A_297] : memref<2x!tpu.dma_semaphore, #tpu.memory_space<semaphore_mem>> -> memref<1x!tpu.dma_semaphore, #tpu.memory_space<semaphore_mem>>
            %dma_wait3A_304 = tpu.memref_squeeze %dma_wait3A_303 : memref<1x!tpu.dma_semaphore, #tpu.memory_space<semaphore_mem>> -> memref<!tpu.dma_semaphore, #tpu.memory_space<semaphore_mem>>
            %dma_wait3A_305 = arith.constant 0 : i32
            %dma_wait3A_306 = arith.constant 0 : i32
            %dma_wait3A_307 = tpu.memref_slice %run_scoped3A[%rem3A_297, %dma_wait3A_305, %dma_wait3A_306] : memref<2x1x256xi32, #tpu.memory_space<vmem>> -> memref<1x1x256xi32, #tpu.memory_space<vmem>>
            %dma_wait3A_308 = tpu.memref_squeeze %dma_wait3A_307 : memref<1x1x256xi32, #tpu.memory_space<vmem>> -> memref<1x256xi32, #tpu.memory_space<vmem>>
            %dma_wait3A_309 = arith.constant 0 : i32
            %dma_wait3A_310 = tpu.memref_slice %arg3[%dma_wait3A_309, %mul3A_295] : memref<1x18432xi32, #tpu.memory_space<hbm>> -> memref<1x256xi32, #tpu.memory_space<hbm>>
            tpu.wait_dma2 semaphore(%dma_wait3A_304 : memref<!tpu.dma_semaphore, #tpu.memory_space<semaphore_mem>>) src(%dma_wait3A_310 : memref<1x256xi32, #tpu.memory_space<hbm>>) dst(%dma_wait3A_308 : memref<1x256xi32, #tpu.memory_space<vmem>>)
            "tpu.trace_stop"() : () -> ()
          } else {
          }
          %ne3A_216 = arith.cmpi ne, %add3A_155, %add3A_165 : i32
          %or3A_217 = arith.constant false
          %or3A_218 = arith.ori %or3A_217, %ne3A_216 : i1
          %or3A_219 = arith.constant false
          %or3A_220 = arith.ori %or3A_218, %or3A_219 : i1
          %or3A_221 = arith.ori %or3A_220, %eq3A_151 : i1
          %convert_element_type3A_222 = arith.extui %or3A_221 : i1 to i32
          %cond3A_223 = arith.constant 0 : i32
          %cond3A_224 = arith.cmpi ne, %convert_element_type3A_222, %cond3A_223 : i32
          scf.if %cond3A_224 {
          } else {
          }
          %rem3A_225 = arith.constant 2 : i32
          %rem3A_226 = arith.remui %while3A_144, %rem3A_225 : i32
          %rem3A_227 = arith.constant 2 : i32
          %rem3A_228 = arith.remui %while3A_145, %rem3A_227 : i32
          %run_scoped3A_229 = arith.constant 0 : i32
          "tpu.trace_start"() <{level = 10 : i32, message = "ep_run_kernel"}> : () -> ()
          "tpu.region"() ({
            %run_scoped3A_294 = tpu.sem_alloc : memref<!tpu.dma_semaphore, #tpu.memory_space<semaphore_mem>>
            %dma_start3A_295 = arith.constant 0 : i32
            %dma_start3A_296 = arith.constant 0 : i32
            %dma_start3A_297 = tpu.memref_slice %run_scoped3A_18[%rem3A_228, %dma_start3A_295, %dma_start3A_296] : memref<2x256x128xf32, #tpu.memory_space<vmem>> -> memref<1x256x128xf32, #tpu.memory_space<vmem>>
            %dma_start3A_298 = tpu.memref_squeeze %dma_start3A_297 : memref<1x256x128xf32, #tpu.memory_space<vmem>> -> memref<256x128xf32, #tpu.memory_space<vmem>>
            %dma_start3A_299 = arith.constant 0 : i32
            %dma_start3A_300 = arith.constant 0 : i32
            %dma_start3A_301 = tpu.memref_slice %run_scoped3A[%rem3A_226, %dma_start3A_299, %dma_start3A_300] : memref<2x1x256xi32, #tpu.memory_space<vmem>> -> memref<1x1x256xi32, #tpu.memory_space<vmem>>
            %dma_start3A_302 = tpu.memref_squeeze %dma_start3A_301 : memref<1x1x256xi32, #tpu.memory_space<vmem>> -> memref<1x256xi32, #tpu.memory_space<vmem>>
            %dma_start3A_303 = arith.constant 0 : i32
            %dma_start3A_304 = tpu.memref_slice %dma_start3A_302[%run_scoped3A_229, %dma_start3A_303] : memref<1x256xi32, #tpu.memory_space<vmem>> -> memref<1x256xi32, #tpu.memory_space<vmem>>
            %dma_start3A_305 = tpu.memref_squeeze %dma_start3A_304 : memref<1x256xi32, #tpu.memory_space<vmem>> -> memref<256xi32, #tpu.memory_space<vmem>>
            %dma_start3A_306 = arith.constant 0 : i32
            %dma_start3A_307 = arith.constant 0 : i32
            %dma_start3A_308 = tpu.memref_slice %arg2[%dma_start3A_306, %dma_start3A_307] : memref<1024x128xf32, #tpu.memory_space<hbm>> -> memref<1024x128xf32, #tpu.memory_space<hbm>>
            tpu.enqueue_indirect_dma source(%dma_start3A_308 : memref<1024x128xf32, #tpu.memory_space<hbm>>) target(%dma_start3A_298 : memref<256x128xf32, #tpu.memory_space<vmem>>) offsets(%dma_start3A_305 : memref<256xi32, #tpu.memory_space<vmem>>) semaphore(%run_scoped3A_294 : memref<!tpu.dma_semaphore, #tpu.memory_space<semaphore_mem>>)
            %dma_wait3A = arith.constant 0 : i32
            %dma_wait3A_309 = arith.constant 0 : i32
            %dma_wait3A_310 = tpu.memref_slice %run_scoped3A_18[%rem3A_228, %dma_wait3A, %dma_wait3A_309] : memref<2x256x128xf32, #tpu.memory_space<vmem>> -> memref<1x256x128xf32, #tpu.memory_space<vmem>>
            %dma_wait3A_311 = tpu.memref_squeeze %dma_wait3A_310 : memref<1x256x128xf32, #tpu.memory_space<vmem>> -> memref<256x128xf32, #tpu.memory_space<vmem>>
            %dma_wait3A_312 = arith.constant 0 : i32
            %dma_wait3A_313 = arith.constant 0 : i32
            %dma_wait3A_314 = tpu.memref_slice %run_scoped3A[%rem3A_226, %dma_wait3A_312, %dma_wait3A_313] : memref<2x1x256xi32, #tpu.memory_space<vmem>> -> memref<1x1x256xi32, #tpu.memory_space<vmem>>
            %dma_wait3A_315 = tpu.memref_squeeze %dma_wait3A_314 : memref<1x1x256xi32, #tpu.memory_space<vmem>> -> memref<1x256xi32, #tpu.memory_space<vmem>>
            %dma_wait3A_316 = arith.constant 0 : i32
            %dma_wait3A_317 = tpu.memref_slice %dma_wait3A_315[%run_scoped3A_229, %dma_wait3A_316] : memref<1x256xi32, #tpu.memory_space<vmem>> -> memref<1x256xi32, #tpu.memory_space<vmem>>
            %dma_wait3A_318 = tpu.memref_squeeze %dma_wait3A_317 : memref<1x256xi32, #tpu.memory_space<vmem>> -> memref<256xi32, #tpu.memory_space<vmem>>
            %dma_wait3A_319 = arith.constant 0 : i32
            %dma_wait3A_320 = arith.constant 0 : i32
            %dma_wait3A_321 = tpu.memref_slice %arg2[%dma_wait3A_319, %dma_wait3A_320] : memref<1024x128xf32, #tpu.memory_space<hbm>> -> memref<1024x128xf32, #tpu.memory_space<hbm>>
            tpu.wait_indirect_dma semaphore(%run_scoped3A_294 : memref<!tpu.dma_semaphore, #tpu.memory_space<semaphore_mem>>) src(%dma_wait3A_321 : memref<1024x128xf32, #tpu.memory_space<hbm>>) dst(%dma_wait3A_311 : memref<256x128xf32, #tpu.memory_space<vmem>>)
            tpu.yield
          }) : () -> ()
          "tpu.trace_stop"() : () -> ()
          %ne3A_230 = arith.cmpi ne, %add3A_155, %add3A_173 : i32
          %or3A_231 = arith.constant false
          %or3A_232 = arith.ori %or3A_231, %ne3A_230 : i1
          %or3A_233 = arith.ori %or3A_232, %eq3A_154 : i1
          %convert_element_type3A_234 = arith.extui %or3A_233 : i1 to i32
          %cond3A_235 = arith.constant 0 : i32
          %cond3A_236 = arith.cmpi ne, %convert_element_type3A_234, %cond3A_235 : i32
          scf.if %cond3A_236 {
          } else {
          }
          %and3A_237 = arith.constant false
          %and3A_238 = arith.andi %or3A_233, %and3A_237 : i1
          %ne3A_239 = arith.cmpi ne, %add3A_155, %add3A_173 : i32
          %or3A_240 = arith.constant false
          %or3A_241 = arith.ori %or3A_240, %ne3A_239 : i1
          %or3A_242 = arith.constant false
          %or3A_243 = arith.ori %or3A_241, %or3A_242 : i1
          %or3A_244 = arith.ori %or3A_243, %eq3A_154 : i1
          %convert_element_type3A_245 = arith.extui %or3A_244 : i1 to i32
          %cond3A_246 = arith.constant 0 : i32
          %cond3A_247 = arith.cmpi ne, %convert_element_type3A_245, %cond3A_246 : i32
          scf.if %cond3A_247 {
            "tpu.trace_start"() <{level = 10 : i32, message = "ep_copy_out"}> : () -> ()
            %rem3A_294 = arith.constant 2 : i32
            %rem3A_295 = arith.remui %while3A_145, %rem3A_294 : i32
            %mul3A_296 = arith.constant 256 : i32
            %mul3A_297 = arith.muli %mul3A_296, %add3A_155 : i32
            %dma_start3A_298 = arith.constant 0 : i32
            %dma_start3A_299 = arith.constant 0 : i32
            %dma_start3A_300 = tpu.memref_slice %run_scoped3A_18[%rem3A_295, %dma_start3A_298, %dma_start3A_299] : memref<2x256x128xf32, #tpu.memory_space<vmem>> -> memref<1x256x128xf32, #tpu.memory_space<vmem>>
            %dma_start3A_301 = tpu.memref_squeeze %dma_start3A_300 : memref<1x256x128xf32, #tpu.memory_space<vmem>> -> memref<256x128xf32, #tpu.memory_space<vmem>>
            %dma_start3A_302 = arith.constant 0 : i32
            %dma_start3A_303 = tpu.memref_slice %arg4[%mul3A_297, %dma_start3A_302] : memref<18432x128xf32, #tpu.memory_space<hbm>> -> memref<256x128xf32, #tpu.memory_space<hbm>>
            %dma_start3A_304 = tpu.memref_slice %run_scoped3A_19[%rem3A_295] : memref<2x!tpu.dma_semaphore, #tpu.memory_space<semaphore_mem>> -> memref<1x!tpu.dma_semaphore, #tpu.memory_space<semaphore_mem>>
            %dma_start3A_305 = tpu.memref_squeeze %dma_start3A_304 : memref<1x!tpu.dma_semaphore, #tpu.memory_space<semaphore_mem>> -> memref<!tpu.dma_semaphore, #tpu.memory_space<semaphore_mem>>
            %dma_start3A_306 = arith.constant 0 : i32
            %dma_start3A_307 = tpu.memref_slice %arg4[%mul3A_297, %dma_start3A_306] : memref<18432x128xf32, #tpu.memory_space<hbm>> -> memref<256x128xf32, #tpu.memory_space<hbm>>
            %dma_start3A_308 = arith.constant 0 : i32
            %dma_start3A_309 = arith.constant 0 : i32
            %dma_start3A_310 = tpu.memref_slice %run_scoped3A_18[%rem3A_295, %dma_start3A_308, %dma_start3A_309] : memref<2x256x128xf32, #tpu.memory_space<vmem>> -> memref<1x256x128xf32, #tpu.memory_space<vmem>>
            %dma_start3A_311 = tpu.memref_squeeze %dma_start3A_310 : memref<1x256x128xf32, #tpu.memory_space<vmem>> -> memref<256x128xf32, #tpu.memory_space<vmem>>
            tpu.enqueue_dma source(%dma_start3A_311 : memref<256x128xf32, #tpu.memory_space<vmem>>) target(%dma_start3A_307 : memref<256x128xf32, #tpu.memory_space<hbm>>) target_semaphore(%dma_start3A_305 : memref<!tpu.dma_semaphore, #tpu.memory_space<semaphore_mem>>)
            "tpu.trace_stop"() : () -> ()
          } else {
          }
          %and3A_248 = arith.constant true
          %and3A_249 = arith.andi %or3A_244, %and3A_248 : i1
          %add3A_250 = arith.constant 1 : i32
          %add3A_251 = arith.addi %while3A_145, %add3A_250 : i32
          %select_n3A_252 = arith.select %and3A_249, %add3A_251, %while3A_145 : i32
          %ne3A_253 = arith.cmpi ne, %add3A_155, %add3A_165 : i32
          %or3A_254 = arith.constant false
          %or3A_255 = arith.ori %or3A_254, %ne3A_253 : i1
          %not3A_256 = arith.constant true
          %not3A_257 = arith.xori %eq3A_151, %not3A_256 : i1
          %and3A_258 = arith.andi %or3A_255, %not3A_257 : i1
          %convert_element_type3A_259 = arith.extui %and3A_258 : i1 to i32
          %cond3A_260 = arith.constant 0 : i32
          %cond3A_261 = arith.cmpi ne, %convert_element_type3A_259, %cond3A_260 : i32
          scf.if %cond3A_261 {
          } else {
          }
          %and3A_262 = arith.constant false
          %and3A_263 = arith.andi %and3A_258, %and3A_262 : i1
          %ne3A_264 = arith.cmpi ne, %add3A_155, %add3A_165 : i32
          %or3A_265 = arith.constant false
          %or3A_266 = arith.ori %or3A_265, %ne3A_264 : i1
          %or3A_267 = arith.constant false
          %or3A_268 = arith.ori %or3A_266, %or3A_267 : i1
          %not3A_269 = arith.constant true
          %not3A_270 = arith.xori %eq3A_151, %not3A_269 : i1
          %and3A_271 = arith.andi %or3A_268, %not3A_270 : i1
          %convert_element_type3A_272 = arith.extui %and3A_271 : i1 to i32
          %cond3A_273 = arith.constant 0 : i32
          %cond3A_274 = arith.cmpi ne, %convert_element_type3A_272, %cond3A_273 : i32
          scf.if %cond3A_274 {
            "tpu.trace_start"() <{level = 10 : i32, message = "ep_wait_out"}> : () -> ()
            %rem3A_294 = arith.constant 2 : i32
            %rem3A_295 = arith.remui %while3A_146, %rem3A_294 : i32
            %mul3A_296 = arith.constant 256 : i32
            %mul3A_297 = arith.muli %mul3A_296, %add3A_165 : i32
            %dma_wait3A = arith.constant 0 : i32
            %dma_wait3A_298 = arith.constant 0 : i32
            %dma_wait3A_299 = tpu.memref_slice %run_scoped3A_18[%rem3A_295, %dma_wait3A, %dma_wait3A_298] : memref<2x256x128xf32, #tpu.memory_space<vmem>> -> memref<1x256x128xf32, #tpu.memory_space<vmem>>
            %dma_wait3A_300 = tpu.memref_squeeze %dma_wait3A_299 : memref<1x256x128xf32, #tpu.memory_space<vmem>> -> memref<256x128xf32, #tpu.memory_space<vmem>>
            %dma_wait3A_301 = arith.constant 0 : i32
            %dma_wait3A_302 = tpu.memref_slice %arg4[%mul3A_297, %dma_wait3A_301] : memref<18432x128xf32, #tpu.memory_space<hbm>> -> memref<256x128xf32, #tpu.memory_space<hbm>>
            %dma_wait3A_303 = tpu.memref_slice %run_scoped3A_19[%rem3A_295] : memref<2x!tpu.dma_semaphore, #tpu.memory_space<semaphore_mem>> -> memref<1x!tpu.dma_semaphore, #tpu.memory_space<semaphore_mem>>
            %dma_wait3A_304 = tpu.memref_squeeze %dma_wait3A_303 : memref<1x!tpu.dma_semaphore, #tpu.memory_space<semaphore_mem>> -> memref<!tpu.dma_semaphore, #tpu.memory_space<semaphore_mem>>
            %dma_wait3A_305 = arith.constant 0 : i32
            %dma_wait3A_306 = tpu.memref_slice %arg4[%mul3A_297, %dma_wait3A_305] : memref<18432x128xf32, #tpu.memory_space<hbm>> -> memref<256x128xf32, #tpu.memory_space<hbm>>
            %dma_wait3A_307 = arith.constant 0 : i32
            %dma_wait3A_308 = arith.constant 0 : i32
            %dma_wait3A_309 = tpu.memref_slice %run_scoped3A_18[%rem3A_295, %dma_wait3A_307, %dma_wait3A_308] : memref<2x256x128xf32, #tpu.memory_space<vmem>> -> memref<1x256x128xf32, #tpu.memory_space<vmem>>
            %dma_wait3A_310 = tpu.memref_squeeze %dma_wait3A_309 : memref<1x256x128xf32, #tpu.memory_space<vmem>> -> memref<256x128xf32, #tpu.memory_space<vmem>>
            tpu.wait_dma2 semaphore(%dma_wait3A_304 : memref<!tpu.dma_semaphore, #tpu.memory_space<semaphore_mem>>) src(%dma_wait3A_310 : memref<256x128xf32, #tpu.memory_space<vmem>>) dst(%dma_wait3A_306 : memref<256x128xf32, #tpu.memory_space<hbm>>)
            "tpu.trace_stop"() : () -> ()
          } else {
          }
          %and3A_275 = arith.constant true
          %and3A_276 = arith.andi %and3A_271, %and3A_275 : i1
          %add3A_277 = arith.constant 1 : i32
          %add3A_278 = arith.addi %while3A_146, %add3A_277 : i32
          %select_n3A_279 = arith.select %and3A_276, %add3A_278, %while3A_146 : i32
          %ne3A_280 = arith.cmpi ne, %add3A_155, %add3A_173 : i32
          %or3A_281 = arith.constant false
          %or3A_282 = arith.ori %or3A_281, %ne3A_280 : i1
          %or3A_283 = arith.ori %or3A_282, %eq3A_154 : i1
          %add3A_284 = arith.constant 1 : i32
          %add3A_285 = arith.addi %while3A_144, %add3A_284 : i32
          %select_n3A_286 = arith.select %or3A_283, %add3A_285, %while3A_144 : i32
          %add3A_287 = arith.constant 1 : i32
          %add3A_288 = arith.addi %while3A_147, %add3A_287 : i32
          %select_n3A_289 = arith.constant true
          %select_n3A_290 = arith.select %select_n3A_289, %add3A_288, %while3A_147 : i32
          %eq3A_291 = arith.cmpi eq, %select_n3A_290, %select_n3A : i32
          %select_n3A_292 = arith.constant 0 : i32
          %select_n3A_293 = arith.select %eq3A_291, %select_n3A_292, %select_n3A_290 : i32
          scf.yield %select_n3A_195, %select_n3A_286, %select_n3A_252, %select_n3A_279, %select_n3A_293 : i32, i32, i32, i32, i32
        }
        %sub3A_91 = arith.constant 1 : i32
        %sub3A_92 = arith.subi %while3A_90#4, %sub3A_91 : i32
        %select_n3A_93 = arith.constant true
        %select_n3A_94 = arith.select %select_n3A_93, %sub3A_92, %while3A_90#4 : i32
        %eq3A_95 = arith.constant -1 : i32
        %eq3A_96 = arith.cmpi eq, %select_n3A_94, %eq3A_95 : i32
        %sub3A_97 = arith.constant 1 : i32
        %sub3A_98 = arith.subi %select_n3A, %sub3A_97 : i32
        %select_n3A_99 = arith.select %eq3A_96, %sub3A_98, %select_n3A_94 : i32
        %sub3A_100 = arith.constant 1 : i32
        %sub3A_101 = arith.subi %mul3A_16, %sub3A_100 : i32
        %mul3A_102 = arith.constant 1 : i32
        %mul3A_103 = arith.muli %mul3A_102, %select_n3A : i32
        %eq3A_104 = arith.constant 0 : i32
        %eq3A_105 = arith.cmpi eq, %sub3A_101, %eq3A_104 : i32
        %sub3A_106 = arith.constant 1 : i32
        %sub3A_107 = arith.subi %mul3A_103, %sub3A_106 : i32
        %eq3A_108 = arith.cmpi eq, %sub3A_101, %sub3A_107 : i32
        %add3A_109 = arith.addi %select_n3A_99, %select_n3A_14 : i32
        %sub3A_110 = arith.constant 1 : i32
        %sub3A_111 = arith.subi %select_n3A_99, %sub3A_110 : i32
        %select_n3A_112 = arith.constant true
        %select_n3A_113 = arith.select %select_n3A_112, %sub3A_111, %select_n3A_99 : i32
        %eq3A_114 = arith.constant -1 : i32
        %eq3A_115 = arith.cmpi eq, %select_n3A_113, %eq3A_114 : i32
        %sub3A_116 = arith.constant 1 : i32
        %sub3A_117 = arith.subi %select_n3A, %sub3A_116 : i32
        %select_n3A_118 = arith.select %eq3A_115, %sub3A_117, %select_n3A_113 : i32
        %add3A_119 = arith.addi %select_n3A_118, %select_n3A_14 : i32
        %add3A_120 = arith.constant 1 : i32
        %add3A_121 = arith.addi %select_n3A_99, %add3A_120 : i32
        %select_n3A_122 = arith.constant true
        %select_n3A_123 = arith.select %select_n3A_122, %add3A_121, %select_n3A_99 : i32
        %eq3A_124 = arith.cmpi eq, %select_n3A_123, %select_n3A : i32
        %select_n3A_125 = arith.constant 0 : i32
        %select_n3A_126 = arith.select %eq3A_124, %select_n3A_125, %select_n3A_123 : i32
        %add3A_127 = arith.addi %select_n3A_126, %select_n3A_14 : i32
        %add3A_128 = arith.constant 1 : i32
        %add3A_129 = arith.addi %select_n3A_126, %add3A_128 : i32
        %select_n3A_130 = arith.constant true
        %select_n3A_131 = arith.select %select_n3A_130, %add3A_129, %select_n3A_126 : i32
        %eq3A_132 = arith.cmpi eq, %select_n3A_131, %select_n3A : i32
        %select_n3A_133 = arith.constant 0 : i32
        %select_n3A_134 = arith.select %eq3A_132, %select_n3A_133, %select_n3A_131 : i32
        %add3A_135 = arith.addi %select_n3A_134, %select_n3A_14 : i32
        %convert_element_type3A_136 = arith.extui %eq3A_108 : i1 to i32
        %cond3A_137 = arith.constant 0 : i32
        %cond3A_138 = arith.cmpi ne, %convert_element_type3A_136, %cond3A_137 : i32
        scf.if %cond3A_138 {
        } else {
        }
        %convert_element_type3A_139 = arith.extui %eq3A_108 : i1 to i32
        %cond3A_140 = arith.constant 0 : i32
        %cond3A_141 = arith.cmpi ne, %convert_element_type3A_139, %cond3A_140 : i32
        scf.if %cond3A_141 {
          "tpu.trace_start"() <{level = 10 : i32, message = "ep_finalize"}> : () -> ()
          %rem3A_142 = arith.constant 2 : i32
          %rem3A_143 = arith.remui %while3A_90#3, %rem3A_142 : i32
          %mul3A_144 = arith.constant 256 : i32
          %mul3A_145 = arith.muli %mul3A_144, %add3A_109 : i32
          %dma_wait3A = arith.constant 0 : i32
          %dma_wait3A_146 = arith.constant 0 : i32
          %dma_wait3A_147 = tpu.memref_slice %run_scoped3A_18[%rem3A_143, %dma_wait3A, %dma_wait3A_146] : memref<2x256x128xf32, #tpu.memory_space<vmem>> -> memref<1x256x128xf32, #tpu.memory_space<vmem>>
          %dma_wait3A_148 = tpu.memref_squeeze %dma_wait3A_147 : memref<1x256x128xf32, #tpu.memory_space<vmem>> -> memref<256x128xf32, #tpu.memory_space<vmem>>
          %dma_wait3A_149 = arith.constant 0 : i32
          %dma_wait3A_150 = tpu.memref_slice %arg4[%mul3A_145, %dma_wait3A_149] : memref<18432x128xf32, #tpu.memory_space<hbm>> -> memref<256x128xf32, #tpu.memory_space<hbm>>
          %dma_wait3A_151 = tpu.memref_slice %run_scoped3A_19[%rem3A_143] : memref<2x!tpu.dma_semaphore, #tpu.memory_space<semaphore_mem>> -> memref<1x!tpu.dma_semaphore, #tpu.memory_space<semaphore_mem>>
          %dma_wait3A_152 = tpu.memref_squeeze %dma_wait3A_151 : memref<1x!tpu.dma_semaphore, #tpu.memory_space<semaphore_mem>> -> memref<!tpu.dma_semaphore, #tpu.memory_space<semaphore_mem>>
          %dma_wait3A_153 = arith.constant 0 : i32
          %dma_wait3A_154 = tpu.memref_slice %arg4[%mul3A_145, %dma_wait3A_153] : memref<18432x128xf32, #tpu.memory_space<hbm>> -> memref<256x128xf32, #tpu.memory_space<hbm>>
          %dma_wait3A_155 = arith.constant 0 : i32
          %dma_wait3A_156 = arith.constant 0 : i32
          %dma_wait3A_157 = tpu.memref_slice %run_scoped3A_18[%rem3A_143, %dma_wait3A_155, %dma_wait3A_156] : memref<2x256x128xf32, #tpu.memory_space<vmem>> -> memref<1x256x128xf32, #tpu.memory_space<vmem>>
          %dma_wait3A_158 = tpu.memref_squeeze %dma_wait3A_157 : memref<1x256x128xf32, #tpu.memory_space<vmem>> -> memref<256x128xf32, #tpu.memory_space<vmem>>
          tpu.wait_dma2 semaphore(%dma_wait3A_152 : memref<!tpu.dma_semaphore, #tpu.memory_space<semaphore_mem>>) src(%dma_wait3A_158 : memref<256x128xf32, #tpu.memory_space<vmem>>) dst(%dma_wait3A_154 : memref<256x128xf32, #tpu.memory_space<hbm>>)
          "tpu.trace_stop"() : () -> ()
        } else {
        }
      } else {
      }
      tpu.yield
    }) : () -> ()
    return
  }
}

module attributes {stable_mosaic.version = 14 : i64} {
  func.func @_vq_tc_kernel(%arg0: i32, %arg1: memref<1024x64xf32, #tpu.memory_space<vmem>>, %arg2: memref<64x3072xf32, #tpu.memory_space<vmem>>, %arg3: memref<1x3072xf32, #tpu.memory_space<vmem>>, %arg4: memref<1024x1xf32, #tpu.memory_space<vmem>>, %arg5: memref<1x1x3072xi32, #tpu.memory_space<vmem>>, %arg6: memref<1x1xf32, #tpu.memory_space<vmem>>) attributes {dimension_semantics = [#tpu.dimension_semantics<arbitrary>], iteration_bounds = array<i64: 6>, scalar_prefetch = 0 : i64, scratch_operands = 0 : i64, tpu.core_type = #tpu.core_type<tc>, window_params = [{pipeline_mode = #tpu.pipeline_mode<synchronous>, transform_indices = @transform_0, window_bounds = array<i64: 1024, 64>}, {transform_indices = @transform_1, window_bounds = array<i64: 64, 3072>}, {transform_indices = @transform_2, window_bounds = array<i64: 1, 3072>}, {pipeline_mode = #tpu.pipeline_mode<synchronous>, transform_indices = @transform_3, window_bounds = array<i64: 1024, 1>}, {transform_indices = @transform_4, window_bounds = array<i64: 1, 1, 3072>}, {pipeline_mode = #tpu.pipeline_mode<synchronous>, transform_indices = @transform_5, window_bounds = array<i64: 1, 1>}]} {
    %get3A = arith.constant 0 : index
    %get3A_0 = arith.constant 0 : index
    %get3A_1 = vector.load %arg1[%get3A, %get3A_0] : memref<1024x64xf32, #tpu.memory_space<vmem>>, vector<1024x64xf32>
    %get3A_2 = arith.constant 0 : index
    %get3A_3 = arith.constant 0 : index
    %get3A_4 = vector.load %arg2[%get3A_2, %get3A_3] : memref<64x3072xf32, #tpu.memory_space<vmem>>, vector<64x3072xf32>
    %dot_general3A = arith.constant dense<0.000000e+00> : vector<1024x3072xf32>
    %dot_general3A_5 = tpu.matmul %get3A_1, %get3A_4, %dot_general3A {dimension_numbers = #tpu.dot_dimension_numbers<[1], [0], [0], [1], [0, 0, 1, 1], [], []>, transpose_lhs_hint = false} : vector<1024x64xf32>, vector<64x3072xf32>, vector<1024x3072xf32> -> vector<1024x3072xf32>
    %get3A_6 = arith.constant 0 : index
    %get3A_7 = arith.constant 0 : index
    %get3A_8 = vector.load %arg3[%get3A_6, %get3A_7] : memref<1x3072xf32, #tpu.memory_space<vmem>>, vector<1x3072xf32>
    %add3A = vector.broadcast %get3A_8 : vector<1x3072xf32> to vector<1024x3072xf32>
    %add3A_9 = arith.addf %add3A, %dot_general3A_5 : vector<1024x3072xf32>
    %get3A_10 = arith.constant 0 : index
    %get3A_11 = arith.constant 0 : index
    %get3A_12 = vector.load %arg4[%get3A_10, %get3A_11] : memref<1024x1xf32, #tpu.memory_space<vmem>>, vector<1024x1xf32>
    %add3A_13 = vector.broadcast %get3A_12 : vector<1024x1xf32> to vector<1024x3072xf32>
    %add3A_14 = arith.addf %add3A_9, %add3A_13 : vector<1024x3072xf32>
    %max3A = arith.constant 0.000000e+00 : f32
    %max3A_15 = vector.broadcast %max3A : f32 to vector<1024x3072xf32>
    %max3A_16 = arith.maximumf %add3A_14, %max3A_15 : vector<1024x3072xf32>
    %slice3A = vector.extract_strided_slice %max3A_16 {offsets = [0, 0], sizes = [8, 3072], strides = [1, 1]} : vector<1024x3072xf32> to vector<8x3072xf32>
    %slice3A_17 = vector.extract_strided_slice %max3A_16 {offsets = [8, 0], sizes = [8, 3072], strides = [1, 1]} : vector<1024x3072xf32> to vector<8x3072xf32>
    %min3A = arith.minimumf %slice3A, %slice3A_17 : vector<8x3072xf32>
    %slice3A_18 = vector.extract_strided_slice %max3A_16 {offsets = [16, 0], sizes = [8, 3072], strides = [1, 1]} : vector<1024x3072xf32> to vector<8x3072xf32>
    %min3A_19 = arith.minimumf %min3A, %slice3A_18 : vector<8x3072xf32>
    %slice3A_20 = vector.extract_strided_slice %max3A_16 {offsets = [24, 0], sizes = [8, 3072], strides = [1, 1]} : vector<1024x3072xf32> to vector<8x3072xf32>
    %min3A_21 = arith.minimumf %min3A_19, %slice3A_20 : vector<8x3072xf32>
    %slice3A_22 = vector.extract_strided_slice %max3A_16 {offsets = [32, 0], sizes = [8, 3072], strides = [1, 1]} : vector<1024x3072xf32> to vector<8x3072xf32>
    %min3A_23 = arith.minimumf %min3A_21, %slice3A_22 : vector<8x3072xf32>
    %slice3A_24 = vector.extract_strided_slice %max3A_16 {offsets = [40, 0], sizes = [8, 3072], strides = [1, 1]} : vector<1024x3072xf32> to vector<8x3072xf32>
    %min3A_25 = arith.minimumf %min3A_23, %slice3A_24 : vector<8x3072xf32>
    %slice3A_26 = vector.extract_strided_slice %max3A_16 {offsets = [48, 0], sizes = [8, 3072], strides = [1, 1]} : vector<1024x3072xf32> to vector<8x3072xf32>
    %min3A_27 = arith.minimumf %min3A_25, %slice3A_26 : vector<8x3072xf32>
    %slice3A_28 = vector.extract_strided_slice %max3A_16 {offsets = [56, 0], sizes = [8, 3072], strides = [1, 1]} : vector<1024x3072xf32> to vector<8x3072xf32>
    %min3A_29 = arith.minimumf %min3A_27, %slice3A_28 : vector<8x3072xf32>
    %slice3A_30 = vector.extract_strided_slice %max3A_16 {offsets = [64, 0], sizes = [8, 3072], strides = [1, 1]} : vector<1024x3072xf32> to vector<8x3072xf32>
    %min3A_31 = arith.minimumf %min3A_29, %slice3A_30 : vector<8x3072xf32>
    %slice3A_32 = vector.extract_strided_slice %max3A_16 {offsets = [72, 0], sizes = [8, 3072], strides = [1, 1]} : vector<1024x3072xf32> to vector<8x3072xf32>
    %min3A_33 = arith.minimumf %min3A_31, %slice3A_32 : vector<8x3072xf32>
    %slice3A_34 = vector.extract_strided_slice %max3A_16 {offsets = [80, 0], sizes = [8, 3072], strides = [1, 1]} : vector<1024x3072xf32> to vector<8x3072xf32>
    %min3A_35 = arith.minimumf %min3A_33, %slice3A_34 : vector<8x3072xf32>
    %slice3A_36 = vector.extract_strided_slice %max3A_16 {offsets = [88, 0], sizes = [8, 3072], strides = [1, 1]} : vector<1024x3072xf32> to vector<8x3072xf32>
    %min3A_37 = arith.minimumf %min3A_35, %slice3A_36 : vector<8x3072xf32>
    %slice3A_38 = vector.extract_strided_slice %max3A_16 {offsets = [96, 0], sizes = [8, 3072], strides = [1, 1]} : vector<1024x3072xf32> to vector<8x3072xf32>
    %min3A_39 = arith.minimumf %min3A_37, %slice3A_38 : vector<8x3072xf32>
    %slice3A_40 = vector.extract_strided_slice %max3A_16 {offsets = [104, 0], sizes = [8, 3072], strides = [1, 1]} : vector<1024x3072xf32> to vector<8x3072xf32>
    %min3A_41 = arith.minimumf %min3A_39, %slice3A_40 : vector<8x3072xf32>
    %slice3A_42 = vector.extract_strided_slice %max3A_16 {offsets = [112, 0], sizes = [8, 3072], strides = [1, 1]} : vector<1024x3072xf32> to vector<8x3072xf32>
    %min3A_43 = arith.minimumf %min3A_41, %slice3A_42 : vector<8x3072xf32>
    %slice3A_44 = vector.extract_strided_slice %max3A_16 {offsets = [120, 0], sizes = [8, 3072], strides = [1, 1]} : vector<1024x3072xf32> to vector<8x3072xf32>
    %min3A_45 = arith.minimumf %min3A_43, %slice3A_44 : vector<8x3072xf32>
    %slice3A_46 = vector.extract_strided_slice %max3A_16 {offsets = [128, 0], sizes = [8, 3072], strides = [1, 1]} : vector<1024x3072xf32> to vector<8x3072xf32>
    %min3A_47 = arith.minimumf %min3A_45, %slice3A_46 : vector<8x3072xf32>
    %slice3A_48 = vector.extract_strided_slice %max3A_16 {offsets = [136, 0], sizes = [8, 3072], strides = [1, 1]} : vector<1024x3072xf32> to vector<8x3072xf32>
    %min3A_49 = arith.minimumf %min3A_47, %slice3A_48 : vector<8x3072xf32>
    %slice3A_50 = vector.extract_strided_slice %max3A_16 {offsets = [144, 0], sizes = [8, 3072], strides = [1, 1]} : vector<1024x3072xf32> to vector<8x3072xf32>
    %min3A_51 = arith.minimumf %min3A_49, %slice3A_50 : vector<8x3072xf32>
    %slice3A_52 = vector.extract_strided_slice %max3A_16 {offsets = [152, 0], sizes = [8, 3072], strides = [1, 1]} : vector<1024x3072xf32> to vector<8x3072xf32>
    %min3A_53 = arith.minimumf %min3A_51, %slice3A_52 : vector<8x3072xf32>
    %slice3A_54 = vector.extract_strided_slice %max3A_16 {offsets = [160, 0], sizes = [8, 3072], strides = [1, 1]} : vector<1024x3072xf32> to vector<8x3072xf32>
    %min3A_55 = arith.minimumf %min3A_53, %slice3A_54 : vector<8x3072xf32>
    %slice3A_56 = vector.extract_strided_slice %max3A_16 {offsets = [168, 0], sizes = [8, 3072], strides = [1, 1]} : vector<1024x3072xf32> to vector<8x3072xf32>
    %min3A_57 = arith.minimumf %min3A_55, %slice3A_56 : vector<8x3072xf32>
    %slice3A_58 = vector.extract_strided_slice %max3A_16 {offsets = [176, 0], sizes = [8, 3072], strides = [1, 1]} : vector<1024x3072xf32> to vector<8x3072xf32>
    %min3A_59 = arith.minimumf %min3A_57, %slice3A_58 : vector<8x3072xf32>
    %slice3A_60 = vector.extract_strided_slice %max3A_16 {offsets = [184, 0], sizes = [8, 3072], strides = [1, 1]} : vector<1024x3072xf32> to vector<8x3072xf32>
    %min3A_61 = arith.minimumf %min3A_59, %slice3A_60 : vector<8x3072xf32>
    %slice3A_62 = vector.extract_strided_slice %max3A_16 {offsets = [192, 0], sizes = [8, 3072], strides = [1, 1]} : vector<1024x3072xf32> to vector<8x3072xf32>
    %min3A_63 = arith.minimumf %min3A_61, %slice3A_62 : vector<8x3072xf32>
    %slice3A_64 = vector.extract_strided_slice %max3A_16 {offsets = [200, 0], sizes = [8, 3072], strides = [1, 1]} : vector<1024x3072xf32> to vector<8x3072xf32>
    %min3A_65 = arith.minimumf %min3A_63, %slice3A_64 : vector<8x3072xf32>
    %slice3A_66 = vector.extract_strided_slice %max3A_16 {offsets = [208, 0], sizes = [8, 3072], strides = [1, 1]} : vector<1024x3072xf32> to vector<8x3072xf32>
    %min3A_67 = arith.minimumf %min3A_65, %slice3A_66 : vector<8x3072xf32>
    %slice3A_68 = vector.extract_strided_slice %max3A_16 {offsets = [216, 0], sizes = [8, 3072], strides = [1, 1]} : vector<1024x3072xf32> to vector<8x3072xf32>
    %min3A_69 = arith.minimumf %min3A_67, %slice3A_68 : vector<8x3072xf32>
    %slice3A_70 = vector.extract_strided_slice %max3A_16 {offsets = [224, 0], sizes = [8, 3072], strides = [1, 1]} : vector<1024x3072xf32> to vector<8x3072xf32>
    %min3A_71 = arith.minimumf %min3A_69, %slice3A_70 : vector<8x3072xf32>
    %slice3A_72 = vector.extract_strided_slice %max3A_16 {offsets = [232, 0], sizes = [8, 3072], strides = [1, 1]} : vector<1024x3072xf32> to vector<8x3072xf32>
    %min3A_73 = arith.minimumf %min3A_71, %slice3A_72 : vector<8x3072xf32>
    %slice3A_74 = vector.extract_strided_slice %max3A_16 {offsets = [240, 0], sizes = [8, 3072], strides = [1, 1]} : vector<1024x3072xf32> to vector<8x3072xf32>
    %min3A_75 = arith.minimumf %min3A_73, %slice3A_74 : vector<8x3072xf32>
    %slice3A_76 = vector.extract_strided_slice %max3A_16 {offsets = [248, 0], sizes = [8, 3072], strides = [1, 1]} : vector<1024x3072xf32> to vector<8x3072xf32>
    %min3A_77 = arith.minimumf %min3A_75, %slice3A_76 : vector<8x3072xf32>
    %slice3A_78 = vector.extract_strided_slice %max3A_16 {offsets = [256, 0], sizes = [8, 3072], strides = [1, 1]} : vector<1024x3072xf32> to vector<8x3072xf32>
    %min3A_79 = arith.minimumf %min3A_77, %slice3A_78 : vector<8x3072xf32>
    %slice3A_80 = vector.extract_strided_slice %max3A_16 {offsets = [264, 0], sizes = [8, 3072], strides = [1, 1]} : vector<1024x3072xf32> to vector<8x3072xf32>
    %min3A_81 = arith.minimumf %min3A_79, %slice3A_80 : vector<8x3072xf32>
    %slice3A_82 = vector.extract_strided_slice %max3A_16 {offsets = [272, 0], sizes = [8, 3072], strides = [1, 1]} : vector<1024x3072xf32> to vector<8x3072xf32>
    %min3A_83 = arith.minimumf %min3A_81, %slice3A_82 : vector<8x3072xf32>
    %slice3A_84 = vector.extract_strided_slice %max3A_16 {offsets = [280, 0], sizes = [8, 3072], strides = [1, 1]} : vector<1024x3072xf32> to vector<8x3072xf32>
    %min3A_85 = arith.minimumf %min3A_83, %slice3A_84 : vector<8x3072xf32>
    %slice3A_86 = vector.extract_strided_slice %max3A_16 {offsets = [288, 0], sizes = [8, 3072], strides = [1, 1]} : vector<1024x3072xf32> to vector<8x3072xf32>
    %min3A_87 = arith.minimumf %min3A_85, %slice3A_86 : vector<8x3072xf32>
    %slice3A_88 = vector.extract_strided_slice %max3A_16 {offsets = [296, 0], sizes = [8, 3072], strides = [1, 1]} : vector<1024x3072xf32> to vector<8x3072xf32>
    %min3A_89 = arith.minimumf %min3A_87, %slice3A_88 : vector<8x3072xf32>
    %slice3A_90 = vector.extract_strided_slice %max3A_16 {offsets = [304, 0], sizes = [8, 3072], strides = [1, 1]} : vector<1024x3072xf32> to vector<8x3072xf32>
    %min3A_91 = arith.minimumf %min3A_89, %slice3A_90 : vector<8x3072xf32>
    %slice3A_92 = vector.extract_strided_slice %max3A_16 {offsets = [312, 0], sizes = [8, 3072], strides = [1, 1]} : vector<1024x3072xf32> to vector<8x3072xf32>
    %min3A_93 = arith.minimumf %min3A_91, %slice3A_92 : vector<8x3072xf32>
    %slice3A_94 = vector.extract_strided_slice %max3A_16 {offsets = [320, 0], sizes = [8, 3072], strides = [1, 1]} : vector<1024x3072xf32> to vector<8x3072xf32>
    %min3A_95 = arith.minimumf %min3A_93, %slice3A_94 : vector<8x3072xf32>
    %slice3A_96 = vector.extract_strided_slice %max3A_16 {offsets = [328, 0], sizes = [8, 3072], strides = [1, 1]} : vector<1024x3072xf32> to vector<8x3072xf32>
    %min3A_97 = arith.minimumf %min3A_95, %slice3A_96 : vector<8x3072xf32>
    %slice3A_98 = vector.extract_strided_slice %max3A_16 {offsets = [336, 0], sizes = [8, 3072], strides = [1, 1]} : vector<1024x3072xf32> to vector<8x3072xf32>
    %min3A_99 = arith.minimumf %min3A_97, %slice3A_98 : vector<8x3072xf32>
    %slice3A_100 = vector.extract_strided_slice %max3A_16 {offsets = [344, 0], sizes = [8, 3072], strides = [1, 1]} : vector<1024x3072xf32> to vector<8x3072xf32>
    %min3A_101 = arith.minimumf %min3A_99, %slice3A_100 : vector<8x3072xf32>
    %slice3A_102 = vector.extract_strided_slice %max3A_16 {offsets = [352, 0], sizes = [8, 3072], strides = [1, 1]} : vector<1024x3072xf32> to vector<8x3072xf32>
    %min3A_103 = arith.minimumf %min3A_101, %slice3A_102 : vector<8x3072xf32>
    %slice3A_104 = vector.extract_strided_slice %max3A_16 {offsets = [360, 0], sizes = [8, 3072], strides = [1, 1]} : vector<1024x3072xf32> to vector<8x3072xf32>
    %min3A_105 = arith.minimumf %min3A_103, %slice3A_104 : vector<8x3072xf32>
    %slice3A_106 = vector.extract_strided_slice %max3A_16 {offsets = [368, 0], sizes = [8, 3072], strides = [1, 1]} : vector<1024x3072xf32> to vector<8x3072xf32>
    %min3A_107 = arith.minimumf %min3A_105, %slice3A_106 : vector<8x3072xf32>
    %slice3A_108 = vector.extract_strided_slice %max3A_16 {offsets = [376, 0], sizes = [8, 3072], strides = [1, 1]} : vector<1024x3072xf32> to vector<8x3072xf32>
    %min3A_109 = arith.minimumf %min3A_107, %slice3A_108 : vector<8x3072xf32>
    %slice3A_110 = vector.extract_strided_slice %max3A_16 {offsets = [384, 0], sizes = [8, 3072], strides = [1, 1]} : vector<1024x3072xf32> to vector<8x3072xf32>
    %min3A_111 = arith.minimumf %min3A_109, %slice3A_110 : vector<8x3072xf32>
    %slice3A_112 = vector.extract_strided_slice %max3A_16 {offsets = [392, 0], sizes = [8, 3072], strides = [1, 1]} : vector<1024x3072xf32> to vector<8x3072xf32>
    %min3A_113 = arith.minimumf %min3A_111, %slice3A_112 : vector<8x3072xf32>
    %slice3A_114 = vector.extract_strided_slice %max3A_16 {offsets = [400, 0], sizes = [8, 3072], strides = [1, 1]} : vector<1024x3072xf32> to vector<8x3072xf32>
    %min3A_115 = arith.minimumf %min3A_113, %slice3A_114 : vector<8x3072xf32>
    %slice3A_116 = vector.extract_strided_slice %max3A_16 {offsets = [408, 0], sizes = [8, 3072], strides = [1, 1]} : vector<1024x3072xf32> to vector<8x3072xf32>
    %min3A_117 = arith.minimumf %min3A_115, %slice3A_116 : vector<8x3072xf32>
    %slice3A_118 = vector.extract_strided_slice %max3A_16 {offsets = [416, 0], sizes = [8, 3072], strides = [1, 1]} : vector<1024x3072xf32> to vector<8x3072xf32>
    %min3A_119 = arith.minimumf %min3A_117, %slice3A_118 : vector<8x3072xf32>
    %slice3A_120 = vector.extract_strided_slice %max3A_16 {offsets = [424, 0], sizes = [8, 3072], strides = [1, 1]} : vector<1024x3072xf32> to vector<8x3072xf32>
    %min3A_121 = arith.minimumf %min3A_119, %slice3A_120 : vector<8x3072xf32>
    %slice3A_122 = vector.extract_strided_slice %max3A_16 {offsets = [432, 0], sizes = [8, 3072], strides = [1, 1]} : vector<1024x3072xf32> to vector<8x3072xf32>
    %min3A_123 = arith.minimumf %min3A_121, %slice3A_122 : vector<8x3072xf32>
    %slice3A_124 = vector.extract_strided_slice %max3A_16 {offsets = [440, 0], sizes = [8, 3072], strides = [1, 1]} : vector<1024x3072xf32> to vector<8x3072xf32>
    %min3A_125 = arith.minimumf %min3A_123, %slice3A_124 : vector<8x3072xf32>
    %slice3A_126 = vector.extract_strided_slice %max3A_16 {offsets = [448, 0], sizes = [8, 3072], strides = [1, 1]} : vector<1024x3072xf32> to vector<8x3072xf32>
    %min3A_127 = arith.minimumf %min3A_125, %slice3A_126 : vector<8x3072xf32>
    %slice3A_128 = vector.extract_strided_slice %max3A_16 {offsets = [456, 0], sizes = [8, 3072], strides = [1, 1]} : vector<1024x3072xf32> to vector<8x3072xf32>
    %min3A_129 = arith.minimumf %min3A_127, %slice3A_128 : vector<8x3072xf32>
    %slice3A_130 = vector.extract_strided_slice %max3A_16 {offsets = [464, 0], sizes = [8, 3072], strides = [1, 1]} : vector<1024x3072xf32> to vector<8x3072xf32>
    %min3A_131 = arith.minimumf %min3A_129, %slice3A_130 : vector<8x3072xf32>
    %slice3A_132 = vector.extract_strided_slice %max3A_16 {offsets = [472, 0], sizes = [8, 3072], strides = [1, 1]} : vector<1024x3072xf32> to vector<8x3072xf32>
    %min3A_133 = arith.minimumf %min3A_131, %slice3A_132 : vector<8x3072xf32>
    %slice3A_134 = vector.extract_strided_slice %max3A_16 {offsets = [480, 0], sizes = [8, 3072], strides = [1, 1]} : vector<1024x3072xf32> to vector<8x3072xf32>
    %min3A_135 = arith.minimumf %min3A_133, %slice3A_134 : vector<8x3072xf32>
    %slice3A_136 = vector.extract_strided_slice %max3A_16 {offsets = [488, 0], sizes = [8, 3072], strides = [1, 1]} : vector<1024x3072xf32> to vector<8x3072xf32>
    %min3A_137 = arith.minimumf %min3A_135, %slice3A_136 : vector<8x3072xf32>
    %slice3A_138 = vector.extract_strided_slice %max3A_16 {offsets = [496, 0], sizes = [8, 3072], strides = [1, 1]} : vector<1024x3072xf32> to vector<8x3072xf32>
    %min3A_139 = arith.minimumf %min3A_137, %slice3A_138 : vector<8x3072xf32>
    %slice3A_140 = vector.extract_strided_slice %max3A_16 {offsets = [504, 0], sizes = [8, 3072], strides = [1, 1]} : vector<1024x3072xf32> to vector<8x3072xf32>
    %min3A_141 = arith.minimumf %min3A_139, %slice3A_140 : vector<8x3072xf32>
    %slice3A_142 = vector.extract_strided_slice %max3A_16 {offsets = [512, 0], sizes = [8, 3072], strides = [1, 1]} : vector<1024x3072xf32> to vector<8x3072xf32>
    %min3A_143 = arith.minimumf %min3A_141, %slice3A_142 : vector<8x3072xf32>
    %slice3A_144 = vector.extract_strided_slice %max3A_16 {offsets = [520, 0], sizes = [8, 3072], strides = [1, 1]} : vector<1024x3072xf32> to vector<8x3072xf32>
    %min3A_145 = arith.minimumf %min3A_143, %slice3A_144 : vector<8x3072xf32>
    %slice3A_146 = vector.extract_strided_slice %max3A_16 {offsets = [528, 0], sizes = [8, 3072], strides = [1, 1]} : vector<1024x3072xf32> to vector<8x3072xf32>
    %min3A_147 = arith.minimumf %min3A_145, %slice3A_146 : vector<8x3072xf32>
    %slice3A_148 = vector.extract_strided_slice %max3A_16 {offsets = [536, 0], sizes = [8, 3072], strides = [1, 1]} : vector<1024x3072xf32> to vector<8x3072xf32>
    %min3A_149 = arith.minimumf %min3A_147, %slice3A_148 : vector<8x3072xf32>
    %slice3A_150 = vector.extract_strided_slice %max3A_16 {offsets = [544, 0], sizes = [8, 3072], strides = [1, 1]} : vector<1024x3072xf32> to vector<8x3072xf32>
    %min3A_151 = arith.minimumf %min3A_149, %slice3A_150 : vector<8x3072xf32>
    %slice3A_152 = vector.extract_strided_slice %max3A_16 {offsets = [552, 0], sizes = [8, 3072], strides = [1, 1]} : vector<1024x3072xf32> to vector<8x3072xf32>
    %min3A_153 = arith.minimumf %min3A_151, %slice3A_152 : vector<8x3072xf32>
    %slice3A_154 = vector.extract_strided_slice %max3A_16 {offsets = [560, 0], sizes = [8, 3072], strides = [1, 1]} : vector<1024x3072xf32> to vector<8x3072xf32>
    %min3A_155 = arith.minimumf %min3A_153, %slice3A_154 : vector<8x3072xf32>
    %slice3A_156 = vector.extract_strided_slice %max3A_16 {offsets = [568, 0], sizes = [8, 3072], strides = [1, 1]} : vector<1024x3072xf32> to vector<8x3072xf32>
    %min3A_157 = arith.minimumf %min3A_155, %slice3A_156 : vector<8x3072xf32>
    %slice3A_158 = vector.extract_strided_slice %max3A_16 {offsets = [576, 0], sizes = [8, 3072], strides = [1, 1]} : vector<1024x3072xf32> to vector<8x3072xf32>
    %min3A_159 = arith.minimumf %min3A_157, %slice3A_158 : vector<8x3072xf32>
    %slice3A_160 = vector.extract_strided_slice %max3A_16 {offsets = [584, 0], sizes = [8, 3072], strides = [1, 1]} : vector<1024x3072xf32> to vector<8x3072xf32>
    %min3A_161 = arith.minimumf %min3A_159, %slice3A_160 : vector<8x3072xf32>
    %slice3A_162 = vector.extract_strided_slice %max3A_16 {offsets = [592, 0], sizes = [8, 3072], strides = [1, 1]} : vector<1024x3072xf32> to vector<8x3072xf32>
    %min3A_163 = arith.minimumf %min3A_161, %slice3A_162 : vector<8x3072xf32>
    %slice3A_164 = vector.extract_strided_slice %max3A_16 {offsets = [600, 0], sizes = [8, 3072], strides = [1, 1]} : vector<1024x3072xf32> to vector<8x3072xf32>
    %min3A_165 = arith.minimumf %min3A_163, %slice3A_164 : vector<8x3072xf32>
    %slice3A_166 = vector.extract_strided_slice %max3A_16 {offsets = [608, 0], sizes = [8, 3072], strides = [1, 1]} : vector<1024x3072xf32> to vector<8x3072xf32>
    %min3A_167 = arith.minimumf %min3A_165, %slice3A_166 : vector<8x3072xf32>
    %slice3A_168 = vector.extract_strided_slice %max3A_16 {offsets = [616, 0], sizes = [8, 3072], strides = [1, 1]} : vector<1024x3072xf32> to vector<8x3072xf32>
    %min3A_169 = arith.minimumf %min3A_167, %slice3A_168 : vector<8x3072xf32>
    %slice3A_170 = vector.extract_strided_slice %max3A_16 {offsets = [624, 0], sizes = [8, 3072], strides = [1, 1]} : vector<1024x3072xf32> to vector<8x3072xf32>
    %min3A_171 = arith.minimumf %min3A_169, %slice3A_170 : vector<8x3072xf32>
    %slice3A_172 = vector.extract_strided_slice %max3A_16 {offsets = [632, 0], sizes = [8, 3072], strides = [1, 1]} : vector<1024x3072xf32> to vector<8x3072xf32>
    %min3A_173 = arith.minimumf %min3A_171, %slice3A_172 : vector<8x3072xf32>
    %slice3A_174 = vector.extract_strided_slice %max3A_16 {offsets = [640, 0], sizes = [8, 3072], strides = [1, 1]} : vector<1024x3072xf32> to vector<8x3072xf32>
    %min3A_175 = arith.minimumf %min3A_173, %slice3A_174 : vector<8x3072xf32>
    %slice3A_176 = vector.extract_strided_slice %max3A_16 {offsets = [648, 0], sizes = [8, 3072], strides = [1, 1]} : vector<1024x3072xf32> to vector<8x3072xf32>
    %min3A_177 = arith.minimumf %min3A_175, %slice3A_176 : vector<8x3072xf32>
    %slice3A_178 = vector.extract_strided_slice %max3A_16 {offsets = [656, 0], sizes = [8, 3072], strides = [1, 1]} : vector<1024x3072xf32> to vector<8x3072xf32>
    %min3A_179 = arith.minimumf %min3A_177, %slice3A_178 : vector<8x3072xf32>
    %slice3A_180 = vector.extract_strided_slice %max3A_16 {offsets = [664, 0], sizes = [8, 3072], strides = [1, 1]} : vector<1024x3072xf32> to vector<8x3072xf32>
    %min3A_181 = arith.minimumf %min3A_179, %slice3A_180 : vector<8x3072xf32>
    %slice3A_182 = vector.extract_strided_slice %max3A_16 {offsets = [672, 0], sizes = [8, 3072], strides = [1, 1]} : vector<1024x3072xf32> to vector<8x3072xf32>
    %min3A_183 = arith.minimumf %min3A_181, %slice3A_182 : vector<8x3072xf32>
    %slice3A_184 = vector.extract_strided_slice %max3A_16 {offsets = [680, 0], sizes = [8, 3072], strides = [1, 1]} : vector<1024x3072xf32> to vector<8x3072xf32>
    %min3A_185 = arith.minimumf %min3A_183, %slice3A_184 : vector<8x3072xf32>
    %slice3A_186 = vector.extract_strided_slice %max3A_16 {offsets = [688, 0], sizes = [8, 3072], strides = [1, 1]} : vector<1024x3072xf32> to vector<8x3072xf32>
    %min3A_187 = arith.minimumf %min3A_185, %slice3A_186 : vector<8x3072xf32>
    %slice3A_188 = vector.extract_strided_slice %max3A_16 {offsets = [696, 0], sizes = [8, 3072], strides = [1, 1]} : vector<1024x3072xf32> to vector<8x3072xf32>
    %min3A_189 = arith.minimumf %min3A_187, %slice3A_188 : vector<8x3072xf32>
    %slice3A_190 = vector.extract_strided_slice %max3A_16 {offsets = [704, 0], sizes = [8, 3072], strides = [1, 1]} : vector<1024x3072xf32> to vector<8x3072xf32>
    %min3A_191 = arith.minimumf %min3A_189, %slice3A_190 : vector<8x3072xf32>
    %slice3A_192 = vector.extract_strided_slice %max3A_16 {offsets = [712, 0], sizes = [8, 3072], strides = [1, 1]} : vector<1024x3072xf32> to vector<8x3072xf32>
    %min3A_193 = arith.minimumf %min3A_191, %slice3A_192 : vector<8x3072xf32>
    %slice3A_194 = vector.extract_strided_slice %max3A_16 {offsets = [720, 0], sizes = [8, 3072], strides = [1, 1]} : vector<1024x3072xf32> to vector<8x3072xf32>
    %min3A_195 = arith.minimumf %min3A_193, %slice3A_194 : vector<8x3072xf32>
    %slice3A_196 = vector.extract_strided_slice %max3A_16 {offsets = [728, 0], sizes = [8, 3072], strides = [1, 1]} : vector<1024x3072xf32> to vector<8x3072xf32>
    %min3A_197 = arith.minimumf %min3A_195, %slice3A_196 : vector<8x3072xf32>
    %slice3A_198 = vector.extract_strided_slice %max3A_16 {offsets = [736, 0], sizes = [8, 3072], strides = [1, 1]} : vector<1024x3072xf32> to vector<8x3072xf32>
    %min3A_199 = arith.minimumf %min3A_197, %slice3A_198 : vector<8x3072xf32>
    %slice3A_200 = vector.extract_strided_slice %max3A_16 {offsets = [744, 0], sizes = [8, 3072], strides = [1, 1]} : vector<1024x3072xf32> to vector<8x3072xf32>
    %min3A_201 = arith.minimumf %min3A_199, %slice3A_200 : vector<8x3072xf32>
    %slice3A_202 = vector.extract_strided_slice %max3A_16 {offsets = [752, 0], sizes = [8, 3072], strides = [1, 1]} : vector<1024x3072xf32> to vector<8x3072xf32>
    %min3A_203 = arith.minimumf %min3A_201, %slice3A_202 : vector<8x3072xf32>
    %slice3A_204 = vector.extract_strided_slice %max3A_16 {offsets = [760, 0], sizes = [8, 3072], strides = [1, 1]} : vector<1024x3072xf32> to vector<8x3072xf32>
    %min3A_205 = arith.minimumf %min3A_203, %slice3A_204 : vector<8x3072xf32>
    %slice3A_206 = vector.extract_strided_slice %max3A_16 {offsets = [768, 0], sizes = [8, 3072], strides = [1, 1]} : vector<1024x3072xf32> to vector<8x3072xf32>
    %min3A_207 = arith.minimumf %min3A_205, %slice3A_206 : vector<8x3072xf32>
    %slice3A_208 = vector.extract_strided_slice %max3A_16 {offsets = [776, 0], sizes = [8, 3072], strides = [1, 1]} : vector<1024x3072xf32> to vector<8x3072xf32>
    %min3A_209 = arith.minimumf %min3A_207, %slice3A_208 : vector<8x3072xf32>
    %slice3A_210 = vector.extract_strided_slice %max3A_16 {offsets = [784, 0], sizes = [8, 3072], strides = [1, 1]} : vector<1024x3072xf32> to vector<8x3072xf32>
    %min3A_211 = arith.minimumf %min3A_209, %slice3A_210 : vector<8x3072xf32>
    %slice3A_212 = vector.extract_strided_slice %max3A_16 {offsets = [792, 0], sizes = [8, 3072], strides = [1, 1]} : vector<1024x3072xf32> to vector<8x3072xf32>
    %min3A_213 = arith.minimumf %min3A_211, %slice3A_212 : vector<8x3072xf32>
    %slice3A_214 = vector.extract_strided_slice %max3A_16 {offsets = [800, 0], sizes = [8, 3072], strides = [1, 1]} : vector<1024x3072xf32> to vector<8x3072xf32>
    %min3A_215 = arith.minimumf %min3A_213, %slice3A_214 : vector<8x3072xf32>
    %slice3A_216 = vector.extract_strided_slice %max3A_16 {offsets = [808, 0], sizes = [8, 3072], strides = [1, 1]} : vector<1024x3072xf32> to vector<8x3072xf32>
    %min3A_217 = arith.minimumf %min3A_215, %slice3A_216 : vector<8x3072xf32>
    %slice3A_218 = vector.extract_strided_slice %max3A_16 {offsets = [816, 0], sizes = [8, 3072], strides = [1, 1]} : vector<1024x3072xf32> to vector<8x3072xf32>
    %min3A_219 = arith.minimumf %min3A_217, %slice3A_218 : vector<8x3072xf32>
    %slice3A_220 = vector.extract_strided_slice %max3A_16 {offsets = [824, 0], sizes = [8, 3072], strides = [1, 1]} : vector<1024x3072xf32> to vector<8x3072xf32>
    %min3A_221 = arith.minimumf %min3A_219, %slice3A_220 : vector<8x3072xf32>
    %slice3A_222 = vector.extract_strided_slice %max3A_16 {offsets = [832, 0], sizes = [8, 3072], strides = [1, 1]} : vector<1024x3072xf32> to vector<8x3072xf32>
    %min3A_223 = arith.minimumf %min3A_221, %slice3A_222 : vector<8x3072xf32>
    %slice3A_224 = vector.extract_strided_slice %max3A_16 {offsets = [840, 0], sizes = [8, 3072], strides = [1, 1]} : vector<1024x3072xf32> to vector<8x3072xf32>
    %min3A_225 = arith.minimumf %min3A_223, %slice3A_224 : vector<8x3072xf32>
    %slice3A_226 = vector.extract_strided_slice %max3A_16 {offsets = [848, 0], sizes = [8, 3072], strides = [1, 1]} : vector<1024x3072xf32> to vector<8x3072xf32>
    %min3A_227 = arith.minimumf %min3A_225, %slice3A_226 : vector<8x3072xf32>
    %slice3A_228 = vector.extract_strided_slice %max3A_16 {offsets = [856, 0], sizes = [8, 3072], strides = [1, 1]} : vector<1024x3072xf32> to vector<8x3072xf32>
    %min3A_229 = arith.minimumf %min3A_227, %slice3A_228 : vector<8x3072xf32>
    %slice3A_230 = vector.extract_strided_slice %max3A_16 {offsets = [864, 0], sizes = [8, 3072], strides = [1, 1]} : vector<1024x3072xf32> to vector<8x3072xf32>
    %min3A_231 = arith.minimumf %min3A_229, %slice3A_230 : vector<8x3072xf32>
    %slice3A_232 = vector.extract_strided_slice %max3A_16 {offsets = [872, 0], sizes = [8, 3072], strides = [1, 1]} : vector<1024x3072xf32> to vector<8x3072xf32>
    %min3A_233 = arith.minimumf %min3A_231, %slice3A_232 : vector<8x3072xf32>
    %slice3A_234 = vector.extract_strided_slice %max3A_16 {offsets = [880, 0], sizes = [8, 3072], strides = [1, 1]} : vector<1024x3072xf32> to vector<8x3072xf32>
    %min3A_235 = arith.minimumf %min3A_233, %slice3A_234 : vector<8x3072xf32>
    %slice3A_236 = vector.extract_strided_slice %max3A_16 {offsets = [888, 0], sizes = [8, 3072], strides = [1, 1]} : vector<1024x3072xf32> to vector<8x3072xf32>
    %min3A_237 = arith.minimumf %min3A_235, %slice3A_236 : vector<8x3072xf32>
    %slice3A_238 = vector.extract_strided_slice %max3A_16 {offsets = [896, 0], sizes = [8, 3072], strides = [1, 1]} : vector<1024x3072xf32> to vector<8x3072xf32>
    %min3A_239 = arith.minimumf %min3A_237, %slice3A_238 : vector<8x3072xf32>
    %slice3A_240 = vector.extract_strided_slice %max3A_16 {offsets = [904, 0], sizes = [8, 3072], strides = [1, 1]} : vector<1024x3072xf32> to vector<8x3072xf32>
    %min3A_241 = arith.minimumf %min3A_239, %slice3A_240 : vector<8x3072xf32>
    %slice3A_242 = vector.extract_strided_slice %max3A_16 {offsets = [912, 0], sizes = [8, 3072], strides = [1, 1]} : vector<1024x3072xf32> to vector<8x3072xf32>
    %min3A_243 = arith.minimumf %min3A_241, %slice3A_242 : vector<8x3072xf32>
    %slice3A_244 = vector.extract_strided_slice %max3A_16 {offsets = [920, 0], sizes = [8, 3072], strides = [1, 1]} : vector<1024x3072xf32> to vector<8x3072xf32>
    %min3A_245 = arith.minimumf %min3A_243, %slice3A_244 : vector<8x3072xf32>
    %slice3A_246 = vector.extract_strided_slice %max3A_16 {offsets = [928, 0], sizes = [8, 3072], strides = [1, 1]} : vector<1024x3072xf32> to vector<8x3072xf32>
    %min3A_247 = arith.minimumf %min3A_245, %slice3A_246 : vector<8x3072xf32>
    %slice3A_248 = vector.extract_strided_slice %max3A_16 {offsets = [936, 0], sizes = [8, 3072], strides = [1, 1]} : vector<1024x3072xf32> to vector<8x3072xf32>
    %min3A_249 = arith.minimumf %min3A_247, %slice3A_248 : vector<8x3072xf32>
    %slice3A_250 = vector.extract_strided_slice %max3A_16 {offsets = [944, 0], sizes = [8, 3072], strides = [1, 1]} : vector<1024x3072xf32> to vector<8x3072xf32>
    %min3A_251 = arith.minimumf %min3A_249, %slice3A_250 : vector<8x3072xf32>
    %slice3A_252 = vector.extract_strided_slice %max3A_16 {offsets = [952, 0], sizes = [8, 3072], strides = [1, 1]} : vector<1024x3072xf32> to vector<8x3072xf32>
    %min3A_253 = arith.minimumf %min3A_251, %slice3A_252 : vector<8x3072xf32>
    %slice3A_254 = vector.extract_strided_slice %max3A_16 {offsets = [960, 0], sizes = [8, 3072], strides = [1, 1]} : vector<1024x3072xf32> to vector<8x3072xf32>
    %min3A_255 = arith.minimumf %min3A_253, %slice3A_254 : vector<8x3072xf32>
    %slice3A_256 = vector.extract_strided_slice %max3A_16 {offsets = [968, 0], sizes = [8, 3072], strides = [1, 1]} : vector<1024x3072xf32> to vector<8x3072xf32>
    %min3A_257 = arith.minimumf %min3A_255, %slice3A_256 : vector<8x3072xf32>
    %slice3A_258 = vector.extract_strided_slice %max3A_16 {offsets = [976, 0], sizes = [8, 3072], strides = [1, 1]} : vector<1024x3072xf32> to vector<8x3072xf32>
    %min3A_259 = arith.minimumf %min3A_257, %slice3A_258 : vector<8x3072xf32>
    %slice3A_260 = vector.extract_strided_slice %max3A_16 {offsets = [984, 0], sizes = [8, 3072], strides = [1, 1]} : vector<1024x3072xf32> to vector<8x3072xf32>
    %min3A_261 = arith.minimumf %min3A_259, %slice3A_260 : vector<8x3072xf32>
    %slice3A_262 = vector.extract_strided_slice %max3A_16 {offsets = [992, 0], sizes = [8, 3072], strides = [1, 1]} : vector<1024x3072xf32> to vector<8x3072xf32>
    %min3A_263 = arith.minimumf %min3A_261, %slice3A_262 : vector<8x3072xf32>
    %slice3A_264 = vector.extract_strided_slice %max3A_16 {offsets = [1000, 0], sizes = [8, 3072], strides = [1, 1]} : vector<1024x3072xf32> to vector<8x3072xf32>
    %min3A_265 = arith.minimumf %min3A_263, %slice3A_264 : vector<8x3072xf32>
    %slice3A_266 = vector.extract_strided_slice %max3A_16 {offsets = [1008, 0], sizes = [8, 3072], strides = [1, 1]} : vector<1024x3072xf32> to vector<8x3072xf32>
    %min3A_267 = arith.minimumf %min3A_265, %slice3A_266 : vector<8x3072xf32>
    %slice3A_268 = vector.extract_strided_slice %max3A_16 {offsets = [1016, 0], sizes = [8, 3072], strides = [1, 1]} : vector<1024x3072xf32> to vector<8x3072xf32>
    %min3A_269 = arith.minimumf %min3A_267, %slice3A_268 : vector<8x3072xf32>
    %slice3A_270 = vector.extract_strided_slice %min3A_269 {offsets = [0, 0], sizes = [4, 3072], strides = [1, 1]} : vector<8x3072xf32> to vector<4x3072xf32>
    %slice3A_271 = vector.extract_strided_slice %min3A_269 {offsets = [4, 0], sizes = [4, 3072], strides = [1, 1]} : vector<8x3072xf32> to vector<4x3072xf32>
    %min3A_272 = arith.minimumf %slice3A_270, %slice3A_271 : vector<4x3072xf32>
    %slice3A_273 = vector.extract_strided_slice %min3A_272 {offsets = [0, 0], sizes = [2, 3072], strides = [1, 1]} : vector<4x3072xf32> to vector<2x3072xf32>
    %slice3A_274 = vector.extract_strided_slice %min3A_272 {offsets = [2, 0], sizes = [2, 3072], strides = [1, 1]} : vector<4x3072xf32> to vector<2x3072xf32>
    %min3A_275 = arith.minimumf %slice3A_273, %slice3A_274 : vector<2x3072xf32>
    %slice3A_276 = vector.extract_strided_slice %min3A_275 {offsets = [0, 0], sizes = [1, 3072], strides = [1, 1]} : vector<2x3072xf32> to vector<1x3072xf32>
    %slice3A_277 = vector.extract_strided_slice %min3A_275 {offsets = [1, 0], sizes = [1, 3072], strides = [1, 1]} : vector<2x3072xf32> to vector<1x3072xf32>
    %min3A_278 = arith.minimumf %slice3A_276, %slice3A_277 : vector<1x3072xf32>
    %eq3A = arith.constant 0.000000e+00 : f32
    %eq3A_279 = vector.broadcast %eq3A : f32 to vector<1x3072xf32>
    %eq3A_280 = arith.cmpf oeq, %min3A_278, %eq3A_279 : vector<1x3072xf32>
    %rsqrt3A = math.rsqrt %min3A_278 : vector<1x3072xf32>
    %mul3A = arith.mulf %min3A_278, %rsqrt3A : vector<1x3072xf32>
    %jit3A = arith.constant 0.000000e+00 : f32
    %broadcast_in_dim3A = vector.broadcast %jit3A : f32 to vector<1x3072xf32>
    %select_n3A = arith.select %eq3A_280, %broadcast_in_dim3A, %mul3A : vector<1x3072xi1>, vector<1x3072xf32>
    %iota3A = tpu.iota {dimensions = array<i32: 0>} : vector<8x3072xi32>
    %convert_element_type3A = arith.sitofp %iota3A : vector<8x3072xi32> to vector<8x3072xf32>
    %broadcast_in_dim3A_281 = arith.constant 1.024000e+03 : f32
    %broadcast_in_dim3A_282 = vector.broadcast %broadcast_in_dim3A_281 : f32 to vector<8x3072xf32>
    %slice3A_283 = vector.extract_strided_slice %max3A_16 {offsets = [0, 0], sizes = [8, 3072], strides = [1, 1]} : vector<1024x3072xf32> to vector<8x3072xf32>
    %eq3A_284 = arith.constant 0.000000e+00 : f32
    %eq3A_285 = vector.broadcast %eq3A_284 : f32 to vector<8x3072xf32>
    %eq3A_286 = arith.cmpf oeq, %slice3A_283, %eq3A_285 : vector<8x3072xf32>
    %rsqrt3A_287 = math.rsqrt %slice3A_283 : vector<8x3072xf32>
    %mul3A_288 = arith.mulf %slice3A_283, %rsqrt3A_287 : vector<8x3072xf32>
    %jit3A_289 = arith.constant 0.000000e+00 : f32
    %broadcast_in_dim3A_290 = vector.broadcast %jit3A_289 : f32 to vector<8x3072xf32>
    %select_n3A_291 = arith.select %eq3A_286, %broadcast_in_dim3A_290, %mul3A_288 : vector<8x3072xi1>, vector<8x3072xf32>
    %eq3A_292 = vector.broadcast %select_n3A : vector<1x3072xf32> to vector<8x3072xf32>
    %eq3A_293 = arith.cmpf oeq, %select_n3A_291, %eq3A_292 : vector<8x3072xf32>
    %add3A_294 = arith.constant 0.000000e+00 : f32
    %add3A_295 = vector.broadcast %add3A_294 : f32 to vector<8x3072xf32>
    %add3A_296 = arith.addf %convert_element_type3A, %add3A_295 : vector<8x3072xf32>
    %jit3A_297 = arith.constant 1.024000e+03 : f32
    %broadcast_in_dim3A_298 = vector.broadcast %jit3A_297 : f32 to vector<8x3072xf32>
    %select_n3A_299 = arith.select %eq3A_293, %add3A_296, %broadcast_in_dim3A_298 : vector<8x3072xi1>, vector<8x3072xf32>
    %min3A_300 = arith.minimumf %broadcast_in_dim3A_282, %select_n3A_299 : vector<8x3072xf32>
    %slice3A_301 = vector.extract_strided_slice %max3A_16 {offsets = [8, 0], sizes = [8, 3072], strides = [1, 1]} : vector<1024x3072xf32> to vector<8x3072xf32>
    %eq3A_302 = arith.constant 0.000000e+00 : f32
    %eq3A_303 = vector.broadcast %eq3A_302 : f32 to vector<8x3072xf32>
    %eq3A_304 = arith.cmpf oeq, %slice3A_301, %eq3A_303 : vector<8x3072xf32>
    %rsqrt3A_305 = math.rsqrt %slice3A_301 : vector<8x3072xf32>
    %mul3A_306 = arith.mulf %slice3A_301, %rsqrt3A_305 : vector<8x3072xf32>
    %jit3A_307 = arith.constant 0.000000e+00 : f32
    %broadcast_in_dim3A_308 = vector.broadcast %jit3A_307 : f32 to vector<8x3072xf32>
    %select_n3A_309 = arith.select %eq3A_304, %broadcast_in_dim3A_308, %mul3A_306 : vector<8x3072xi1>, vector<8x3072xf32>
    %eq3A_310 = vector.broadcast %select_n3A : vector<1x3072xf32> to vector<8x3072xf32>
    %eq3A_311 = arith.cmpf oeq, %select_n3A_309, %eq3A_310 : vector<8x3072xf32>
    %add3A_312 = arith.constant 8.000000e+00 : f32
    %add3A_313 = vector.broadcast %add3A_312 : f32 to vector<8x3072xf32>
    %add3A_314 = arith.addf %convert_element_type3A, %add3A_313 : vector<8x3072xf32>
    %jit3A_315 = arith.constant 1.024000e+03 : f32
    %broadcast_in_dim3A_316 = vector.broadcast %jit3A_315 : f32 to vector<8x3072xf32>
    %select_n3A_317 = arith.select %eq3A_311, %add3A_314, %broadcast_in_dim3A_316 : vector<8x3072xi1>, vector<8x3072xf32>
    %min3A_318 = arith.minimumf %min3A_300, %select_n3A_317 : vector<8x3072xf32>
    %slice3A_319 = vector.extract_strided_slice %max3A_16 {offsets = [16, 0], sizes = [8, 3072], strides = [1, 1]} : vector<1024x3072xf32> to vector<8x3072xf32>
    %eq3A_320 = arith.constant 0.000000e+00 : f32
    %eq3A_321 = vector.broadcast %eq3A_320 : f32 to vector<8x3072xf32>
    %eq3A_322 = arith.cmpf oeq, %slice3A_319, %eq3A_321 : vector<8x3072xf32>
    %rsqrt3A_323 = math.rsqrt %slice3A_319 : vector<8x3072xf32>
    %mul3A_324 = arith.mulf %slice3A_319, %rsqrt3A_323 : vector<8x3072xf32>
    %jit3A_325 = arith.constant 0.000000e+00 : f32
    %broadcast_in_dim3A_326 = vector.broadcast %jit3A_325 : f32 to vector<8x3072xf32>
    %select_n3A_327 = arith.select %eq3A_322, %broadcast_in_dim3A_326, %mul3A_324 : vector<8x3072xi1>, vector<8x3072xf32>
    %eq3A_328 = vector.broadcast %select_n3A : vector<1x3072xf32> to vector<8x3072xf32>
    %eq3A_329 = arith.cmpf oeq, %select_n3A_327, %eq3A_328 : vector<8x3072xf32>
    %add3A_330 = arith.constant 1.600000e+01 : f32
    %add3A_331 = vector.broadcast %add3A_330 : f32 to vector<8x3072xf32>
    %add3A_332 = arith.addf %convert_element_type3A, %add3A_331 : vector<8x3072xf32>
    %jit3A_333 = arith.constant 1.024000e+03 : f32
    %broadcast_in_dim3A_334 = vector.broadcast %jit3A_333 : f32 to vector<8x3072xf32>
    %select_n3A_335 = arith.select %eq3A_329, %add3A_332, %broadcast_in_dim3A_334 : vector<8x3072xi1>, vector<8x3072xf32>
    %min3A_336 = arith.minimumf %min3A_318, %select_n3A_335 : vector<8x3072xf32>
    %slice3A_337 = vector.extract_strided_slice %max3A_16 {offsets = [24, 0], sizes = [8, 3072], strides = [1, 1]} : vector<1024x3072xf32> to vector<8x3072xf32>
    %eq3A_338 = arith.constant 0.000000e+00 : f32
    %eq3A_339 = vector.broadcast %eq3A_338 : f32 to vector<8x3072xf32>
    %eq3A_340 = arith.cmpf oeq, %slice3A_337, %eq3A_339 : vector<8x3072xf32>
    %rsqrt3A_341 = math.rsqrt %slice3A_337 : vector<8x3072xf32>
    %mul3A_342 = arith.mulf %slice3A_337, %rsqrt3A_341 : vector<8x3072xf32>
    %jit3A_343 = arith.constant 0.000000e+00 : f32
    %broadcast_in_dim3A_344 = vector.broadcast %jit3A_343 : f32 to vector<8x3072xf32>
    %select_n3A_345 = arith.select %eq3A_340, %broadcast_in_dim3A_344, %mul3A_342 : vector<8x3072xi1>, vector<8x3072xf32>
    %eq3A_346 = vector.broadcast %select_n3A : vector<1x3072xf32> to vector<8x3072xf32>
    %eq3A_347 = arith.cmpf oeq, %select_n3A_345, %eq3A_346 : vector<8x3072xf32>
    %add3A_348 = arith.constant 2.400000e+01 : f32
    %add3A_349 = vector.broadcast %add3A_348 : f32 to vector<8x3072xf32>
    %add3A_350 = arith.addf %convert_element_type3A, %add3A_349 : vector<8x3072xf32>
    %jit3A_351 = arith.constant 1.024000e+03 : f32
    %broadcast_in_dim3A_352 = vector.broadcast %jit3A_351 : f32 to vector<8x3072xf32>
    %select_n3A_353 = arith.select %eq3A_347, %add3A_350, %broadcast_in_dim3A_352 : vector<8x3072xi1>, vector<8x3072xf32>
    %min3A_354 = arith.minimumf %min3A_336, %select_n3A_353 : vector<8x3072xf32>
    %slice3A_355 = vector.extract_strided_slice %max3A_16 {offsets = [32, 0], sizes = [8, 3072], strides = [1, 1]} : vector<1024x3072xf32> to vector<8x3072xf32>
    %eq3A_356 = arith.constant 0.000000e+00 : f32
    %eq3A_357 = vector.broadcast %eq3A_356 : f32 to vector<8x3072xf32>
    %eq3A_358 = arith.cmpf oeq, %slice3A_355, %eq3A_357 : vector<8x3072xf32>
    %rsqrt3A_359 = math.rsqrt %slice3A_355 : vector<8x3072xf32>
    %mul3A_360 = arith.mulf %slice3A_355, %rsqrt3A_359 : vector<8x3072xf32>
    %jit3A_361 = arith.constant 0.000000e+00 : f32
    %broadcast_in_dim3A_362 = vector.broadcast %jit3A_361 : f32 to vector<8x3072xf32>
    %select_n3A_363 = arith.select %eq3A_358, %broadcast_in_dim3A_362, %mul3A_360 : vector<8x3072xi1>, vector<8x3072xf32>
    %eq3A_364 = vector.broadcast %select_n3A : vector<1x3072xf32> to vector<8x3072xf32>
    %eq3A_365 = arith.cmpf oeq, %select_n3A_363, %eq3A_364 : vector<8x3072xf32>
    %add3A_366 = arith.constant 3.200000e+01 : f32
    %add3A_367 = vector.broadcast %add3A_366 : f32 to vector<8x3072xf32>
    %add3A_368 = arith.addf %convert_element_type3A, %add3A_367 : vector<8x3072xf32>
    %jit3A_369 = arith.constant 1.024000e+03 : f32
    %broadcast_in_dim3A_370 = vector.broadcast %jit3A_369 : f32 to vector<8x3072xf32>
    %select_n3A_371 = arith.select %eq3A_365, %add3A_368, %broadcast_in_dim3A_370 : vector<8x3072xi1>, vector<8x3072xf32>
    %min3A_372 = arith.minimumf %min3A_354, %select_n3A_371 : vector<8x3072xf32>
    %slice3A_373 = vector.extract_strided_slice %max3A_16 {offsets = [40, 0], sizes = [8, 3072], strides = [1, 1]} : vector<1024x3072xf32> to vector<8x3072xf32>
    %eq3A_374 = arith.constant 0.000000e+00 : f32
    %eq3A_375 = vector.broadcast %eq3A_374 : f32 to vector<8x3072xf32>
    %eq3A_376 = arith.cmpf oeq, %slice3A_373, %eq3A_375 : vector<8x3072xf32>
    %rsqrt3A_377 = math.rsqrt %slice3A_373 : vector<8x3072xf32>
    %mul3A_378 = arith.mulf %slice3A_373, %rsqrt3A_377 : vector<8x3072xf32>
    %jit3A_379 = arith.constant 0.000000e+00 : f32
    %broadcast_in_dim3A_380 = vector.broadcast %jit3A_379 : f32 to vector<8x3072xf32>
    %select_n3A_381 = arith.select %eq3A_376, %broadcast_in_dim3A_380, %mul3A_378 : vector<8x3072xi1>, vector<8x3072xf32>
    %eq3A_382 = vector.broadcast %select_n3A : vector<1x3072xf32> to vector<8x3072xf32>
    %eq3A_383 = arith.cmpf oeq, %select_n3A_381, %eq3A_382 : vector<8x3072xf32>
    %add3A_384 = arith.constant 4.000000e+01 : f32
    %add3A_385 = vector.broadcast %add3A_384 : f32 to vector<8x3072xf32>
    %add3A_386 = arith.addf %convert_element_type3A, %add3A_385 : vector<8x3072xf32>
    %jit3A_387 = arith.constant 1.024000e+03 : f32
    %broadcast_in_dim3A_388 = vector.broadcast %jit3A_387 : f32 to vector<8x3072xf32>
    %select_n3A_389 = arith.select %eq3A_383, %add3A_386, %broadcast_in_dim3A_388 : vector<8x3072xi1>, vector<8x3072xf32>
    %min3A_390 = arith.minimumf %min3A_372, %select_n3A_389 : vector<8x3072xf32>
    %slice3A_391 = vector.extract_strided_slice %max3A_16 {offsets = [48, 0], sizes = [8, 3072], strides = [1, 1]} : vector<1024x3072xf32> to vector<8x3072xf32>
    %eq3A_392 = arith.constant 0.000000e+00 : f32
    %eq3A_393 = vector.broadcast %eq3A_392 : f32 to vector<8x3072xf32>
    %eq3A_394 = arith.cmpf oeq, %slice3A_391, %eq3A_393 : vector<8x3072xf32>
    %rsqrt3A_395 = math.rsqrt %slice3A_391 : vector<8x3072xf32>
    %mul3A_396 = arith.mulf %slice3A_391, %rsqrt3A_395 : vector<8x3072xf32>
    %jit3A_397 = arith.constant 0.000000e+00 : f32
    %broadcast_in_dim3A_398 = vector.broadcast %jit3A_397 : f32 to vector<8x3072xf32>
    %select_n3A_399 = arith.select %eq3A_394, %broadcast_in_dim3A_398, %mul3A_396 : vector<8x3072xi1>, vector<8x3072xf32>
    %eq3A_400 = vector.broadcast %select_n3A : vector<1x3072xf32> to vector<8x3072xf32>
    %eq3A_401 = arith.cmpf oeq, %select_n3A_399, %eq3A_400 : vector<8x3072xf32>
    %add3A_402 = arith.constant 4.800000e+01 : f32
    %add3A_403 = vector.broadcast %add3A_402 : f32 to vector<8x3072xf32>
    %add3A_404 = arith.addf %convert_element_type3A, %add3A_403 : vector<8x3072xf32>
    %jit3A_405 = arith.constant 1.024000e+03 : f32
    %broadcast_in_dim3A_406 = vector.broadcast %jit3A_405 : f32 to vector<8x3072xf32>
    %select_n3A_407 = arith.select %eq3A_401, %add3A_404, %broadcast_in_dim3A_406 : vector<8x3072xi1>, vector<8x3072xf32>
    %min3A_408 = arith.minimumf %min3A_390, %select_n3A_407 : vector<8x3072xf32>
    %slice3A_409 = vector.extract_strided_slice %max3A_16 {offsets = [56, 0], sizes = [8, 3072], strides = [1, 1]} : vector<1024x3072xf32> to vector<8x3072xf32>
    %eq3A_410 = arith.constant 0.000000e+00 : f32
    %eq3A_411 = vector.broadcast %eq3A_410 : f32 to vector<8x3072xf32>
    %eq3A_412 = arith.cmpf oeq, %slice3A_409, %eq3A_411 : vector<8x3072xf32>
    %rsqrt3A_413 = math.rsqrt %slice3A_409 : vector<8x3072xf32>
    %mul3A_414 = arith.mulf %slice3A_409, %rsqrt3A_413 : vector<8x3072xf32>
    %jit3A_415 = arith.constant 0.000000e+00 : f32
    %broadcast_in_dim3A_416 = vector.broadcast %jit3A_415 : f32 to vector<8x3072xf32>
    %select_n3A_417 = arith.select %eq3A_412, %broadcast_in_dim3A_416, %mul3A_414 : vector<8x3072xi1>, vector<8x3072xf32>
    %eq3A_418 = vector.broadcast %select_n3A : vector<1x3072xf32> to vector<8x3072xf32>
    %eq3A_419 = arith.cmpf oeq, %select_n3A_417, %eq3A_418 : vector<8x3072xf32>
    %add3A_420 = arith.constant 5.600000e+01 : f32
    %add3A_421 = vector.broadcast %add3A_420 : f32 to vector<8x3072xf32>
    %add3A_422 = arith.addf %convert_element_type3A, %add3A_421 : vector<8x3072xf32>
    %jit3A_423 = arith.constant 1.024000e+03 : f32
    %broadcast_in_dim3A_424 = vector.broadcast %jit3A_423 : f32 to vector<8x3072xf32>
    %select_n3A_425 = arith.select %eq3A_419, %add3A_422, %broadcast_in_dim3A_424 : vector<8x3072xi1>, vector<8x3072xf32>
    %min3A_426 = arith.minimumf %min3A_408, %select_n3A_425 : vector<8x3072xf32>
    %slice3A_427 = vector.extract_strided_slice %max3A_16 {offsets = [64, 0], sizes = [8, 3072], strides = [1, 1]} : vector<1024x3072xf32> to vector<8x3072xf32>
    %eq3A_428 = arith.constant 0.000000e+00 : f32
    %eq3A_429 = vector.broadcast %eq3A_428 : f32 to vector<8x3072xf32>
    %eq3A_430 = arith.cmpf oeq, %slice3A_427, %eq3A_429 : vector<8x3072xf32>
    %rsqrt3A_431 = math.rsqrt %slice3A_427 : vector<8x3072xf32>
    %mul3A_432 = arith.mulf %slice3A_427, %rsqrt3A_431 : vector<8x3072xf32>
    %jit3A_433 = arith.constant 0.000000e+00 : f32
    %broadcast_in_dim3A_434 = vector.broadcast %jit3A_433 : f32 to vector<8x3072xf32>
    %select_n3A_435 = arith.select %eq3A_430, %broadcast_in_dim3A_434, %mul3A_432 : vector<8x3072xi1>, vector<8x3072xf32>
    %eq3A_436 = vector.broadcast %select_n3A : vector<1x3072xf32> to vector<8x3072xf32>
    %eq3A_437 = arith.cmpf oeq, %select_n3A_435, %eq3A_436 : vector<8x3072xf32>
    %add3A_438 = arith.constant 6.400000e+01 : f32
    %add3A_439 = vector.broadcast %add3A_438 : f32 to vector<8x3072xf32>
    %add3A_440 = arith.addf %convert_element_type3A, %add3A_439 : vector<8x3072xf32>
    %jit3A_441 = arith.constant 1.024000e+03 : f32
    %broadcast_in_dim3A_442 = vector.broadcast %jit3A_441 : f32 to vector<8x3072xf32>
    %select_n3A_443 = arith.select %eq3A_437, %add3A_440, %broadcast_in_dim3A_442 : vector<8x3072xi1>, vector<8x3072xf32>
    %min3A_444 = arith.minimumf %min3A_426, %select_n3A_443 : vector<8x3072xf32>
    %slice3A_445 = vector.extract_strided_slice %max3A_16 {offsets = [72, 0], sizes = [8, 3072], strides = [1, 1]} : vector<1024x3072xf32> to vector<8x3072xf32>
    %eq3A_446 = arith.constant 0.000000e+00 : f32
    %eq3A_447 = vector.broadcast %eq3A_446 : f32 to vector<8x3072xf32>
    %eq3A_448 = arith.cmpf oeq, %slice3A_445, %eq3A_447 : vector<8x3072xf32>
    %rsqrt3A_449 = math.rsqrt %slice3A_445 : vector<8x3072xf32>
    %mul3A_450 = arith.mulf %slice3A_445, %rsqrt3A_449 : vector<8x3072xf32>
    %jit3A_451 = arith.constant 0.000000e+00 : f32
    %broadcast_in_dim3A_452 = vector.broadcast %jit3A_451 : f32 to vector<8x3072xf32>
    %select_n3A_453 = arith.select %eq3A_448, %broadcast_in_dim3A_452, %mul3A_450 : vector<8x3072xi1>, vector<8x3072xf32>
    %eq3A_454 = vector.broadcast %select_n3A : vector<1x3072xf32> to vector<8x3072xf32>
    %eq3A_455 = arith.cmpf oeq, %select_n3A_453, %eq3A_454 : vector<8x3072xf32>
    %add3A_456 = arith.constant 7.200000e+01 : f32
    %add3A_457 = vector.broadcast %add3A_456 : f32 to vector<8x3072xf32>
    %add3A_458 = arith.addf %convert_element_type3A, %add3A_457 : vector<8x3072xf32>
    %jit3A_459 = arith.constant 1.024000e+03 : f32
    %broadcast_in_dim3A_460 = vector.broadcast %jit3A_459 : f32 to vector<8x3072xf32>
    %select_n3A_461 = arith.select %eq3A_455, %add3A_458, %broadcast_in_dim3A_460 : vector<8x3072xi1>, vector<8x3072xf32>
    %min3A_462 = arith.minimumf %min3A_444, %select_n3A_461 : vector<8x3072xf32>
    %slice3A_463 = vector.extract_strided_slice %max3A_16 {offsets = [80, 0], sizes = [8, 3072], strides = [1, 1]} : vector<1024x3072xf32> to vector<8x3072xf32>
    %eq3A_464 = arith.constant 0.000000e+00 : f32
    %eq3A_465 = vector.broadcast %eq3A_464 : f32 to vector<8x3072xf32>
    %eq3A_466 = arith.cmpf oeq, %slice3A_463, %eq3A_465 : vector<8x3072xf32>
    %rsqrt3A_467 = math.rsqrt %slice3A_463 : vector<8x3072xf32>
    %mul3A_468 = arith.mulf %slice3A_463, %rsqrt3A_467 : vector<8x3072xf32>
    %jit3A_469 = arith.constant 0.000000e+00 : f32
    %broadcast_in_dim3A_470 = vector.broadcast %jit3A_469 : f32 to vector<8x3072xf32>
    %select_n3A_471 = arith.select %eq3A_466, %broadcast_in_dim3A_470, %mul3A_468 : vector<8x3072xi1>, vector<8x3072xf32>
    %eq3A_472 = vector.broadcast %select_n3A : vector<1x3072xf32> to vector<8x3072xf32>
    %eq3A_473 = arith.cmpf oeq, %select_n3A_471, %eq3A_472 : vector<8x3072xf32>
    %add3A_474 = arith.constant 8.000000e+01 : f32
    %add3A_475 = vector.broadcast %add3A_474 : f32 to vector<8x3072xf32>
    %add3A_476 = arith.addf %convert_element_type3A, %add3A_475 : vector<8x3072xf32>
    %jit3A_477 = arith.constant 1.024000e+03 : f32
    %broadcast_in_dim3A_478 = vector.broadcast %jit3A_477 : f32 to vector<8x3072xf32>
    %select_n3A_479 = arith.select %eq3A_473, %add3A_476, %broadcast_in_dim3A_478 : vector<8x3072xi1>, vector<8x3072xf32>
    %min3A_480 = arith.minimumf %min3A_462, %select_n3A_479 : vector<8x3072xf32>
    %slice3A_481 = vector.extract_strided_slice %max3A_16 {offsets = [88, 0], sizes = [8, 3072], strides = [1, 1]} : vector<1024x3072xf32> to vector<8x3072xf32>
    %eq3A_482 = arith.constant 0.000000e+00 : f32
    %eq3A_483 = vector.broadcast %eq3A_482 : f32 to vector<8x3072xf32>
    %eq3A_484 = arith.cmpf oeq, %slice3A_481, %eq3A_483 : vector<8x3072xf32>
    %rsqrt3A_485 = math.rsqrt %slice3A_481 : vector<8x3072xf32>
    %mul3A_486 = arith.mulf %slice3A_481, %rsqrt3A_485 : vector<8x3072xf32>
    %jit3A_487 = arith.constant 0.000000e+00 : f32
    %broadcast_in_dim3A_488 = vector.broadcast %jit3A_487 : f32 to vector<8x3072xf32>
    %select_n3A_489 = arith.select %eq3A_484, %broadcast_in_dim3A_488, %mul3A_486 : vector<8x3072xi1>, vector<8x3072xf32>
    %eq3A_490 = vector.broadcast %select_n3A : vector<1x3072xf32> to vector<8x3072xf32>
    %eq3A_491 = arith.cmpf oeq, %select_n3A_489, %eq3A_490 : vector<8x3072xf32>
    %add3A_492 = arith.constant 8.800000e+01 : f32
    %add3A_493 = vector.broadcast %add3A_492 : f32 to vector<8x3072xf32>
    %add3A_494 = arith.addf %convert_element_type3A, %add3A_493 : vector<8x3072xf32>
    %jit3A_495 = arith.constant 1.024000e+03 : f32
    %broadcast_in_dim3A_496 = vector.broadcast %jit3A_495 : f32 to vector<8x3072xf32>
    %select_n3A_497 = arith.select %eq3A_491, %add3A_494, %broadcast_in_dim3A_496 : vector<8x3072xi1>, vector<8x3072xf32>
    %min3A_498 = arith.minimumf %min3A_480, %select_n3A_497 : vector<8x3072xf32>
    %slice3A_499 = vector.extract_strided_slice %max3A_16 {offsets = [96, 0], sizes = [8, 3072], strides = [1, 1]} : vector<1024x3072xf32> to vector<8x3072xf32>
    %eq3A_500 = arith.constant 0.000000e+00 : f32
    %eq3A_501 = vector.broadcast %eq3A_500 : f32 to vector<8x3072xf32>
    %eq3A_502 = arith.cmpf oeq, %slice3A_499, %eq3A_501 : vector<8x3072xf32>
    %rsqrt3A_503 = math.rsqrt %slice3A_499 : vector<8x3072xf32>
    %mul3A_504 = arith.mulf %slice3A_499, %rsqrt3A_503 : vector<8x3072xf32>
    %jit3A_505 = arith.constant 0.000000e+00 : f32
    %broadcast_in_dim3A_506 = vector.broadcast %jit3A_505 : f32 to vector<8x3072xf32>
    %select_n3A_507 = arith.select %eq3A_502, %broadcast_in_dim3A_506, %mul3A_504 : vector<8x3072xi1>, vector<8x3072xf32>
    %eq3A_508 = vector.broadcast %select_n3A : vector<1x3072xf32> to vector<8x3072xf32>
    %eq3A_509 = arith.cmpf oeq, %select_n3A_507, %eq3A_508 : vector<8x3072xf32>
    %add3A_510 = arith.constant 9.600000e+01 : f32
    %add3A_511 = vector.broadcast %add3A_510 : f32 to vector<8x3072xf32>
    %add3A_512 = arith.addf %convert_element_type3A, %add3A_511 : vector<8x3072xf32>
    %jit3A_513 = arith.constant 1.024000e+03 : f32
    %broadcast_in_dim3A_514 = vector.broadcast %jit3A_513 : f32 to vector<8x3072xf32>
    %select_n3A_515 = arith.select %eq3A_509, %add3A_512, %broadcast_in_dim3A_514 : vector<8x3072xi1>, vector<8x3072xf32>
    %min3A_516 = arith.minimumf %min3A_498, %select_n3A_515 : vector<8x3072xf32>
    %slice3A_517 = vector.extract_strided_slice %max3A_16 {offsets = [104, 0], sizes = [8, 3072], strides = [1, 1]} : vector<1024x3072xf32> to vector<8x3072xf32>
    %eq3A_518 = arith.constant 0.000000e+00 : f32
    %eq3A_519 = vector.broadcast %eq3A_518 : f32 to vector<8x3072xf32>
    %eq3A_520 = arith.cmpf oeq, %slice3A_517, %eq3A_519 : vector<8x3072xf32>
    %rsqrt3A_521 = math.rsqrt %slice3A_517 : vector<8x3072xf32>
    %mul3A_522 = arith.mulf %slice3A_517, %rsqrt3A_521 : vector<8x3072xf32>
    %jit3A_523 = arith.constant 0.000000e+00 : f32
    %broadcast_in_dim3A_524 = vector.broadcast %jit3A_523 : f32 to vector<8x3072xf32>
    %select_n3A_525 = arith.select %eq3A_520, %broadcast_in_dim3A_524, %mul3A_522 : vector<8x3072xi1>, vector<8x3072xf32>
    %eq3A_526 = vector.broadcast %select_n3A : vector<1x3072xf32> to vector<8x3072xf32>
    %eq3A_527 = arith.cmpf oeq, %select_n3A_525, %eq3A_526 : vector<8x3072xf32>
    %add3A_528 = arith.constant 1.040000e+02 : f32
    %add3A_529 = vector.broadcast %add3A_528 : f32 to vector<8x3072xf32>
    %add3A_530 = arith.addf %convert_element_type3A, %add3A_529 : vector<8x3072xf32>
    %jit3A_531 = arith.constant 1.024000e+03 : f32
    %broadcast_in_dim3A_532 = vector.broadcast %jit3A_531 : f32 to vector<8x3072xf32>
    %select_n3A_533 = arith.select %eq3A_527, %add3A_530, %broadcast_in_dim3A_532 : vector<8x3072xi1>, vector<8x3072xf32>
    %min3A_534 = arith.minimumf %min3A_516, %select_n3A_533 : vector<8x3072xf32>
    %slice3A_535 = vector.extract_strided_slice %max3A_16 {offsets = [112, 0], sizes = [8, 3072], strides = [1, 1]} : vector<1024x3072xf32> to vector<8x3072xf32>
    %eq3A_536 = arith.constant 0.000000e+00 : f32
    %eq3A_537 = vector.broadcast %eq3A_536 : f32 to vector<8x3072xf32>
    %eq3A_538 = arith.cmpf oeq, %slice3A_535, %eq3A_537 : vector<8x3072xf32>
    %rsqrt3A_539 = math.rsqrt %slice3A_535 : vector<8x3072xf32>
    %mul3A_540 = arith.mulf %slice3A_535, %rsqrt3A_539 : vector<8x3072xf32>
    %jit3A_541 = arith.constant 0.000000e+00 : f32
    %broadcast_in_dim3A_542 = vector.broadcast %jit3A_541 : f32 to vector<8x3072xf32>
    %select_n3A_543 = arith.select %eq3A_538, %broadcast_in_dim3A_542, %mul3A_540 : vector<8x3072xi1>, vector<8x3072xf32>
    %eq3A_544 = vector.broadcast %select_n3A : vector<1x3072xf32> to vector<8x3072xf32>
    %eq3A_545 = arith.cmpf oeq, %select_n3A_543, %eq3A_544 : vector<8x3072xf32>
    %add3A_546 = arith.constant 1.120000e+02 : f32
    %add3A_547 = vector.broadcast %add3A_546 : f32 to vector<8x3072xf32>
    %add3A_548 = arith.addf %convert_element_type3A, %add3A_547 : vector<8x3072xf32>
    %jit3A_549 = arith.constant 1.024000e+03 : f32
    %broadcast_in_dim3A_550 = vector.broadcast %jit3A_549 : f32 to vector<8x3072xf32>
    %select_n3A_551 = arith.select %eq3A_545, %add3A_548, %broadcast_in_dim3A_550 : vector<8x3072xi1>, vector<8x3072xf32>
    %min3A_552 = arith.minimumf %min3A_534, %select_n3A_551 : vector<8x3072xf32>
    %slice3A_553 = vector.extract_strided_slice %max3A_16 {offsets = [120, 0], sizes = [8, 3072], strides = [1, 1]} : vector<1024x3072xf32> to vector<8x3072xf32>
    %eq3A_554 = arith.constant 0.000000e+00 : f32
    %eq3A_555 = vector.broadcast %eq3A_554 : f32 to vector<8x3072xf32>
    %eq3A_556 = arith.cmpf oeq, %slice3A_553, %eq3A_555 : vector<8x3072xf32>
    %rsqrt3A_557 = math.rsqrt %slice3A_553 : vector<8x3072xf32>
    %mul3A_558 = arith.mulf %slice3A_553, %rsqrt3A_557 : vector<8x3072xf32>
    %jit3A_559 = arith.constant 0.000000e+00 : f32
    %broadcast_in_dim3A_560 = vector.broadcast %jit3A_559 : f32 to vector<8x3072xf32>
    %select_n3A_561 = arith.select %eq3A_556, %broadcast_in_dim3A_560, %mul3A_558 : vector<8x3072xi1>, vector<8x3072xf32>
    %eq3A_562 = vector.broadcast %select_n3A : vector<1x3072xf32> to vector<8x3072xf32>
    %eq3A_563 = arith.cmpf oeq, %select_n3A_561, %eq3A_562 : vector<8x3072xf32>
    %add3A_564 = arith.constant 1.200000e+02 : f32
    %add3A_565 = vector.broadcast %add3A_564 : f32 to vector<8x3072xf32>
    %add3A_566 = arith.addf %convert_element_type3A, %add3A_565 : vector<8x3072xf32>
    %jit3A_567 = arith.constant 1.024000e+03 : f32
    %broadcast_in_dim3A_568 = vector.broadcast %jit3A_567 : f32 to vector<8x3072xf32>
    %select_n3A_569 = arith.select %eq3A_563, %add3A_566, %broadcast_in_dim3A_568 : vector<8x3072xi1>, vector<8x3072xf32>
    %min3A_570 = arith.minimumf %min3A_552, %select_n3A_569 : vector<8x3072xf32>
    %slice3A_571 = vector.extract_strided_slice %max3A_16 {offsets = [128, 0], sizes = [8, 3072], strides = [1, 1]} : vector<1024x3072xf32> to vector<8x3072xf32>
    %eq3A_572 = arith.constant 0.000000e+00 : f32
    %eq3A_573 = vector.broadcast %eq3A_572 : f32 to vector<8x3072xf32>
    %eq3A_574 = arith.cmpf oeq, %slice3A_571, %eq3A_573 : vector<8x3072xf32>
    %rsqrt3A_575 = math.rsqrt %slice3A_571 : vector<8x3072xf32>
    %mul3A_576 = arith.mulf %slice3A_571, %rsqrt3A_575 : vector<8x3072xf32>
    %jit3A_577 = arith.constant 0.000000e+00 : f32
    %broadcast_in_dim3A_578 = vector.broadcast %jit3A_577 : f32 to vector<8x3072xf32>
    %select_n3A_579 = arith.select %eq3A_574, %broadcast_in_dim3A_578, %mul3A_576 : vector<8x3072xi1>, vector<8x3072xf32>
    %eq3A_580 = vector.broadcast %select_n3A : vector<1x3072xf32> to vector<8x3072xf32>
    %eq3A_581 = arith.cmpf oeq, %select_n3A_579, %eq3A_580 : vector<8x3072xf32>
    %add3A_582 = arith.constant 1.280000e+02 : f32
    %add3A_583 = vector.broadcast %add3A_582 : f32 to vector<8x3072xf32>
    %add3A_584 = arith.addf %convert_element_type3A, %add3A_583 : vector<8x3072xf32>
    %jit3A_585 = arith.constant 1.024000e+03 : f32
    %broadcast_in_dim3A_586 = vector.broadcast %jit3A_585 : f32 to vector<8x3072xf32>
    %select_n3A_587 = arith.select %eq3A_581, %add3A_584, %broadcast_in_dim3A_586 : vector<8x3072xi1>, vector<8x3072xf32>
    %min3A_588 = arith.minimumf %min3A_570, %select_n3A_587 : vector<8x3072xf32>
    %slice3A_589 = vector.extract_strided_slice %max3A_16 {offsets = [136, 0], sizes = [8, 3072], strides = [1, 1]} : vector<1024x3072xf32> to vector<8x3072xf32>
    %eq3A_590 = arith.constant 0.000000e+00 : f32
    %eq3A_591 = vector.broadcast %eq3A_590 : f32 to vector<8x3072xf32>
    %eq3A_592 = arith.cmpf oeq, %slice3A_589, %eq3A_591 : vector<8x3072xf32>
    %rsqrt3A_593 = math.rsqrt %slice3A_589 : vector<8x3072xf32>
    %mul3A_594 = arith.mulf %slice3A_589, %rsqrt3A_593 : vector<8x3072xf32>
    %jit3A_595 = arith.constant 0.000000e+00 : f32
    %broadcast_in_dim3A_596 = vector.broadcast %jit3A_595 : f32 to vector<8x3072xf32>
    %select_n3A_597 = arith.select %eq3A_592, %broadcast_in_dim3A_596, %mul3A_594 : vector<8x3072xi1>, vector<8x3072xf32>
    %eq3A_598 = vector.broadcast %select_n3A : vector<1x3072xf32> to vector<8x3072xf32>
    %eq3A_599 = arith.cmpf oeq, %select_n3A_597, %eq3A_598 : vector<8x3072xf32>
    %add3A_600 = arith.constant 1.360000e+02 : f32
    %add3A_601 = vector.broadcast %add3A_600 : f32 to vector<8x3072xf32>
    %add3A_602 = arith.addf %convert_element_type3A, %add3A_601 : vector<8x3072xf32>
    %jit3A_603 = arith.constant 1.024000e+03 : f32
    %broadcast_in_dim3A_604 = vector.broadcast %jit3A_603 : f32 to vector<8x3072xf32>
    %select_n3A_605 = arith.select %eq3A_599, %add3A_602, %broadcast_in_dim3A_604 : vector<8x3072xi1>, vector<8x3072xf32>
    %min3A_606 = arith.minimumf %min3A_588, %select_n3A_605 : vector<8x3072xf32>
    %slice3A_607 = vector.extract_strided_slice %max3A_16 {offsets = [144, 0], sizes = [8, 3072], strides = [1, 1]} : vector<1024x3072xf32> to vector<8x3072xf32>
    %eq3A_608 = arith.constant 0.000000e+00 : f32
    %eq3A_609 = vector.broadcast %eq3A_608 : f32 to vector<8x3072xf32>
    %eq3A_610 = arith.cmpf oeq, %slice3A_607, %eq3A_609 : vector<8x3072xf32>
    %rsqrt3A_611 = math.rsqrt %slice3A_607 : vector<8x3072xf32>
    %mul3A_612 = arith.mulf %slice3A_607, %rsqrt3A_611 : vector<8x3072xf32>
    %jit3A_613 = arith.constant 0.000000e+00 : f32
    %broadcast_in_dim3A_614 = vector.broadcast %jit3A_613 : f32 to vector<8x3072xf32>
    %select_n3A_615 = arith.select %eq3A_610, %broadcast_in_dim3A_614, %mul3A_612 : vector<8x3072xi1>, vector<8x3072xf32>
    %eq3A_616 = vector.broadcast %select_n3A : vector<1x3072xf32> to vector<8x3072xf32>
    %eq3A_617 = arith.cmpf oeq, %select_n3A_615, %eq3A_616 : vector<8x3072xf32>
    %add3A_618 = arith.constant 1.440000e+02 : f32
    %add3A_619 = vector.broadcast %add3A_618 : f32 to vector<8x3072xf32>
    %add3A_620 = arith.addf %convert_element_type3A, %add3A_619 : vector<8x3072xf32>
    %jit3A_621 = arith.constant 1.024000e+03 : f32
    %broadcast_in_dim3A_622 = vector.broadcast %jit3A_621 : f32 to vector<8x3072xf32>
    %select_n3A_623 = arith.select %eq3A_617, %add3A_620, %broadcast_in_dim3A_622 : vector<8x3072xi1>, vector<8x3072xf32>
    %min3A_624 = arith.minimumf %min3A_606, %select_n3A_623 : vector<8x3072xf32>
    %slice3A_625 = vector.extract_strided_slice %max3A_16 {offsets = [152, 0], sizes = [8, 3072], strides = [1, 1]} : vector<1024x3072xf32> to vector<8x3072xf32>
    %eq3A_626 = arith.constant 0.000000e+00 : f32
    %eq3A_627 = vector.broadcast %eq3A_626 : f32 to vector<8x3072xf32>
    %eq3A_628 = arith.cmpf oeq, %slice3A_625, %eq3A_627 : vector<8x3072xf32>
    %rsqrt3A_629 = math.rsqrt %slice3A_625 : vector<8x3072xf32>
    %mul3A_630 = arith.mulf %slice3A_625, %rsqrt3A_629 : vector<8x3072xf32>
    %jit3A_631 = arith.constant 0.000000e+00 : f32
    %broadcast_in_dim3A_632 = vector.broadcast %jit3A_631 : f32 to vector<8x3072xf32>
    %select_n3A_633 = arith.select %eq3A_628, %broadcast_in_dim3A_632, %mul3A_630 : vector<8x3072xi1>, vector<8x3072xf32>
    %eq3A_634 = vector.broadcast %select_n3A : vector<1x3072xf32> to vector<8x3072xf32>
    %eq3A_635 = arith.cmpf oeq, %select_n3A_633, %eq3A_634 : vector<8x3072xf32>
    %add3A_636 = arith.constant 1.520000e+02 : f32
    %add3A_637 = vector.broadcast %add3A_636 : f32 to vector<8x3072xf32>
    %add3A_638 = arith.addf %convert_element_type3A, %add3A_637 : vector<8x3072xf32>
    %jit3A_639 = arith.constant 1.024000e+03 : f32
    %broadcast_in_dim3A_640 = vector.broadcast %jit3A_639 : f32 to vector<8x3072xf32>
    %select_n3A_641 = arith.select %eq3A_635, %add3A_638, %broadcast_in_dim3A_640 : vector<8x3072xi1>, vector<8x3072xf32>
    %min3A_642 = arith.minimumf %min3A_624, %select_n3A_641 : vector<8x3072xf32>
    %slice3A_643 = vector.extract_strided_slice %max3A_16 {offsets = [160, 0], sizes = [8, 3072], strides = [1, 1]} : vector<1024x3072xf32> to vector<8x3072xf32>
    %eq3A_644 = arith.constant 0.000000e+00 : f32
    %eq3A_645 = vector.broadcast %eq3A_644 : f32 to vector<8x3072xf32>
    %eq3A_646 = arith.cmpf oeq, %slice3A_643, %eq3A_645 : vector<8x3072xf32>
    %rsqrt3A_647 = math.rsqrt %slice3A_643 : vector<8x3072xf32>
    %mul3A_648 = arith.mulf %slice3A_643, %rsqrt3A_647 : vector<8x3072xf32>
    %jit3A_649 = arith.constant 0.000000e+00 : f32
    %broadcast_in_dim3A_650 = vector.broadcast %jit3A_649 : f32 to vector<8x3072xf32>
    %select_n3A_651 = arith.select %eq3A_646, %broadcast_in_dim3A_650, %mul3A_648 : vector<8x3072xi1>, vector<8x3072xf32>
    %eq3A_652 = vector.broadcast %select_n3A : vector<1x3072xf32> to vector<8x3072xf32>
    %eq3A_653 = arith.cmpf oeq, %select_n3A_651, %eq3A_652 : vector<8x3072xf32>
    %add3A_654 = arith.constant 1.600000e+02 : f32
    %add3A_655 = vector.broadcast %add3A_654 : f32 to vector<8x3072xf32>
    %add3A_656 = arith.addf %convert_element_type3A, %add3A_655 : vector<8x3072xf32>
    %jit3A_657 = arith.constant 1.024000e+03 : f32
    %broadcast_in_dim3A_658 = vector.broadcast %jit3A_657 : f32 to vector<8x3072xf32>
    %select_n3A_659 = arith.select %eq3A_653, %add3A_656, %broadcast_in_dim3A_658 : vector<8x3072xi1>, vector<8x3072xf32>
    %min3A_660 = arith.minimumf %min3A_642, %select_n3A_659 : vector<8x3072xf32>
    %slice3A_661 = vector.extract_strided_slice %max3A_16 {offsets = [168, 0], sizes = [8, 3072], strides = [1, 1]} : vector<1024x3072xf32> to vector<8x3072xf32>
    %eq3A_662 = arith.constant 0.000000e+00 : f32
    %eq3A_663 = vector.broadcast %eq3A_662 : f32 to vector<8x3072xf32>
    %eq3A_664 = arith.cmpf oeq, %slice3A_661, %eq3A_663 : vector<8x3072xf32>
    %rsqrt3A_665 = math.rsqrt %slice3A_661 : vector<8x3072xf32>
    %mul3A_666 = arith.mulf %slice3A_661, %rsqrt3A_665 : vector<8x3072xf32>
    %jit3A_667 = arith.constant 0.000000e+00 : f32
    %broadcast_in_dim3A_668 = vector.broadcast %jit3A_667 : f32 to vector<8x3072xf32>
    %select_n3A_669 = arith.select %eq3A_664, %broadcast_in_dim3A_668, %mul3A_666 : vector<8x3072xi1>, vector<8x3072xf32>
    %eq3A_670 = vector.broadcast %select_n3A : vector<1x3072xf32> to vector<8x3072xf32>
    %eq3A_671 = arith.cmpf oeq, %select_n3A_669, %eq3A_670 : vector<8x3072xf32>
    %add3A_672 = arith.constant 1.680000e+02 : f32
    %add3A_673 = vector.broadcast %add3A_672 : f32 to vector<8x3072xf32>
    %add3A_674 = arith.addf %convert_element_type3A, %add3A_673 : vector<8x3072xf32>
    %jit3A_675 = arith.constant 1.024000e+03 : f32
    %broadcast_in_dim3A_676 = vector.broadcast %jit3A_675 : f32 to vector<8x3072xf32>
    %select_n3A_677 = arith.select %eq3A_671, %add3A_674, %broadcast_in_dim3A_676 : vector<8x3072xi1>, vector<8x3072xf32>
    %min3A_678 = arith.minimumf %min3A_660, %select_n3A_677 : vector<8x3072xf32>
    %slice3A_679 = vector.extract_strided_slice %max3A_16 {offsets = [176, 0], sizes = [8, 3072], strides = [1, 1]} : vector<1024x3072xf32> to vector<8x3072xf32>
    %eq3A_680 = arith.constant 0.000000e+00 : f32
    %eq3A_681 = vector.broadcast %eq3A_680 : f32 to vector<8x3072xf32>
    %eq3A_682 = arith.cmpf oeq, %slice3A_679, %eq3A_681 : vector<8x3072xf32>
    %rsqrt3A_683 = math.rsqrt %slice3A_679 : vector<8x3072xf32>
    %mul3A_684 = arith.mulf %slice3A_679, %rsqrt3A_683 : vector<8x3072xf32>
    %jit3A_685 = arith.constant 0.000000e+00 : f32
    %broadcast_in_dim3A_686 = vector.broadcast %jit3A_685 : f32 to vector<8x3072xf32>
    %select_n3A_687 = arith.select %eq3A_682, %broadcast_in_dim3A_686, %mul3A_684 : vector<8x3072xi1>, vector<8x3072xf32>
    %eq3A_688 = vector.broadcast %select_n3A : vector<1x3072xf32> to vector<8x3072xf32>
    %eq3A_689 = arith.cmpf oeq, %select_n3A_687, %eq3A_688 : vector<8x3072xf32>
    %add3A_690 = arith.constant 1.760000e+02 : f32
    %add3A_691 = vector.broadcast %add3A_690 : f32 to vector<8x3072xf32>
    %add3A_692 = arith.addf %convert_element_type3A, %add3A_691 : vector<8x3072xf32>
    %jit3A_693 = arith.constant 1.024000e+03 : f32
    %broadcast_in_dim3A_694 = vector.broadcast %jit3A_693 : f32 to vector<8x3072xf32>
    %select_n3A_695 = arith.select %eq3A_689, %add3A_692, %broadcast_in_dim3A_694 : vector<8x3072xi1>, vector<8x3072xf32>
    %min3A_696 = arith.minimumf %min3A_678, %select_n3A_695 : vector<8x3072xf32>
    %slice3A_697 = vector.extract_strided_slice %max3A_16 {offsets = [184, 0], sizes = [8, 3072], strides = [1, 1]} : vector<1024x3072xf32> to vector<8x3072xf32>
    %eq3A_698 = arith.constant 0.000000e+00 : f32
    %eq3A_699 = vector.broadcast %eq3A_698 : f32 to vector<8x3072xf32>
    %eq3A_700 = arith.cmpf oeq, %slice3A_697, %eq3A_699 : vector<8x3072xf32>
    %rsqrt3A_701 = math.rsqrt %slice3A_697 : vector<8x3072xf32>
    %mul3A_702 = arith.mulf %slice3A_697, %rsqrt3A_701 : vector<8x3072xf32>
    %jit3A_703 = arith.constant 0.000000e+00 : f32
    %broadcast_in_dim3A_704 = vector.broadcast %jit3A_703 : f32 to vector<8x3072xf32>
    %select_n3A_705 = arith.select %eq3A_700, %broadcast_in_dim3A_704, %mul3A_702 : vector<8x3072xi1>, vector<8x3072xf32>
    %eq3A_706 = vector.broadcast %select_n3A : vector<1x3072xf32> to vector<8x3072xf32>
    %eq3A_707 = arith.cmpf oeq, %select_n3A_705, %eq3A_706 : vector<8x3072xf32>
    %add3A_708 = arith.constant 1.840000e+02 : f32
    %add3A_709 = vector.broadcast %add3A_708 : f32 to vector<8x3072xf32>
    %add3A_710 = arith.addf %convert_element_type3A, %add3A_709 : vector<8x3072xf32>
    %jit3A_711 = arith.constant 1.024000e+03 : f32
    %broadcast_in_dim3A_712 = vector.broadcast %jit3A_711 : f32 to vector<8x3072xf32>
    %select_n3A_713 = arith.select %eq3A_707, %add3A_710, %broadcast_in_dim3A_712 : vector<8x3072xi1>, vector<8x3072xf32>
    %min3A_714 = arith.minimumf %min3A_696, %select_n3A_713 : vector<8x3072xf32>
    %slice3A_715 = vector.extract_strided_slice %max3A_16 {offsets = [192, 0], sizes = [8, 3072], strides = [1, 1]} : vector<1024x3072xf32> to vector<8x3072xf32>
    %eq3A_716 = arith.constant 0.000000e+00 : f32
    %eq3A_717 = vector.broadcast %eq3A_716 : f32 to vector<8x3072xf32>
    %eq3A_718 = arith.cmpf oeq, %slice3A_715, %eq3A_717 : vector<8x3072xf32>
    %rsqrt3A_719 = math.rsqrt %slice3A_715 : vector<8x3072xf32>
    %mul3A_720 = arith.mulf %slice3A_715, %rsqrt3A_719 : vector<8x3072xf32>
    %jit3A_721 = arith.constant 0.000000e+00 : f32
    %broadcast_in_dim3A_722 = vector.broadcast %jit3A_721 : f32 to vector<8x3072xf32>
    %select_n3A_723 = arith.select %eq3A_718, %broadcast_in_dim3A_722, %mul3A_720 : vector<8x3072xi1>, vector<8x3072xf32>
    %eq3A_724 = vector.broadcast %select_n3A : vector<1x3072xf32> to vector<8x3072xf32>
    %eq3A_725 = arith.cmpf oeq, %select_n3A_723, %eq3A_724 : vector<8x3072xf32>
    %add3A_726 = arith.constant 1.920000e+02 : f32
    %add3A_727 = vector.broadcast %add3A_726 : f32 to vector<8x3072xf32>
    %add3A_728 = arith.addf %convert_element_type3A, %add3A_727 : vector<8x3072xf32>
    %jit3A_729 = arith.constant 1.024000e+03 : f32
    %broadcast_in_dim3A_730 = vector.broadcast %jit3A_729 : f32 to vector<8x3072xf32>
    %select_n3A_731 = arith.select %eq3A_725, %add3A_728, %broadcast_in_dim3A_730 : vector<8x3072xi1>, vector<8x3072xf32>
    %min3A_732 = arith.minimumf %min3A_714, %select_n3A_731 : vector<8x3072xf32>
    %slice3A_733 = vector.extract_strided_slice %max3A_16 {offsets = [200, 0], sizes = [8, 3072], strides = [1, 1]} : vector<1024x3072xf32> to vector<8x3072xf32>
    %eq3A_734 = arith.constant 0.000000e+00 : f32
    %eq3A_735 = vector.broadcast %eq3A_734 : f32 to vector<8x3072xf32>
    %eq3A_736 = arith.cmpf oeq, %slice3A_733, %eq3A_735 : vector<8x3072xf32>
    %rsqrt3A_737 = math.rsqrt %slice3A_733 : vector<8x3072xf32>
    %mul3A_738 = arith.mulf %slice3A_733, %rsqrt3A_737 : vector<8x3072xf32>
    %jit3A_739 = arith.constant 0.000000e+00 : f32
    %broadcast_in_dim3A_740 = vector.broadcast %jit3A_739 : f32 to vector<8x3072xf32>
    %select_n3A_741 = arith.select %eq3A_736, %broadcast_in_dim3A_740, %mul3A_738 : vector<8x3072xi1>, vector<8x3072xf32>
    %eq3A_742 = vector.broadcast %select_n3A : vector<1x3072xf32> to vector<8x3072xf32>
    %eq3A_743 = arith.cmpf oeq, %select_n3A_741, %eq3A_742 : vector<8x3072xf32>
    %add3A_744 = arith.constant 2.000000e+02 : f32
    %add3A_745 = vector.broadcast %add3A_744 : f32 to vector<8x3072xf32>
    %add3A_746 = arith.addf %convert_element_type3A, %add3A_745 : vector<8x3072xf32>
    %jit3A_747 = arith.constant 1.024000e+03 : f32
    %broadcast_in_dim3A_748 = vector.broadcast %jit3A_747 : f32 to vector<8x3072xf32>
    %select_n3A_749 = arith.select %eq3A_743, %add3A_746, %broadcast_in_dim3A_748 : vector<8x3072xi1>, vector<8x3072xf32>
    %min3A_750 = arith.minimumf %min3A_732, %select_n3A_749 : vector<8x3072xf32>
    %slice3A_751 = vector.extract_strided_slice %max3A_16 {offsets = [208, 0], sizes = [8, 3072], strides = [1, 1]} : vector<1024x3072xf32> to vector<8x3072xf32>
    %eq3A_752 = arith.constant 0.000000e+00 : f32
    %eq3A_753 = vector.broadcast %eq3A_752 : f32 to vector<8x3072xf32>
    %eq3A_754 = arith.cmpf oeq, %slice3A_751, %eq3A_753 : vector<8x3072xf32>
    %rsqrt3A_755 = math.rsqrt %slice3A_751 : vector<8x3072xf32>
    %mul3A_756 = arith.mulf %slice3A_751, %rsqrt3A_755 : vector<8x3072xf32>
    %jit3A_757 = arith.constant 0.000000e+00 : f32
    %broadcast_in_dim3A_758 = vector.broadcast %jit3A_757 : f32 to vector<8x3072xf32>
    %select_n3A_759 = arith.select %eq3A_754, %broadcast_in_dim3A_758, %mul3A_756 : vector<8x3072xi1>, vector<8x3072xf32>
    %eq3A_760 = vector.broadcast %select_n3A : vector<1x3072xf32> to vector<8x3072xf32>
    %eq3A_761 = arith.cmpf oeq, %select_n3A_759, %eq3A_760 : vector<8x3072xf32>
    %add3A_762 = arith.constant 2.080000e+02 : f32
    %add3A_763 = vector.broadcast %add3A_762 : f32 to vector<8x3072xf32>
    %add3A_764 = arith.addf %convert_element_type3A, %add3A_763 : vector<8x3072xf32>
    %jit3A_765 = arith.constant 1.024000e+03 : f32
    %broadcast_in_dim3A_766 = vector.broadcast %jit3A_765 : f32 to vector<8x3072xf32>
    %select_n3A_767 = arith.select %eq3A_761, %add3A_764, %broadcast_in_dim3A_766 : vector<8x3072xi1>, vector<8x3072xf32>
    %min3A_768 = arith.minimumf %min3A_750, %select_n3A_767 : vector<8x3072xf32>
    %slice3A_769 = vector.extract_strided_slice %max3A_16 {offsets = [216, 0], sizes = [8, 3072], strides = [1, 1]} : vector<1024x3072xf32> to vector<8x3072xf32>
    %eq3A_770 = arith.constant 0.000000e+00 : f32
    %eq3A_771 = vector.broadcast %eq3A_770 : f32 to vector<8x3072xf32>
    %eq3A_772 = arith.cmpf oeq, %slice3A_769, %eq3A_771 : vector<8x3072xf32>
    %rsqrt3A_773 = math.rsqrt %slice3A_769 : vector<8x3072xf32>
    %mul3A_774 = arith.mulf %slice3A_769, %rsqrt3A_773 : vector<8x3072xf32>
    %jit3A_775 = arith.constant 0.000000e+00 : f32
    %broadcast_in_dim3A_776 = vector.broadcast %jit3A_775 : f32 to vector<8x3072xf32>
    %select_n3A_777 = arith.select %eq3A_772, %broadcast_in_dim3A_776, %mul3A_774 : vector<8x3072xi1>, vector<8x3072xf32>
    %eq3A_778 = vector.broadcast %select_n3A : vector<1x3072xf32> to vector<8x3072xf32>
    %eq3A_779 = arith.cmpf oeq, %select_n3A_777, %eq3A_778 : vector<8x3072xf32>
    %add3A_780 = arith.constant 2.160000e+02 : f32
    %add3A_781 = vector.broadcast %add3A_780 : f32 to vector<8x3072xf32>
    %add3A_782 = arith.addf %convert_element_type3A, %add3A_781 : vector<8x3072xf32>
    %jit3A_783 = arith.constant 1.024000e+03 : f32
    %broadcast_in_dim3A_784 = vector.broadcast %jit3A_783 : f32 to vector<8x3072xf32>
    %select_n3A_785 = arith.select %eq3A_779, %add3A_782, %broadcast_in_dim3A_784 : vector<8x3072xi1>, vector<8x3072xf32>
    %min3A_786 = arith.minimumf %min3A_768, %select_n3A_785 : vector<8x3072xf32>
    %slice3A_787 = vector.extract_strided_slice %max3A_16 {offsets = [224, 0], sizes = [8, 3072], strides = [1, 1]} : vector<1024x3072xf32> to vector<8x3072xf32>
    %eq3A_788 = arith.constant 0.000000e+00 : f32
    %eq3A_789 = vector.broadcast %eq3A_788 : f32 to vector<8x3072xf32>
    %eq3A_790 = arith.cmpf oeq, %slice3A_787, %eq3A_789 : vector<8x3072xf32>
    %rsqrt3A_791 = math.rsqrt %slice3A_787 : vector<8x3072xf32>
    %mul3A_792 = arith.mulf %slice3A_787, %rsqrt3A_791 : vector<8x3072xf32>
    %jit3A_793 = arith.constant 0.000000e+00 : f32
    %broadcast_in_dim3A_794 = vector.broadcast %jit3A_793 : f32 to vector<8x3072xf32>
    %select_n3A_795 = arith.select %eq3A_790, %broadcast_in_dim3A_794, %mul3A_792 : vector<8x3072xi1>, vector<8x3072xf32>
    %eq3A_796 = vector.broadcast %select_n3A : vector<1x3072xf32> to vector<8x3072xf32>
    %eq3A_797 = arith.cmpf oeq, %select_n3A_795, %eq3A_796 : vector<8x3072xf32>
    %add3A_798 = arith.constant 2.240000e+02 : f32
    %add3A_799 = vector.broadcast %add3A_798 : f32 to vector<8x3072xf32>
    %add3A_800 = arith.addf %convert_element_type3A, %add3A_799 : vector<8x3072xf32>
    %jit3A_801 = arith.constant 1.024000e+03 : f32
    %broadcast_in_dim3A_802 = vector.broadcast %jit3A_801 : f32 to vector<8x3072xf32>
    %select_n3A_803 = arith.select %eq3A_797, %add3A_800, %broadcast_in_dim3A_802 : vector<8x3072xi1>, vector<8x3072xf32>
    %min3A_804 = arith.minimumf %min3A_786, %select_n3A_803 : vector<8x3072xf32>
    %slice3A_805 = vector.extract_strided_slice %max3A_16 {offsets = [232, 0], sizes = [8, 3072], strides = [1, 1]} : vector<1024x3072xf32> to vector<8x3072xf32>
    %eq3A_806 = arith.constant 0.000000e+00 : f32
    %eq3A_807 = vector.broadcast %eq3A_806 : f32 to vector<8x3072xf32>
    %eq3A_808 = arith.cmpf oeq, %slice3A_805, %eq3A_807 : vector<8x3072xf32>
    %rsqrt3A_809 = math.rsqrt %slice3A_805 : vector<8x3072xf32>
    %mul3A_810 = arith.mulf %slice3A_805, %rsqrt3A_809 : vector<8x3072xf32>
    %jit3A_811 = arith.constant 0.000000e+00 : f32
    %broadcast_in_dim3A_812 = vector.broadcast %jit3A_811 : f32 to vector<8x3072xf32>
    %select_n3A_813 = arith.select %eq3A_808, %broadcast_in_dim3A_812, %mul3A_810 : vector<8x3072xi1>, vector<8x3072xf32>
    %eq3A_814 = vector.broadcast %select_n3A : vector<1x3072xf32> to vector<8x3072xf32>
    %eq3A_815 = arith.cmpf oeq, %select_n3A_813, %eq3A_814 : vector<8x3072xf32>
    %add3A_816 = arith.constant 2.320000e+02 : f32
    %add3A_817 = vector.broadcast %add3A_816 : f32 to vector<8x3072xf32>
    %add3A_818 = arith.addf %convert_element_type3A, %add3A_817 : vector<8x3072xf32>
    %jit3A_819 = arith.constant 1.024000e+03 : f32
    %broadcast_in_dim3A_820 = vector.broadcast %jit3A_819 : f32 to vector<8x3072xf32>
    %select_n3A_821 = arith.select %eq3A_815, %add3A_818, %broadcast_in_dim3A_820 : vector<8x3072xi1>, vector<8x3072xf32>
    %min3A_822 = arith.minimumf %min3A_804, %select_n3A_821 : vector<8x3072xf32>
    %slice3A_823 = vector.extract_strided_slice %max3A_16 {offsets = [240, 0], sizes = [8, 3072], strides = [1, 1]} : vector<1024x3072xf32> to vector<8x3072xf32>
    %eq3A_824 = arith.constant 0.000000e+00 : f32
    %eq3A_825 = vector.broadcast %eq3A_824 : f32 to vector<8x3072xf32>
    %eq3A_826 = arith.cmpf oeq, %slice3A_823, %eq3A_825 : vector<8x3072xf32>
    %rsqrt3A_827 = math.rsqrt %slice3A_823 : vector<8x3072xf32>
    %mul3A_828 = arith.mulf %slice3A_823, %rsqrt3A_827 : vector<8x3072xf32>
    %jit3A_829 = arith.constant 0.000000e+00 : f32
    %broadcast_in_dim3A_830 = vector.broadcast %jit3A_829 : f32 to vector<8x3072xf32>
    %select_n3A_831 = arith.select %eq3A_826, %broadcast_in_dim3A_830, %mul3A_828 : vector<8x3072xi1>, vector<8x3072xf32>
    %eq3A_832 = vector.broadcast %select_n3A : vector<1x3072xf32> to vector<8x3072xf32>
    %eq3A_833 = arith.cmpf oeq, %select_n3A_831, %eq3A_832 : vector<8x3072xf32>
    %add3A_834 = arith.constant 2.400000e+02 : f32
    %add3A_835 = vector.broadcast %add3A_834 : f32 to vector<8x3072xf32>
    %add3A_836 = arith.addf %convert_element_type3A, %add3A_835 : vector<8x3072xf32>
    %jit3A_837 = arith.constant 1.024000e+03 : f32
    %broadcast_in_dim3A_838 = vector.broadcast %jit3A_837 : f32 to vector<8x3072xf32>
    %select_n3A_839 = arith.select %eq3A_833, %add3A_836, %broadcast_in_dim3A_838 : vector<8x3072xi1>, vector<8x3072xf32>
    %min3A_840 = arith.minimumf %min3A_822, %select_n3A_839 : vector<8x3072xf32>
    %slice3A_841 = vector.extract_strided_slice %max3A_16 {offsets = [248, 0], sizes = [8, 3072], strides = [1, 1]} : vector<1024x3072xf32> to vector<8x3072xf32>
    %eq3A_842 = arith.constant 0.000000e+00 : f32
    %eq3A_843 = vector.broadcast %eq3A_842 : f32 to vector<8x3072xf32>
    %eq3A_844 = arith.cmpf oeq, %slice3A_841, %eq3A_843 : vector<8x3072xf32>
    %rsqrt3A_845 = math.rsqrt %slice3A_841 : vector<8x3072xf32>
    %mul3A_846 = arith.mulf %slice3A_841, %rsqrt3A_845 : vector<8x3072xf32>
    %jit3A_847 = arith.constant 0.000000e+00 : f32
    %broadcast_in_dim3A_848 = vector.broadcast %jit3A_847 : f32 to vector<8x3072xf32>
    %select_n3A_849 = arith.select %eq3A_844, %broadcast_in_dim3A_848, %mul3A_846 : vector<8x3072xi1>, vector<8x3072xf32>
    %eq3A_850 = vector.broadcast %select_n3A : vector<1x3072xf32> to vector<8x3072xf32>
    %eq3A_851 = arith.cmpf oeq, %select_n3A_849, %eq3A_850 : vector<8x3072xf32>
    %add3A_852 = arith.constant 2.480000e+02 : f32
    %add3A_853 = vector.broadcast %add3A_852 : f32 to vector<8x3072xf32>
    %add3A_854 = arith.addf %convert_element_type3A, %add3A_853 : vector<8x3072xf32>
    %jit3A_855 = arith.constant 1.024000e+03 : f32
    %broadcast_in_dim3A_856 = vector.broadcast %jit3A_855 : f32 to vector<8x3072xf32>
    %select_n3A_857 = arith.select %eq3A_851, %add3A_854, %broadcast_in_dim3A_856 : vector<8x3072xi1>, vector<8x3072xf32>
    %min3A_858 = arith.minimumf %min3A_840, %select_n3A_857 : vector<8x3072xf32>
    %slice3A_859 = vector.extract_strided_slice %max3A_16 {offsets = [256, 0], sizes = [8, 3072], strides = [1, 1]} : vector<1024x3072xf32> to vector<8x3072xf32>
    %eq3A_860 = arith.constant 0.000000e+00 : f32
    %eq3A_861 = vector.broadcast %eq3A_860 : f32 to vector<8x3072xf32>
    %eq3A_862 = arith.cmpf oeq, %slice3A_859, %eq3A_861 : vector<8x3072xf32>
    %rsqrt3A_863 = math.rsqrt %slice3A_859 : vector<8x3072xf32>
    %mul3A_864 = arith.mulf %slice3A_859, %rsqrt3A_863 : vector<8x3072xf32>
    %jit3A_865 = arith.constant 0.000000e+00 : f32
    %broadcast_in_dim3A_866 = vector.broadcast %jit3A_865 : f32 to vector<8x3072xf32>
    %select_n3A_867 = arith.select %eq3A_862, %broadcast_in_dim3A_866, %mul3A_864 : vector<8x3072xi1>, vector<8x3072xf32>
    %eq3A_868 = vector.broadcast %select_n3A : vector<1x3072xf32> to vector<8x3072xf32>
    %eq3A_869 = arith.cmpf oeq, %select_n3A_867, %eq3A_868 : vector<8x3072xf32>
    %add3A_870 = arith.constant 2.560000e+02 : f32
    %add3A_871 = vector.broadcast %add3A_870 : f32 to vector<8x3072xf32>
    %add3A_872 = arith.addf %convert_element_type3A, %add3A_871 : vector<8x3072xf32>
    %jit3A_873 = arith.constant 1.024000e+03 : f32
    %broadcast_in_dim3A_874 = vector.broadcast %jit3A_873 : f32 to vector<8x3072xf32>
    %select_n3A_875 = arith.select %eq3A_869, %add3A_872, %broadcast_in_dim3A_874 : vector<8x3072xi1>, vector<8x3072xf32>
    %min3A_876 = arith.minimumf %min3A_858, %select_n3A_875 : vector<8x3072xf32>
    %slice3A_877 = vector.extract_strided_slice %max3A_16 {offsets = [264, 0], sizes = [8, 3072], strides = [1, 1]} : vector<1024x3072xf32> to vector<8x3072xf32>
    %eq3A_878 = arith.constant 0.000000e+00 : f32
    %eq3A_879 = vector.broadcast %eq3A_878 : f32 to vector<8x3072xf32>
    %eq3A_880 = arith.cmpf oeq, %slice3A_877, %eq3A_879 : vector<8x3072xf32>
    %rsqrt3A_881 = math.rsqrt %slice3A_877 : vector<8x3072xf32>
    %mul3A_882 = arith.mulf %slice3A_877, %rsqrt3A_881 : vector<8x3072xf32>
    %jit3A_883 = arith.constant 0.000000e+00 : f32
    %broadcast_in_dim3A_884 = vector.broadcast %jit3A_883 : f32 to vector<8x3072xf32>
    %select_n3A_885 = arith.select %eq3A_880, %broadcast_in_dim3A_884, %mul3A_882 : vector<8x3072xi1>, vector<8x3072xf32>
    %eq3A_886 = vector.broadcast %select_n3A : vector<1x3072xf32> to vector<8x3072xf32>
    %eq3A_887 = arith.cmpf oeq, %select_n3A_885, %eq3A_886 : vector<8x3072xf32>
    %add3A_888 = arith.constant 2.640000e+02 : f32
    %add3A_889 = vector.broadcast %add3A_888 : f32 to vector<8x3072xf32>
    %add3A_890 = arith.addf %convert_element_type3A, %add3A_889 : vector<8x3072xf32>
    %jit3A_891 = arith.constant 1.024000e+03 : f32
    %broadcast_in_dim3A_892 = vector.broadcast %jit3A_891 : f32 to vector<8x3072xf32>
    %select_n3A_893 = arith.select %eq3A_887, %add3A_890, %broadcast_in_dim3A_892 : vector<8x3072xi1>, vector<8x3072xf32>
    %min3A_894 = arith.minimumf %min3A_876, %select_n3A_893 : vector<8x3072xf32>
    %slice3A_895 = vector.extract_strided_slice %max3A_16 {offsets = [272, 0], sizes = [8, 3072], strides = [1, 1]} : vector<1024x3072xf32> to vector<8x3072xf32>
    %eq3A_896 = arith.constant 0.000000e+00 : f32
    %eq3A_897 = vector.broadcast %eq3A_896 : f32 to vector<8x3072xf32>
    %eq3A_898 = arith.cmpf oeq, %slice3A_895, %eq3A_897 : vector<8x3072xf32>
    %rsqrt3A_899 = math.rsqrt %slice3A_895 : vector<8x3072xf32>
    %mul3A_900 = arith.mulf %slice3A_895, %rsqrt3A_899 : vector<8x3072xf32>
    %jit3A_901 = arith.constant 0.000000e+00 : f32
    %broadcast_in_dim3A_902 = vector.broadcast %jit3A_901 : f32 to vector<8x3072xf32>
    %select_n3A_903 = arith.select %eq3A_898, %broadcast_in_dim3A_902, %mul3A_900 : vector<8x3072xi1>, vector<8x3072xf32>
    %eq3A_904 = vector.broadcast %select_n3A : vector<1x3072xf32> to vector<8x3072xf32>
    %eq3A_905 = arith.cmpf oeq, %select_n3A_903, %eq3A_904 : vector<8x3072xf32>
    %add3A_906 = arith.constant 2.720000e+02 : f32
    %add3A_907 = vector.broadcast %add3A_906 : f32 to vector<8x3072xf32>
    %add3A_908 = arith.addf %convert_element_type3A, %add3A_907 : vector<8x3072xf32>
    %jit3A_909 = arith.constant 1.024000e+03 : f32
    %broadcast_in_dim3A_910 = vector.broadcast %jit3A_909 : f32 to vector<8x3072xf32>
    %select_n3A_911 = arith.select %eq3A_905, %add3A_908, %broadcast_in_dim3A_910 : vector<8x3072xi1>, vector<8x3072xf32>
    %min3A_912 = arith.minimumf %min3A_894, %select_n3A_911 : vector<8x3072xf32>
    %slice3A_913 = vector.extract_strided_slice %max3A_16 {offsets = [280, 0], sizes = [8, 3072], strides = [1, 1]} : vector<1024x3072xf32> to vector<8x3072xf32>
    %eq3A_914 = arith.constant 0.000000e+00 : f32
    %eq3A_915 = vector.broadcast %eq3A_914 : f32 to vector<8x3072xf32>
    %eq3A_916 = arith.cmpf oeq, %slice3A_913, %eq3A_915 : vector<8x3072xf32>
    %rsqrt3A_917 = math.rsqrt %slice3A_913 : vector<8x3072xf32>
    %mul3A_918 = arith.mulf %slice3A_913, %rsqrt3A_917 : vector<8x3072xf32>
    %jit3A_919 = arith.constant 0.000000e+00 : f32
    %broadcast_in_dim3A_920 = vector.broadcast %jit3A_919 : f32 to vector<8x3072xf32>
    %select_n3A_921 = arith.select %eq3A_916, %broadcast_in_dim3A_920, %mul3A_918 : vector<8x3072xi1>, vector<8x3072xf32>
    %eq3A_922 = vector.broadcast %select_n3A : vector<1x3072xf32> to vector<8x3072xf32>
    %eq3A_923 = arith.cmpf oeq, %select_n3A_921, %eq3A_922 : vector<8x3072xf32>
    %add3A_924 = arith.constant 2.800000e+02 : f32
    %add3A_925 = vector.broadcast %add3A_924 : f32 to vector<8x3072xf32>
    %add3A_926 = arith.addf %convert_element_type3A, %add3A_925 : vector<8x3072xf32>
    %jit3A_927 = arith.constant 1.024000e+03 : f32
    %broadcast_in_dim3A_928 = vector.broadcast %jit3A_927 : f32 to vector<8x3072xf32>
    %select_n3A_929 = arith.select %eq3A_923, %add3A_926, %broadcast_in_dim3A_928 : vector<8x3072xi1>, vector<8x3072xf32>
    %min3A_930 = arith.minimumf %min3A_912, %select_n3A_929 : vector<8x3072xf32>
    %slice3A_931 = vector.extract_strided_slice %max3A_16 {offsets = [288, 0], sizes = [8, 3072], strides = [1, 1]} : vector<1024x3072xf32> to vector<8x3072xf32>
    %eq3A_932 = arith.constant 0.000000e+00 : f32
    %eq3A_933 = vector.broadcast %eq3A_932 : f32 to vector<8x3072xf32>
    %eq3A_934 = arith.cmpf oeq, %slice3A_931, %eq3A_933 : vector<8x3072xf32>
    %rsqrt3A_935 = math.rsqrt %slice3A_931 : vector<8x3072xf32>
    %mul3A_936 = arith.mulf %slice3A_931, %rsqrt3A_935 : vector<8x3072xf32>
    %jit3A_937 = arith.constant 0.000000e+00 : f32
    %broadcast_in_dim3A_938 = vector.broadcast %jit3A_937 : f32 to vector<8x3072xf32>
    %select_n3A_939 = arith.select %eq3A_934, %broadcast_in_dim3A_938, %mul3A_936 : vector<8x3072xi1>, vector<8x3072xf32>
    %eq3A_940 = vector.broadcast %select_n3A : vector<1x3072xf32> to vector<8x3072xf32>
    %eq3A_941 = arith.cmpf oeq, %select_n3A_939, %eq3A_940 : vector<8x3072xf32>
    %add3A_942 = arith.constant 2.880000e+02 : f32
    %add3A_943 = vector.broadcast %add3A_942 : f32 to vector<8x3072xf32>
    %add3A_944 = arith.addf %convert_element_type3A, %add3A_943 : vector<8x3072xf32>
    %jit3A_945 = arith.constant 1.024000e+03 : f32
    %broadcast_in_dim3A_946 = vector.broadcast %jit3A_945 : f32 to vector<8x3072xf32>
    %select_n3A_947 = arith.select %eq3A_941, %add3A_944, %broadcast_in_dim3A_946 : vector<8x3072xi1>, vector<8x3072xf32>
    %min3A_948 = arith.minimumf %min3A_930, %select_n3A_947 : vector<8x3072xf32>
    %slice3A_949 = vector.extract_strided_slice %max3A_16 {offsets = [296, 0], sizes = [8, 3072], strides = [1, 1]} : vector<1024x3072xf32> to vector<8x3072xf32>
    %eq3A_950 = arith.constant 0.000000e+00 : f32
    %eq3A_951 = vector.broadcast %eq3A_950 : f32 to vector<8x3072xf32>
    %eq3A_952 = arith.cmpf oeq, %slice3A_949, %eq3A_951 : vector<8x3072xf32>
    %rsqrt3A_953 = math.rsqrt %slice3A_949 : vector<8x3072xf32>
    %mul3A_954 = arith.mulf %slice3A_949, %rsqrt3A_953 : vector<8x3072xf32>
    %jit3A_955 = arith.constant 0.000000e+00 : f32
    %broadcast_in_dim3A_956 = vector.broadcast %jit3A_955 : f32 to vector<8x3072xf32>
    %select_n3A_957 = arith.select %eq3A_952, %broadcast_in_dim3A_956, %mul3A_954 : vector<8x3072xi1>, vector<8x3072xf32>
    %eq3A_958 = vector.broadcast %select_n3A : vector<1x3072xf32> to vector<8x3072xf32>
    %eq3A_959 = arith.cmpf oeq, %select_n3A_957, %eq3A_958 : vector<8x3072xf32>
    %add3A_960 = arith.constant 2.960000e+02 : f32
    %add3A_961 = vector.broadcast %add3A_960 : f32 to vector<8x3072xf32>
    %add3A_962 = arith.addf %convert_element_type3A, %add3A_961 : vector<8x3072xf32>
    %jit3A_963 = arith.constant 1.024000e+03 : f32
    %broadcast_in_dim3A_964 = vector.broadcast %jit3A_963 : f32 to vector<8x3072xf32>
    %select_n3A_965 = arith.select %eq3A_959, %add3A_962, %broadcast_in_dim3A_964 : vector<8x3072xi1>, vector<8x3072xf32>
    %min3A_966 = arith.minimumf %min3A_948, %select_n3A_965 : vector<8x3072xf32>
    %slice3A_967 = vector.extract_strided_slice %max3A_16 {offsets = [304, 0], sizes = [8, 3072], strides = [1, 1]} : vector<1024x3072xf32> to vector<8x3072xf32>
    %eq3A_968 = arith.constant 0.000000e+00 : f32
    %eq3A_969 = vector.broadcast %eq3A_968 : f32 to vector<8x3072xf32>
    %eq3A_970 = arith.cmpf oeq, %slice3A_967, %eq3A_969 : vector<8x3072xf32>
    %rsqrt3A_971 = math.rsqrt %slice3A_967 : vector<8x3072xf32>
    %mul3A_972 = arith.mulf %slice3A_967, %rsqrt3A_971 : vector<8x3072xf32>
    %jit3A_973 = arith.constant 0.000000e+00 : f32
    %broadcast_in_dim3A_974 = vector.broadcast %jit3A_973 : f32 to vector<8x3072xf32>
    %select_n3A_975 = arith.select %eq3A_970, %broadcast_in_dim3A_974, %mul3A_972 : vector<8x3072xi1>, vector<8x3072xf32>
    %eq3A_976 = vector.broadcast %select_n3A : vector<1x3072xf32> to vector<8x3072xf32>
    %eq3A_977 = arith.cmpf oeq, %select_n3A_975, %eq3A_976 : vector<8x3072xf32>
    %add3A_978 = arith.constant 3.040000e+02 : f32
    %add3A_979 = vector.broadcast %add3A_978 : f32 to vector<8x3072xf32>
    %add3A_980 = arith.addf %convert_element_type3A, %add3A_979 : vector<8x3072xf32>
    %jit3A_981 = arith.constant 1.024000e+03 : f32
    %broadcast_in_dim3A_982 = vector.broadcast %jit3A_981 : f32 to vector<8x3072xf32>
    %select_n3A_983 = arith.select %eq3A_977, %add3A_980, %broadcast_in_dim3A_982 : vector<8x3072xi1>, vector<8x3072xf32>
    %min3A_984 = arith.minimumf %min3A_966, %select_n3A_983 : vector<8x3072xf32>
    %slice3A_985 = vector.extract_strided_slice %max3A_16 {offsets = [312, 0], sizes = [8, 3072], strides = [1, 1]} : vector<1024x3072xf32> to vector<8x3072xf32>
    %eq3A_986 = arith.constant 0.000000e+00 : f32
    %eq3A_987 = vector.broadcast %eq3A_986 : f32 to vector<8x3072xf32>
    %eq3A_988 = arith.cmpf oeq, %slice3A_985, %eq3A_987 : vector<8x3072xf32>
    %rsqrt3A_989 = math.rsqrt %slice3A_985 : vector<8x3072xf32>
    %mul3A_990 = arith.mulf %slice3A_985, %rsqrt3A_989 : vector<8x3072xf32>
    %jit3A_991 = arith.constant 0.000000e+00 : f32
    %broadcast_in_dim3A_992 = vector.broadcast %jit3A_991 : f32 to vector<8x3072xf32>
    %select_n3A_993 = arith.select %eq3A_988, %broadcast_in_dim3A_992, %mul3A_990 : vector<8x3072xi1>, vector<8x3072xf32>
    %eq3A_994 = vector.broadcast %select_n3A : vector<1x3072xf32> to vector<8x3072xf32>
    %eq3A_995 = arith.cmpf oeq, %select_n3A_993, %eq3A_994 : vector<8x3072xf32>
    %add3A_996 = arith.constant 3.120000e+02 : f32
    %add3A_997 = vector.broadcast %add3A_996 : f32 to vector<8x3072xf32>
    %add3A_998 = arith.addf %convert_element_type3A, %add3A_997 : vector<8x3072xf32>
    %jit3A_999 = arith.constant 1.024000e+03 : f32
    %broadcast_in_dim3A_1000 = vector.broadcast %jit3A_999 : f32 to vector<8x3072xf32>
    %select_n3A_1001 = arith.select %eq3A_995, %add3A_998, %broadcast_in_dim3A_1000 : vector<8x3072xi1>, vector<8x3072xf32>
    %min3A_1002 = arith.minimumf %min3A_984, %select_n3A_1001 : vector<8x3072xf32>
    %slice3A_1003 = vector.extract_strided_slice %max3A_16 {offsets = [320, 0], sizes = [8, 3072], strides = [1, 1]} : vector<1024x3072xf32> to vector<8x3072xf32>
    %eq3A_1004 = arith.constant 0.000000e+00 : f32
    %eq3A_1005 = vector.broadcast %eq3A_1004 : f32 to vector<8x3072xf32>
    %eq3A_1006 = arith.cmpf oeq, %slice3A_1003, %eq3A_1005 : vector<8x3072xf32>
    %rsqrt3A_1007 = math.rsqrt %slice3A_1003 : vector<8x3072xf32>
    %mul3A_1008 = arith.mulf %slice3A_1003, %rsqrt3A_1007 : vector<8x3072xf32>
    %jit3A_1009 = arith.constant 0.000000e+00 : f32
    %broadcast_in_dim3A_1010 = vector.broadcast %jit3A_1009 : f32 to vector<8x3072xf32>
    %select_n3A_1011 = arith.select %eq3A_1006, %broadcast_in_dim3A_1010, %mul3A_1008 : vector<8x3072xi1>, vector<8x3072xf32>
    %eq3A_1012 = vector.broadcast %select_n3A : vector<1x3072xf32> to vector<8x3072xf32>
    %eq3A_1013 = arith.cmpf oeq, %select_n3A_1011, %eq3A_1012 : vector<8x3072xf32>
    %add3A_1014 = arith.constant 3.200000e+02 : f32
    %add3A_1015 = vector.broadcast %add3A_1014 : f32 to vector<8x3072xf32>
    %add3A_1016 = arith.addf %convert_element_type3A, %add3A_1015 : vector<8x3072xf32>
    %jit3A_1017 = arith.constant 1.024000e+03 : f32
    %broadcast_in_dim3A_1018 = vector.broadcast %jit3A_1017 : f32 to vector<8x3072xf32>
    %select_n3A_1019 = arith.select %eq3A_1013, %add3A_1016, %broadcast_in_dim3A_1018 : vector<8x3072xi1>, vector<8x3072xf32>
    %min3A_1020 = arith.minimumf %min3A_1002, %select_n3A_1019 : vector<8x3072xf32>
    %slice3A_1021 = vector.extract_strided_slice %max3A_16 {offsets = [328, 0], sizes = [8, 3072], strides = [1, 1]} : vector<1024x3072xf32> to vector<8x3072xf32>
    %eq3A_1022 = arith.constant 0.000000e+00 : f32
    %eq3A_1023 = vector.broadcast %eq3A_1022 : f32 to vector<8x3072xf32>
    %eq3A_1024 = arith.cmpf oeq, %slice3A_1021, %eq3A_1023 : vector<8x3072xf32>
    %rsqrt3A_1025 = math.rsqrt %slice3A_1021 : vector<8x3072xf32>
    %mul3A_1026 = arith.mulf %slice3A_1021, %rsqrt3A_1025 : vector<8x3072xf32>
    %jit3A_1027 = arith.constant 0.000000e+00 : f32
    %broadcast_in_dim3A_1028 = vector.broadcast %jit3A_1027 : f32 to vector<8x3072xf32>
    %select_n3A_1029 = arith.select %eq3A_1024, %broadcast_in_dim3A_1028, %mul3A_1026 : vector<8x3072xi1>, vector<8x3072xf32>
    %eq3A_1030 = vector.broadcast %select_n3A : vector<1x3072xf32> to vector<8x3072xf32>
    %eq3A_1031 = arith.cmpf oeq, %select_n3A_1029, %eq3A_1030 : vector<8x3072xf32>
    %add3A_1032 = arith.constant 3.280000e+02 : f32
    %add3A_1033 = vector.broadcast %add3A_1032 : f32 to vector<8x3072xf32>
    %add3A_1034 = arith.addf %convert_element_type3A, %add3A_1033 : vector<8x3072xf32>
    %jit3A_1035 = arith.constant 1.024000e+03 : f32
    %broadcast_in_dim3A_1036 = vector.broadcast %jit3A_1035 : f32 to vector<8x3072xf32>
    %select_n3A_1037 = arith.select %eq3A_1031, %add3A_1034, %broadcast_in_dim3A_1036 : vector<8x3072xi1>, vector<8x3072xf32>
    %min3A_1038 = arith.minimumf %min3A_1020, %select_n3A_1037 : vector<8x3072xf32>
    %slice3A_1039 = vector.extract_strided_slice %max3A_16 {offsets = [336, 0], sizes = [8, 3072], strides = [1, 1]} : vector<1024x3072xf32> to vector<8x3072xf32>
    %eq3A_1040 = arith.constant 0.000000e+00 : f32
    %eq3A_1041 = vector.broadcast %eq3A_1040 : f32 to vector<8x3072xf32>
    %eq3A_1042 = arith.cmpf oeq, %slice3A_1039, %eq3A_1041 : vector<8x3072xf32>
    %rsqrt3A_1043 = math.rsqrt %slice3A_1039 : vector<8x3072xf32>
    %mul3A_1044 = arith.mulf %slice3A_1039, %rsqrt3A_1043 : vector<8x3072xf32>
    %jit3A_1045 = arith.constant 0.000000e+00 : f32
    %broadcast_in_dim3A_1046 = vector.broadcast %jit3A_1045 : f32 to vector<8x3072xf32>
    %select_n3A_1047 = arith.select %eq3A_1042, %broadcast_in_dim3A_1046, %mul3A_1044 : vector<8x3072xi1>, vector<8x3072xf32>
    %eq3A_1048 = vector.broadcast %select_n3A : vector<1x3072xf32> to vector<8x3072xf32>
    %eq3A_1049 = arith.cmpf oeq, %select_n3A_1047, %eq3A_1048 : vector<8x3072xf32>
    %add3A_1050 = arith.constant 3.360000e+02 : f32
    %add3A_1051 = vector.broadcast %add3A_1050 : f32 to vector<8x3072xf32>
    %add3A_1052 = arith.addf %convert_element_type3A, %add3A_1051 : vector<8x3072xf32>
    %jit3A_1053 = arith.constant 1.024000e+03 : f32
    %broadcast_in_dim3A_1054 = vector.broadcast %jit3A_1053 : f32 to vector<8x3072xf32>
    %select_n3A_1055 = arith.select %eq3A_1049, %add3A_1052, %broadcast_in_dim3A_1054 : vector<8x3072xi1>, vector<8x3072xf32>
    %min3A_1056 = arith.minimumf %min3A_1038, %select_n3A_1055 : vector<8x3072xf32>
    %slice3A_1057 = vector.extract_strided_slice %max3A_16 {offsets = [344, 0], sizes = [8, 3072], strides = [1, 1]} : vector<1024x3072xf32> to vector<8x3072xf32>
    %eq3A_1058 = arith.constant 0.000000e+00 : f32
    %eq3A_1059 = vector.broadcast %eq3A_1058 : f32 to vector<8x3072xf32>
    %eq3A_1060 = arith.cmpf oeq, %slice3A_1057, %eq3A_1059 : vector<8x3072xf32>
    %rsqrt3A_1061 = math.rsqrt %slice3A_1057 : vector<8x3072xf32>
    %mul3A_1062 = arith.mulf %slice3A_1057, %rsqrt3A_1061 : vector<8x3072xf32>
    %jit3A_1063 = arith.constant 0.000000e+00 : f32
    %broadcast_in_dim3A_1064 = vector.broadcast %jit3A_1063 : f32 to vector<8x3072xf32>
    %select_n3A_1065 = arith.select %eq3A_1060, %broadcast_in_dim3A_1064, %mul3A_1062 : vector<8x3072xi1>, vector<8x3072xf32>
    %eq3A_1066 = vector.broadcast %select_n3A : vector<1x3072xf32> to vector<8x3072xf32>
    %eq3A_1067 = arith.cmpf oeq, %select_n3A_1065, %eq3A_1066 : vector<8x3072xf32>
    %add3A_1068 = arith.constant 3.440000e+02 : f32
    %add3A_1069 = vector.broadcast %add3A_1068 : f32 to vector<8x3072xf32>
    %add3A_1070 = arith.addf %convert_element_type3A, %add3A_1069 : vector<8x3072xf32>
    %jit3A_1071 = arith.constant 1.024000e+03 : f32
    %broadcast_in_dim3A_1072 = vector.broadcast %jit3A_1071 : f32 to vector<8x3072xf32>
    %select_n3A_1073 = arith.select %eq3A_1067, %add3A_1070, %broadcast_in_dim3A_1072 : vector<8x3072xi1>, vector<8x3072xf32>
    %min3A_1074 = arith.minimumf %min3A_1056, %select_n3A_1073 : vector<8x3072xf32>
    %slice3A_1075 = vector.extract_strided_slice %max3A_16 {offsets = [352, 0], sizes = [8, 3072], strides = [1, 1]} : vector<1024x3072xf32> to vector<8x3072xf32>
    %eq3A_1076 = arith.constant 0.000000e+00 : f32
    %eq3A_1077 = vector.broadcast %eq3A_1076 : f32 to vector<8x3072xf32>
    %eq3A_1078 = arith.cmpf oeq, %slice3A_1075, %eq3A_1077 : vector<8x3072xf32>
    %rsqrt3A_1079 = math.rsqrt %slice3A_1075 : vector<8x3072xf32>
    %mul3A_1080 = arith.mulf %slice3A_1075, %rsqrt3A_1079 : vector<8x3072xf32>
    %jit3A_1081 = arith.constant 0.000000e+00 : f32
    %broadcast_in_dim3A_1082 = vector.broadcast %jit3A_1081 : f32 to vector<8x3072xf32>
    %select_n3A_1083 = arith.select %eq3A_1078, %broadcast_in_dim3A_1082, %mul3A_1080 : vector<8x3072xi1>, vector<8x3072xf32>
    %eq3A_1084 = vector.broadcast %select_n3A : vector<1x3072xf32> to vector<8x3072xf32>
    %eq3A_1085 = arith.cmpf oeq, %select_n3A_1083, %eq3A_1084 : vector<8x3072xf32>
    %add3A_1086 = arith.constant 3.520000e+02 : f32
    %add3A_1087 = vector.broadcast %add3A_1086 : f32 to vector<8x3072xf32>
    %add3A_1088 = arith.addf %convert_element_type3A, %add3A_1087 : vector<8x3072xf32>
    %jit3A_1089 = arith.constant 1.024000e+03 : f32
    %broadcast_in_dim3A_1090 = vector.broadcast %jit3A_1089 : f32 to vector<8x3072xf32>
    %select_n3A_1091 = arith.select %eq3A_1085, %add3A_1088, %broadcast_in_dim3A_1090 : vector<8x3072xi1>, vector<8x3072xf32>
    %min3A_1092 = arith.minimumf %min3A_1074, %select_n3A_1091 : vector<8x3072xf32>
    %slice3A_1093 = vector.extract_strided_slice %max3A_16 {offsets = [360, 0], sizes = [8, 3072], strides = [1, 1]} : vector<1024x3072xf32> to vector<8x3072xf32>
    %eq3A_1094 = arith.constant 0.000000e+00 : f32
    %eq3A_1095 = vector.broadcast %eq3A_1094 : f32 to vector<8x3072xf32>
    %eq3A_1096 = arith.cmpf oeq, %slice3A_1093, %eq3A_1095 : vector<8x3072xf32>
    %rsqrt3A_1097 = math.rsqrt %slice3A_1093 : vector<8x3072xf32>
    %mul3A_1098 = arith.mulf %slice3A_1093, %rsqrt3A_1097 : vector<8x3072xf32>
    %jit3A_1099 = arith.constant 0.000000e+00 : f32
    %broadcast_in_dim3A_1100 = vector.broadcast %jit3A_1099 : f32 to vector<8x3072xf32>
    %select_n3A_1101 = arith.select %eq3A_1096, %broadcast_in_dim3A_1100, %mul3A_1098 : vector<8x3072xi1>, vector<8x3072xf32>
    %eq3A_1102 = vector.broadcast %select_n3A : vector<1x3072xf32> to vector<8x3072xf32>
    %eq3A_1103 = arith.cmpf oeq, %select_n3A_1101, %eq3A_1102 : vector<8x3072xf32>
    %add3A_1104 = arith.constant 3.600000e+02 : f32
    %add3A_1105 = vector.broadcast %add3A_1104 : f32 to vector<8x3072xf32>
    %add3A_1106 = arith.addf %convert_element_type3A, %add3A_1105 : vector<8x3072xf32>
    %jit3A_1107 = arith.constant 1.024000e+03 : f32
    %broadcast_in_dim3A_1108 = vector.broadcast %jit3A_1107 : f32 to vector<8x3072xf32>
    %select_n3A_1109 = arith.select %eq3A_1103, %add3A_1106, %broadcast_in_dim3A_1108 : vector<8x3072xi1>, vector<8x3072xf32>
    %min3A_1110 = arith.minimumf %min3A_1092, %select_n3A_1109 : vector<8x3072xf32>
    %slice3A_1111 = vector.extract_strided_slice %max3A_16 {offsets = [368, 0], sizes = [8, 3072], strides = [1, 1]} : vector<1024x3072xf32> to vector<8x3072xf32>
    %eq3A_1112 = arith.constant 0.000000e+00 : f32
    %eq3A_1113 = vector.broadcast %eq3A_1112 : f32 to vector<8x3072xf32>
    %eq3A_1114 = arith.cmpf oeq, %slice3A_1111, %eq3A_1113 : vector<8x3072xf32>
    %rsqrt3A_1115 = math.rsqrt %slice3A_1111 : vector<8x3072xf32>
    %mul3A_1116 = arith.mulf %slice3A_1111, %rsqrt3A_1115 : vector<8x3072xf32>
    %jit3A_1117 = arith.constant 0.000000e+00 : f32
    %broadcast_in_dim3A_1118 = vector.broadcast %jit3A_1117 : f32 to vector<8x3072xf32>
    %select_n3A_1119 = arith.select %eq3A_1114, %broadcast_in_dim3A_1118, %mul3A_1116 : vector<8x3072xi1>, vector<8x3072xf32>
    %eq3A_1120 = vector.broadcast %select_n3A : vector<1x3072xf32> to vector<8x3072xf32>
    %eq3A_1121 = arith.cmpf oeq, %select_n3A_1119, %eq3A_1120 : vector<8x3072xf32>
    %add3A_1122 = arith.constant 3.680000e+02 : f32
    %add3A_1123 = vector.broadcast %add3A_1122 : f32 to vector<8x3072xf32>
    %add3A_1124 = arith.addf %convert_element_type3A, %add3A_1123 : vector<8x3072xf32>
    %jit3A_1125 = arith.constant 1.024000e+03 : f32
    %broadcast_in_dim3A_1126 = vector.broadcast %jit3A_1125 : f32 to vector<8x3072xf32>
    %select_n3A_1127 = arith.select %eq3A_1121, %add3A_1124, %broadcast_in_dim3A_1126 : vector<8x3072xi1>, vector<8x3072xf32>
    %min3A_1128 = arith.minimumf %min3A_1110, %select_n3A_1127 : vector<8x3072xf32>
    %slice3A_1129 = vector.extract_strided_slice %max3A_16 {offsets = [376, 0], sizes = [8, 3072], strides = [1, 1]} : vector<1024x3072xf32> to vector<8x3072xf32>
    %eq3A_1130 = arith.constant 0.000000e+00 : f32
    %eq3A_1131 = vector.broadcast %eq3A_1130 : f32 to vector<8x3072xf32>
    %eq3A_1132 = arith.cmpf oeq, %slice3A_1129, %eq3A_1131 : vector<8x3072xf32>
    %rsqrt3A_1133 = math.rsqrt %slice3A_1129 : vector<8x3072xf32>
    %mul3A_1134 = arith.mulf %slice3A_1129, %rsqrt3A_1133 : vector<8x3072xf32>
    %jit3A_1135 = arith.constant 0.000000e+00 : f32
    %broadcast_in_dim3A_1136 = vector.broadcast %jit3A_1135 : f32 to vector<8x3072xf32>
    %select_n3A_1137 = arith.select %eq3A_1132, %broadcast_in_dim3A_1136, %mul3A_1134 : vector<8x3072xi1>, vector<8x3072xf32>
    %eq3A_1138 = vector.broadcast %select_n3A : vector<1x3072xf32> to vector<8x3072xf32>
    %eq3A_1139 = arith.cmpf oeq, %select_n3A_1137, %eq3A_1138 : vector<8x3072xf32>
    %add3A_1140 = arith.constant 3.760000e+02 : f32
    %add3A_1141 = vector.broadcast %add3A_1140 : f32 to vector<8x3072xf32>
    %add3A_1142 = arith.addf %convert_element_type3A, %add3A_1141 : vector<8x3072xf32>
    %jit3A_1143 = arith.constant 1.024000e+03 : f32
    %broadcast_in_dim3A_1144 = vector.broadcast %jit3A_1143 : f32 to vector<8x3072xf32>
    %select_n3A_1145 = arith.select %eq3A_1139, %add3A_1142, %broadcast_in_dim3A_1144 : vector<8x3072xi1>, vector<8x3072xf32>
    %min3A_1146 = arith.minimumf %min3A_1128, %select_n3A_1145 : vector<8x3072xf32>
    %slice3A_1147 = vector.extract_strided_slice %max3A_16 {offsets = [384, 0], sizes = [8, 3072], strides = [1, 1]} : vector<1024x3072xf32> to vector<8x3072xf32>
    %eq3A_1148 = arith.constant 0.000000e+00 : f32
    %eq3A_1149 = vector.broadcast %eq3A_1148 : f32 to vector<8x3072xf32>
    %eq3A_1150 = arith.cmpf oeq, %slice3A_1147, %eq3A_1149 : vector<8x3072xf32>
    %rsqrt3A_1151 = math.rsqrt %slice3A_1147 : vector<8x3072xf32>
    %mul3A_1152 = arith.mulf %slice3A_1147, %rsqrt3A_1151 : vector<8x3072xf32>
    %jit3A_1153 = arith.constant 0.000000e+00 : f32
    %broadcast_in_dim3A_1154 = vector.broadcast %jit3A_1153 : f32 to vector<8x3072xf32>
    %select_n3A_1155 = arith.select %eq3A_1150, %broadcast_in_dim3A_1154, %mul3A_1152 : vector<8x3072xi1>, vector<8x3072xf32>
    %eq3A_1156 = vector.broadcast %select_n3A : vector<1x3072xf32> to vector<8x3072xf32>
    %eq3A_1157 = arith.cmpf oeq, %select_n3A_1155, %eq3A_1156 : vector<8x3072xf32>
    %add3A_1158 = arith.constant 3.840000e+02 : f32
    %add3A_1159 = vector.broadcast %add3A_1158 : f32 to vector<8x3072xf32>
    %add3A_1160 = arith.addf %convert_element_type3A, %add3A_1159 : vector<8x3072xf32>
    %jit3A_1161 = arith.constant 1.024000e+03 : f32
    %broadcast_in_dim3A_1162 = vector.broadcast %jit3A_1161 : f32 to vector<8x3072xf32>
    %select_n3A_1163 = arith.select %eq3A_1157, %add3A_1160, %broadcast_in_dim3A_1162 : vector<8x3072xi1>, vector<8x3072xf32>
    %min3A_1164 = arith.minimumf %min3A_1146, %select_n3A_1163 : vector<8x3072xf32>
    %slice3A_1165 = vector.extract_strided_slice %max3A_16 {offsets = [392, 0], sizes = [8, 3072], strides = [1, 1]} : vector<1024x3072xf32> to vector<8x3072xf32>
    %eq3A_1166 = arith.constant 0.000000e+00 : f32
    %eq3A_1167 = vector.broadcast %eq3A_1166 : f32 to vector<8x3072xf32>
    %eq3A_1168 = arith.cmpf oeq, %slice3A_1165, %eq3A_1167 : vector<8x3072xf32>
    %rsqrt3A_1169 = math.rsqrt %slice3A_1165 : vector<8x3072xf32>
    %mul3A_1170 = arith.mulf %slice3A_1165, %rsqrt3A_1169 : vector<8x3072xf32>
    %jit3A_1171 = arith.constant 0.000000e+00 : f32
    %broadcast_in_dim3A_1172 = vector.broadcast %jit3A_1171 : f32 to vector<8x3072xf32>
    %select_n3A_1173 = arith.select %eq3A_1168, %broadcast_in_dim3A_1172, %mul3A_1170 : vector<8x3072xi1>, vector<8x3072xf32>
    %eq3A_1174 = vector.broadcast %select_n3A : vector<1x3072xf32> to vector<8x3072xf32>
    %eq3A_1175 = arith.cmpf oeq, %select_n3A_1173, %eq3A_1174 : vector<8x3072xf32>
    %add3A_1176 = arith.constant 3.920000e+02 : f32
    %add3A_1177 = vector.broadcast %add3A_1176 : f32 to vector<8x3072xf32>
    %add3A_1178 = arith.addf %convert_element_type3A, %add3A_1177 : vector<8x3072xf32>
    %jit3A_1179 = arith.constant 1.024000e+03 : f32
    %broadcast_in_dim3A_1180 = vector.broadcast %jit3A_1179 : f32 to vector<8x3072xf32>
    %select_n3A_1181 = arith.select %eq3A_1175, %add3A_1178, %broadcast_in_dim3A_1180 : vector<8x3072xi1>, vector<8x3072xf32>
    %min3A_1182 = arith.minimumf %min3A_1164, %select_n3A_1181 : vector<8x3072xf32>
    %slice3A_1183 = vector.extract_strided_slice %max3A_16 {offsets = [400, 0], sizes = [8, 3072], strides = [1, 1]} : vector<1024x3072xf32> to vector<8x3072xf32>
    %eq3A_1184 = arith.constant 0.000000e+00 : f32
    %eq3A_1185 = vector.broadcast %eq3A_1184 : f32 to vector<8x3072xf32>
    %eq3A_1186 = arith.cmpf oeq, %slice3A_1183, %eq3A_1185 : vector<8x3072xf32>
    %rsqrt3A_1187 = math.rsqrt %slice3A_1183 : vector<8x3072xf32>
    %mul3A_1188 = arith.mulf %slice3A_1183, %rsqrt3A_1187 : vector<8x3072xf32>
    %jit3A_1189 = arith.constant 0.000000e+00 : f32
    %broadcast_in_dim3A_1190 = vector.broadcast %jit3A_1189 : f32 to vector<8x3072xf32>
    %select_n3A_1191 = arith.select %eq3A_1186, %broadcast_in_dim3A_1190, %mul3A_1188 : vector<8x3072xi1>, vector<8x3072xf32>
    %eq3A_1192 = vector.broadcast %select_n3A : vector<1x3072xf32> to vector<8x3072xf32>
    %eq3A_1193 = arith.cmpf oeq, %select_n3A_1191, %eq3A_1192 : vector<8x3072xf32>
    %add3A_1194 = arith.constant 4.000000e+02 : f32
    %add3A_1195 = vector.broadcast %add3A_1194 : f32 to vector<8x3072xf32>
    %add3A_1196 = arith.addf %convert_element_type3A, %add3A_1195 : vector<8x3072xf32>
    %jit3A_1197 = arith.constant 1.024000e+03 : f32
    %broadcast_in_dim3A_1198 = vector.broadcast %jit3A_1197 : f32 to vector<8x3072xf32>
    %select_n3A_1199 = arith.select %eq3A_1193, %add3A_1196, %broadcast_in_dim3A_1198 : vector<8x3072xi1>, vector<8x3072xf32>
    %min3A_1200 = arith.minimumf %min3A_1182, %select_n3A_1199 : vector<8x3072xf32>
    %slice3A_1201 = vector.extract_strided_slice %max3A_16 {offsets = [408, 0], sizes = [8, 3072], strides = [1, 1]} : vector<1024x3072xf32> to vector<8x3072xf32>
    %eq3A_1202 = arith.constant 0.000000e+00 : f32
    %eq3A_1203 = vector.broadcast %eq3A_1202 : f32 to vector<8x3072xf32>
    %eq3A_1204 = arith.cmpf oeq, %slice3A_1201, %eq3A_1203 : vector<8x3072xf32>
    %rsqrt3A_1205 = math.rsqrt %slice3A_1201 : vector<8x3072xf32>
    %mul3A_1206 = arith.mulf %slice3A_1201, %rsqrt3A_1205 : vector<8x3072xf32>
    %jit3A_1207 = arith.constant 0.000000e+00 : f32
    %broadcast_in_dim3A_1208 = vector.broadcast %jit3A_1207 : f32 to vector<8x3072xf32>
    %select_n3A_1209 = arith.select %eq3A_1204, %broadcast_in_dim3A_1208, %mul3A_1206 : vector<8x3072xi1>, vector<8x3072xf32>
    %eq3A_1210 = vector.broadcast %select_n3A : vector<1x3072xf32> to vector<8x3072xf32>
    %eq3A_1211 = arith.cmpf oeq, %select_n3A_1209, %eq3A_1210 : vector<8x3072xf32>
    %add3A_1212 = arith.constant 4.080000e+02 : f32
    %add3A_1213 = vector.broadcast %add3A_1212 : f32 to vector<8x3072xf32>
    %add3A_1214 = arith.addf %convert_element_type3A, %add3A_1213 : vector<8x3072xf32>
    %jit3A_1215 = arith.constant 1.024000e+03 : f32
    %broadcast_in_dim3A_1216 = vector.broadcast %jit3A_1215 : f32 to vector<8x3072xf32>
    %select_n3A_1217 = arith.select %eq3A_1211, %add3A_1214, %broadcast_in_dim3A_1216 : vector<8x3072xi1>, vector<8x3072xf32>
    %min3A_1218 = arith.minimumf %min3A_1200, %select_n3A_1217 : vector<8x3072xf32>
    %slice3A_1219 = vector.extract_strided_slice %max3A_16 {offsets = [416, 0], sizes = [8, 3072], strides = [1, 1]} : vector<1024x3072xf32> to vector<8x3072xf32>
    %eq3A_1220 = arith.constant 0.000000e+00 : f32
    %eq3A_1221 = vector.broadcast %eq3A_1220 : f32 to vector<8x3072xf32>
    %eq3A_1222 = arith.cmpf oeq, %slice3A_1219, %eq3A_1221 : vector<8x3072xf32>
    %rsqrt3A_1223 = math.rsqrt %slice3A_1219 : vector<8x3072xf32>
    %mul3A_1224 = arith.mulf %slice3A_1219, %rsqrt3A_1223 : vector<8x3072xf32>
    %jit3A_1225 = arith.constant 0.000000e+00 : f32
    %broadcast_in_dim3A_1226 = vector.broadcast %jit3A_1225 : f32 to vector<8x3072xf32>
    %select_n3A_1227 = arith.select %eq3A_1222, %broadcast_in_dim3A_1226, %mul3A_1224 : vector<8x3072xi1>, vector<8x3072xf32>
    %eq3A_1228 = vector.broadcast %select_n3A : vector<1x3072xf32> to vector<8x3072xf32>
    %eq3A_1229 = arith.cmpf oeq, %select_n3A_1227, %eq3A_1228 : vector<8x3072xf32>
    %add3A_1230 = arith.constant 4.160000e+02 : f32
    %add3A_1231 = vector.broadcast %add3A_1230 : f32 to vector<8x3072xf32>
    %add3A_1232 = arith.addf %convert_element_type3A, %add3A_1231 : vector<8x3072xf32>
    %jit3A_1233 = arith.constant 1.024000e+03 : f32
    %broadcast_in_dim3A_1234 = vector.broadcast %jit3A_1233 : f32 to vector<8x3072xf32>
    %select_n3A_1235 = arith.select %eq3A_1229, %add3A_1232, %broadcast_in_dim3A_1234 : vector<8x3072xi1>, vector<8x3072xf32>
    %min3A_1236 = arith.minimumf %min3A_1218, %select_n3A_1235 : vector<8x3072xf32>
    %slice3A_1237 = vector.extract_strided_slice %max3A_16 {offsets = [424, 0], sizes = [8, 3072], strides = [1, 1]} : vector<1024x3072xf32> to vector<8x3072xf32>
    %eq3A_1238 = arith.constant 0.000000e+00 : f32
    %eq3A_1239 = vector.broadcast %eq3A_1238 : f32 to vector<8x3072xf32>
    %eq3A_1240 = arith.cmpf oeq, %slice3A_1237, %eq3A_1239 : vector<8x3072xf32>
    %rsqrt3A_1241 = math.rsqrt %slice3A_1237 : vector<8x3072xf32>
    %mul3A_1242 = arith.mulf %slice3A_1237, %rsqrt3A_1241 : vector<8x3072xf32>
    %jit3A_1243 = arith.constant 0.000000e+00 : f32
    %broadcast_in_dim3A_1244 = vector.broadcast %jit3A_1243 : f32 to vector<8x3072xf32>
    %select_n3A_1245 = arith.select %eq3A_1240, %broadcast_in_dim3A_1244, %mul3A_1242 : vector<8x3072xi1>, vector<8x3072xf32>
    %eq3A_1246 = vector.broadcast %select_n3A : vector<1x3072xf32> to vector<8x3072xf32>
    %eq3A_1247 = arith.cmpf oeq, %select_n3A_1245, %eq3A_1246 : vector<8x3072xf32>
    %add3A_1248 = arith.constant 4.240000e+02 : f32
    %add3A_1249 = vector.broadcast %add3A_1248 : f32 to vector<8x3072xf32>
    %add3A_1250 = arith.addf %convert_element_type3A, %add3A_1249 : vector<8x3072xf32>
    %jit3A_1251 = arith.constant 1.024000e+03 : f32
    %broadcast_in_dim3A_1252 = vector.broadcast %jit3A_1251 : f32 to vector<8x3072xf32>
    %select_n3A_1253 = arith.select %eq3A_1247, %add3A_1250, %broadcast_in_dim3A_1252 : vector<8x3072xi1>, vector<8x3072xf32>
    %min3A_1254 = arith.minimumf %min3A_1236, %select_n3A_1253 : vector<8x3072xf32>
    %slice3A_1255 = vector.extract_strided_slice %max3A_16 {offsets = [432, 0], sizes = [8, 3072], strides = [1, 1]} : vector<1024x3072xf32> to vector<8x3072xf32>
    %eq3A_1256 = arith.constant 0.000000e+00 : f32
    %eq3A_1257 = vector.broadcast %eq3A_1256 : f32 to vector<8x3072xf32>
    %eq3A_1258 = arith.cmpf oeq, %slice3A_1255, %eq3A_1257 : vector<8x3072xf32>
    %rsqrt3A_1259 = math.rsqrt %slice3A_1255 : vector<8x3072xf32>
    %mul3A_1260 = arith.mulf %slice3A_1255, %rsqrt3A_1259 : vector<8x3072xf32>
    %jit3A_1261 = arith.constant 0.000000e+00 : f32
    %broadcast_in_dim3A_1262 = vector.broadcast %jit3A_1261 : f32 to vector<8x3072xf32>
    %select_n3A_1263 = arith.select %eq3A_1258, %broadcast_in_dim3A_1262, %mul3A_1260 : vector<8x3072xi1>, vector<8x3072xf32>
    %eq3A_1264 = vector.broadcast %select_n3A : vector<1x3072xf32> to vector<8x3072xf32>
    %eq3A_1265 = arith.cmpf oeq, %select_n3A_1263, %eq3A_1264 : vector<8x3072xf32>
    %add3A_1266 = arith.constant 4.320000e+02 : f32
    %add3A_1267 = vector.broadcast %add3A_1266 : f32 to vector<8x3072xf32>
    %add3A_1268 = arith.addf %convert_element_type3A, %add3A_1267 : vector<8x3072xf32>
    %jit3A_1269 = arith.constant 1.024000e+03 : f32
    %broadcast_in_dim3A_1270 = vector.broadcast %jit3A_1269 : f32 to vector<8x3072xf32>
    %select_n3A_1271 = arith.select %eq3A_1265, %add3A_1268, %broadcast_in_dim3A_1270 : vector<8x3072xi1>, vector<8x3072xf32>
    %min3A_1272 = arith.minimumf %min3A_1254, %select_n3A_1271 : vector<8x3072xf32>
    %slice3A_1273 = vector.extract_strided_slice %max3A_16 {offsets = [440, 0], sizes = [8, 3072], strides = [1, 1]} : vector<1024x3072xf32> to vector<8x3072xf32>
    %eq3A_1274 = arith.constant 0.000000e+00 : f32
    %eq3A_1275 = vector.broadcast %eq3A_1274 : f32 to vector<8x3072xf32>
    %eq3A_1276 = arith.cmpf oeq, %slice3A_1273, %eq3A_1275 : vector<8x3072xf32>
    %rsqrt3A_1277 = math.rsqrt %slice3A_1273 : vector<8x3072xf32>
    %mul3A_1278 = arith.mulf %slice3A_1273, %rsqrt3A_1277 : vector<8x3072xf32>
    %jit3A_1279 = arith.constant 0.000000e+00 : f32
    %broadcast_in_dim3A_1280 = vector.broadcast %jit3A_1279 : f32 to vector<8x3072xf32>
    %select_n3A_1281 = arith.select %eq3A_1276, %broadcast_in_dim3A_1280, %mul3A_1278 : vector<8x3072xi1>, vector<8x3072xf32>
    %eq3A_1282 = vector.broadcast %select_n3A : vector<1x3072xf32> to vector<8x3072xf32>
    %eq3A_1283 = arith.cmpf oeq, %select_n3A_1281, %eq3A_1282 : vector<8x3072xf32>
    %add3A_1284 = arith.constant 4.400000e+02 : f32
    %add3A_1285 = vector.broadcast %add3A_1284 : f32 to vector<8x3072xf32>
    %add3A_1286 = arith.addf %convert_element_type3A, %add3A_1285 : vector<8x3072xf32>
    %jit3A_1287 = arith.constant 1.024000e+03 : f32
    %broadcast_in_dim3A_1288 = vector.broadcast %jit3A_1287 : f32 to vector<8x3072xf32>
    %select_n3A_1289 = arith.select %eq3A_1283, %add3A_1286, %broadcast_in_dim3A_1288 : vector<8x3072xi1>, vector<8x3072xf32>
    %min3A_1290 = arith.minimumf %min3A_1272, %select_n3A_1289 : vector<8x3072xf32>
    %slice3A_1291 = vector.extract_strided_slice %max3A_16 {offsets = [448, 0], sizes = [8, 3072], strides = [1, 1]} : vector<1024x3072xf32> to vector<8x3072xf32>
    %eq3A_1292 = arith.constant 0.000000e+00 : f32
    %eq3A_1293 = vector.broadcast %eq3A_1292 : f32 to vector<8x3072xf32>
    %eq3A_1294 = arith.cmpf oeq, %slice3A_1291, %eq3A_1293 : vector<8x3072xf32>
    %rsqrt3A_1295 = math.rsqrt %slice3A_1291 : vector<8x3072xf32>
    %mul3A_1296 = arith.mulf %slice3A_1291, %rsqrt3A_1295 : vector<8x3072xf32>
    %jit3A_1297 = arith.constant 0.000000e+00 : f32
    %broadcast_in_dim3A_1298 = vector.broadcast %jit3A_1297 : f32 to vector<8x3072xf32>
    %select_n3A_1299 = arith.select %eq3A_1294, %broadcast_in_dim3A_1298, %mul3A_1296 : vector<8x3072xi1>, vector<8x3072xf32>
    %eq3A_1300 = vector.broadcast %select_n3A : vector<1x3072xf32> to vector<8x3072xf32>
    %eq3A_1301 = arith.cmpf oeq, %select_n3A_1299, %eq3A_1300 : vector<8x3072xf32>
    %add3A_1302 = arith.constant 4.480000e+02 : f32
    %add3A_1303 = vector.broadcast %add3A_1302 : f32 to vector<8x3072xf32>
    %add3A_1304 = arith.addf %convert_element_type3A, %add3A_1303 : vector<8x3072xf32>
    %jit3A_1305 = arith.constant 1.024000e+03 : f32
    %broadcast_in_dim3A_1306 = vector.broadcast %jit3A_1305 : f32 to vector<8x3072xf32>
    %select_n3A_1307 = arith.select %eq3A_1301, %add3A_1304, %broadcast_in_dim3A_1306 : vector<8x3072xi1>, vector<8x3072xf32>
    %min3A_1308 = arith.minimumf %min3A_1290, %select_n3A_1307 : vector<8x3072xf32>
    %slice3A_1309 = vector.extract_strided_slice %max3A_16 {offsets = [456, 0], sizes = [8, 3072], strides = [1, 1]} : vector<1024x3072xf32> to vector<8x3072xf32>
    %eq3A_1310 = arith.constant 0.000000e+00 : f32
    %eq3A_1311 = vector.broadcast %eq3A_1310 : f32 to vector<8x3072xf32>
    %eq3A_1312 = arith.cmpf oeq, %slice3A_1309, %eq3A_1311 : vector<8x3072xf32>
    %rsqrt3A_1313 = math.rsqrt %slice3A_1309 : vector<8x3072xf32>
    %mul3A_1314 = arith.mulf %slice3A_1309, %rsqrt3A_1313 : vector<8x3072xf32>
    %jit3A_1315 = arith.constant 0.000000e+00 : f32
    %broadcast_in_dim3A_1316 = vector.broadcast %jit3A_1315 : f32 to vector<8x3072xf32>
    %select_n3A_1317 = arith.select %eq3A_1312, %broadcast_in_dim3A_1316, %mul3A_1314 : vector<8x3072xi1>, vector<8x3072xf32>
    %eq3A_1318 = vector.broadcast %select_n3A : vector<1x3072xf32> to vector<8x3072xf32>
    %eq3A_1319 = arith.cmpf oeq, %select_n3A_1317, %eq3A_1318 : vector<8x3072xf32>
    %add3A_1320 = arith.constant 4.560000e+02 : f32
    %add3A_1321 = vector.broadcast %add3A_1320 : f32 to vector<8x3072xf32>
    %add3A_1322 = arith.addf %convert_element_type3A, %add3A_1321 : vector<8x3072xf32>
    %jit3A_1323 = arith.constant 1.024000e+03 : f32
    %broadcast_in_dim3A_1324 = vector.broadcast %jit3A_1323 : f32 to vector<8x3072xf32>
    %select_n3A_1325 = arith.select %eq3A_1319, %add3A_1322, %broadcast_in_dim3A_1324 : vector<8x3072xi1>, vector<8x3072xf32>
    %min3A_1326 = arith.minimumf %min3A_1308, %select_n3A_1325 : vector<8x3072xf32>
    %slice3A_1327 = vector.extract_strided_slice %max3A_16 {offsets = [464, 0], sizes = [8, 3072], strides = [1, 1]} : vector<1024x3072xf32> to vector<8x3072xf32>
    %eq3A_1328 = arith.constant 0.000000e+00 : f32
    %eq3A_1329 = vector.broadcast %eq3A_1328 : f32 to vector<8x3072xf32>
    %eq3A_1330 = arith.cmpf oeq, %slice3A_1327, %eq3A_1329 : vector<8x3072xf32>
    %rsqrt3A_1331 = math.rsqrt %slice3A_1327 : vector<8x3072xf32>
    %mul3A_1332 = arith.mulf %slice3A_1327, %rsqrt3A_1331 : vector<8x3072xf32>
    %jit3A_1333 = arith.constant 0.000000e+00 : f32
    %broadcast_in_dim3A_1334 = vector.broadcast %jit3A_1333 : f32 to vector<8x3072xf32>
    %select_n3A_1335 = arith.select %eq3A_1330, %broadcast_in_dim3A_1334, %mul3A_1332 : vector<8x3072xi1>, vector<8x3072xf32>
    %eq3A_1336 = vector.broadcast %select_n3A : vector<1x3072xf32> to vector<8x3072xf32>
    %eq3A_1337 = arith.cmpf oeq, %select_n3A_1335, %eq3A_1336 : vector<8x3072xf32>
    %add3A_1338 = arith.constant 4.640000e+02 : f32
    %add3A_1339 = vector.broadcast %add3A_1338 : f32 to vector<8x3072xf32>
    %add3A_1340 = arith.addf %convert_element_type3A, %add3A_1339 : vector<8x3072xf32>
    %jit3A_1341 = arith.constant 1.024000e+03 : f32
    %broadcast_in_dim3A_1342 = vector.broadcast %jit3A_1341 : f32 to vector<8x3072xf32>
    %select_n3A_1343 = arith.select %eq3A_1337, %add3A_1340, %broadcast_in_dim3A_1342 : vector<8x3072xi1>, vector<8x3072xf32>
    %min3A_1344 = arith.minimumf %min3A_1326, %select_n3A_1343 : vector<8x3072xf32>
    %slice3A_1345 = vector.extract_strided_slice %max3A_16 {offsets = [472, 0], sizes = [8, 3072], strides = [1, 1]} : vector<1024x3072xf32> to vector<8x3072xf32>
    %eq3A_1346 = arith.constant 0.000000e+00 : f32
    %eq3A_1347 = vector.broadcast %eq3A_1346 : f32 to vector<8x3072xf32>
    %eq3A_1348 = arith.cmpf oeq, %slice3A_1345, %eq3A_1347 : vector<8x3072xf32>
    %rsqrt3A_1349 = math.rsqrt %slice3A_1345 : vector<8x3072xf32>
    %mul3A_1350 = arith.mulf %slice3A_1345, %rsqrt3A_1349 : vector<8x3072xf32>
    %jit3A_1351 = arith.constant 0.000000e+00 : f32
    %broadcast_in_dim3A_1352 = vector.broadcast %jit3A_1351 : f32 to vector<8x3072xf32>
    %select_n3A_1353 = arith.select %eq3A_1348, %broadcast_in_dim3A_1352, %mul3A_1350 : vector<8x3072xi1>, vector<8x3072xf32>
    %eq3A_1354 = vector.broadcast %select_n3A : vector<1x3072xf32> to vector<8x3072xf32>
    %eq3A_1355 = arith.cmpf oeq, %select_n3A_1353, %eq3A_1354 : vector<8x3072xf32>
    %add3A_1356 = arith.constant 4.720000e+02 : f32
    %add3A_1357 = vector.broadcast %add3A_1356 : f32 to vector<8x3072xf32>
    %add3A_1358 = arith.addf %convert_element_type3A, %add3A_1357 : vector<8x3072xf32>
    %jit3A_1359 = arith.constant 1.024000e+03 : f32
    %broadcast_in_dim3A_1360 = vector.broadcast %jit3A_1359 : f32 to vector<8x3072xf32>
    %select_n3A_1361 = arith.select %eq3A_1355, %add3A_1358, %broadcast_in_dim3A_1360 : vector<8x3072xi1>, vector<8x3072xf32>
    %min3A_1362 = arith.minimumf %min3A_1344, %select_n3A_1361 : vector<8x3072xf32>
    %slice3A_1363 = vector.extract_strided_slice %max3A_16 {offsets = [480, 0], sizes = [8, 3072], strides = [1, 1]} : vector<1024x3072xf32> to vector<8x3072xf32>
    %eq3A_1364 = arith.constant 0.000000e+00 : f32
    %eq3A_1365 = vector.broadcast %eq3A_1364 : f32 to vector<8x3072xf32>
    %eq3A_1366 = arith.cmpf oeq, %slice3A_1363, %eq3A_1365 : vector<8x3072xf32>
    %rsqrt3A_1367 = math.rsqrt %slice3A_1363 : vector<8x3072xf32>
    %mul3A_1368 = arith.mulf %slice3A_1363, %rsqrt3A_1367 : vector<8x3072xf32>
    %jit3A_1369 = arith.constant 0.000000e+00 : f32
    %broadcast_in_dim3A_1370 = vector.broadcast %jit3A_1369 : f32 to vector<8x3072xf32>
    %select_n3A_1371 = arith.select %eq3A_1366, %broadcast_in_dim3A_1370, %mul3A_1368 : vector<8x3072xi1>, vector<8x3072xf32>
    %eq3A_1372 = vector.broadcast %select_n3A : vector<1x3072xf32> to vector<8x3072xf32>
    %eq3A_1373 = arith.cmpf oeq, %select_n3A_1371, %eq3A_1372 : vector<8x3072xf32>
    %add3A_1374 = arith.constant 4.800000e+02 : f32
    %add3A_1375 = vector.broadcast %add3A_1374 : f32 to vector<8x3072xf32>
    %add3A_1376 = arith.addf %convert_element_type3A, %add3A_1375 : vector<8x3072xf32>
    %jit3A_1377 = arith.constant 1.024000e+03 : f32
    %broadcast_in_dim3A_1378 = vector.broadcast %jit3A_1377 : f32 to vector<8x3072xf32>
    %select_n3A_1379 = arith.select %eq3A_1373, %add3A_1376, %broadcast_in_dim3A_1378 : vector<8x3072xi1>, vector<8x3072xf32>
    %min3A_1380 = arith.minimumf %min3A_1362, %select_n3A_1379 : vector<8x3072xf32>
    %slice3A_1381 = vector.extract_strided_slice %max3A_16 {offsets = [488, 0], sizes = [8, 3072], strides = [1, 1]} : vector<1024x3072xf32> to vector<8x3072xf32>
    %eq3A_1382 = arith.constant 0.000000e+00 : f32
    %eq3A_1383 = vector.broadcast %eq3A_1382 : f32 to vector<8x3072xf32>
    %eq3A_1384 = arith.cmpf oeq, %slice3A_1381, %eq3A_1383 : vector<8x3072xf32>
    %rsqrt3A_1385 = math.rsqrt %slice3A_1381 : vector<8x3072xf32>
    %mul3A_1386 = arith.mulf %slice3A_1381, %rsqrt3A_1385 : vector<8x3072xf32>
    %jit3A_1387 = arith.constant 0.000000e+00 : f32
    %broadcast_in_dim3A_1388 = vector.broadcast %jit3A_1387 : f32 to vector<8x3072xf32>
    %select_n3A_1389 = arith.select %eq3A_1384, %broadcast_in_dim3A_1388, %mul3A_1386 : vector<8x3072xi1>, vector<8x3072xf32>
    %eq3A_1390 = vector.broadcast %select_n3A : vector<1x3072xf32> to vector<8x3072xf32>
    %eq3A_1391 = arith.cmpf oeq, %select_n3A_1389, %eq3A_1390 : vector<8x3072xf32>
    %add3A_1392 = arith.constant 4.880000e+02 : f32
    %add3A_1393 = vector.broadcast %add3A_1392 : f32 to vector<8x3072xf32>
    %add3A_1394 = arith.addf %convert_element_type3A, %add3A_1393 : vector<8x3072xf32>
    %jit3A_1395 = arith.constant 1.024000e+03 : f32
    %broadcast_in_dim3A_1396 = vector.broadcast %jit3A_1395 : f32 to vector<8x3072xf32>
    %select_n3A_1397 = arith.select %eq3A_1391, %add3A_1394, %broadcast_in_dim3A_1396 : vector<8x3072xi1>, vector<8x3072xf32>
    %min3A_1398 = arith.minimumf %min3A_1380, %select_n3A_1397 : vector<8x3072xf32>
    %slice3A_1399 = vector.extract_strided_slice %max3A_16 {offsets = [496, 0], sizes = [8, 3072], strides = [1, 1]} : vector<1024x3072xf32> to vector<8x3072xf32>
    %eq3A_1400 = arith.constant 0.000000e+00 : f32
    %eq3A_1401 = vector.broadcast %eq3A_1400 : f32 to vector<8x3072xf32>
    %eq3A_1402 = arith.cmpf oeq, %slice3A_1399, %eq3A_1401 : vector<8x3072xf32>
    %rsqrt3A_1403 = math.rsqrt %slice3A_1399 : vector<8x3072xf32>
    %mul3A_1404 = arith.mulf %slice3A_1399, %rsqrt3A_1403 : vector<8x3072xf32>
    %jit3A_1405 = arith.constant 0.000000e+00 : f32
    %broadcast_in_dim3A_1406 = vector.broadcast %jit3A_1405 : f32 to vector<8x3072xf32>
    %select_n3A_1407 = arith.select %eq3A_1402, %broadcast_in_dim3A_1406, %mul3A_1404 : vector<8x3072xi1>, vector<8x3072xf32>
    %eq3A_1408 = vector.broadcast %select_n3A : vector<1x3072xf32> to vector<8x3072xf32>
    %eq3A_1409 = arith.cmpf oeq, %select_n3A_1407, %eq3A_1408 : vector<8x3072xf32>
    %add3A_1410 = arith.constant 4.960000e+02 : f32
    %add3A_1411 = vector.broadcast %add3A_1410 : f32 to vector<8x3072xf32>
    %add3A_1412 = arith.addf %convert_element_type3A, %add3A_1411 : vector<8x3072xf32>
    %jit3A_1413 = arith.constant 1.024000e+03 : f32
    %broadcast_in_dim3A_1414 = vector.broadcast %jit3A_1413 : f32 to vector<8x3072xf32>
    %select_n3A_1415 = arith.select %eq3A_1409, %add3A_1412, %broadcast_in_dim3A_1414 : vector<8x3072xi1>, vector<8x3072xf32>
    %min3A_1416 = arith.minimumf %min3A_1398, %select_n3A_1415 : vector<8x3072xf32>
    %slice3A_1417 = vector.extract_strided_slice %max3A_16 {offsets = [504, 0], sizes = [8, 3072], strides = [1, 1]} : vector<1024x3072xf32> to vector<8x3072xf32>
    %eq3A_1418 = arith.constant 0.000000e+00 : f32
    %eq3A_1419 = vector.broadcast %eq3A_1418 : f32 to vector<8x3072xf32>
    %eq3A_1420 = arith.cmpf oeq, %slice3A_1417, %eq3A_1419 : vector<8x3072xf32>
    %rsqrt3A_1421 = math.rsqrt %slice3A_1417 : vector<8x3072xf32>
    %mul3A_1422 = arith.mulf %slice3A_1417, %rsqrt3A_1421 : vector<8x3072xf32>
    %jit3A_1423 = arith.constant 0.000000e+00 : f32
    %broadcast_in_dim3A_1424 = vector.broadcast %jit3A_1423 : f32 to vector<8x3072xf32>
    %select_n3A_1425 = arith.select %eq3A_1420, %broadcast_in_dim3A_1424, %mul3A_1422 : vector<8x3072xi1>, vector<8x3072xf32>
    %eq3A_1426 = vector.broadcast %select_n3A : vector<1x3072xf32> to vector<8x3072xf32>
    %eq3A_1427 = arith.cmpf oeq, %select_n3A_1425, %eq3A_1426 : vector<8x3072xf32>
    %add3A_1428 = arith.constant 5.040000e+02 : f32
    %add3A_1429 = vector.broadcast %add3A_1428 : f32 to vector<8x3072xf32>
    %add3A_1430 = arith.addf %convert_element_type3A, %add3A_1429 : vector<8x3072xf32>
    %jit3A_1431 = arith.constant 1.024000e+03 : f32
    %broadcast_in_dim3A_1432 = vector.broadcast %jit3A_1431 : f32 to vector<8x3072xf32>
    %select_n3A_1433 = arith.select %eq3A_1427, %add3A_1430, %broadcast_in_dim3A_1432 : vector<8x3072xi1>, vector<8x3072xf32>
    %min3A_1434 = arith.minimumf %min3A_1416, %select_n3A_1433 : vector<8x3072xf32>
    %slice3A_1435 = vector.extract_strided_slice %max3A_16 {offsets = [512, 0], sizes = [8, 3072], strides = [1, 1]} : vector<1024x3072xf32> to vector<8x3072xf32>
    %eq3A_1436 = arith.constant 0.000000e+00 : f32
    %eq3A_1437 = vector.broadcast %eq3A_1436 : f32 to vector<8x3072xf32>
    %eq3A_1438 = arith.cmpf oeq, %slice3A_1435, %eq3A_1437 : vector<8x3072xf32>
    %rsqrt3A_1439 = math.rsqrt %slice3A_1435 : vector<8x3072xf32>
    %mul3A_1440 = arith.mulf %slice3A_1435, %rsqrt3A_1439 : vector<8x3072xf32>
    %jit3A_1441 = arith.constant 0.000000e+00 : f32
    %broadcast_in_dim3A_1442 = vector.broadcast %jit3A_1441 : f32 to vector<8x3072xf32>
    %select_n3A_1443 = arith.select %eq3A_1438, %broadcast_in_dim3A_1442, %mul3A_1440 : vector<8x3072xi1>, vector<8x3072xf32>
    %eq3A_1444 = vector.broadcast %select_n3A : vector<1x3072xf32> to vector<8x3072xf32>
    %eq3A_1445 = arith.cmpf oeq, %select_n3A_1443, %eq3A_1444 : vector<8x3072xf32>
    %add3A_1446 = arith.constant 5.120000e+02 : f32
    %add3A_1447 = vector.broadcast %add3A_1446 : f32 to vector<8x3072xf32>
    %add3A_1448 = arith.addf %convert_element_type3A, %add3A_1447 : vector<8x3072xf32>
    %jit3A_1449 = arith.constant 1.024000e+03 : f32
    %broadcast_in_dim3A_1450 = vector.broadcast %jit3A_1449 : f32 to vector<8x3072xf32>
    %select_n3A_1451 = arith.select %eq3A_1445, %add3A_1448, %broadcast_in_dim3A_1450 : vector<8x3072xi1>, vector<8x3072xf32>
    %min3A_1452 = arith.minimumf %min3A_1434, %select_n3A_1451 : vector<8x3072xf32>
    %slice3A_1453 = vector.extract_strided_slice %max3A_16 {offsets = [520, 0], sizes = [8, 3072], strides = [1, 1]} : vector<1024x3072xf32> to vector<8x3072xf32>
    %eq3A_1454 = arith.constant 0.000000e+00 : f32
    %eq3A_1455 = vector.broadcast %eq3A_1454 : f32 to vector<8x3072xf32>
    %eq3A_1456 = arith.cmpf oeq, %slice3A_1453, %eq3A_1455 : vector<8x3072xf32>
    %rsqrt3A_1457 = math.rsqrt %slice3A_1453 : vector<8x3072xf32>
    %mul3A_1458 = arith.mulf %slice3A_1453, %rsqrt3A_1457 : vector<8x3072xf32>
    %jit3A_1459 = arith.constant 0.000000e+00 : f32
    %broadcast_in_dim3A_1460 = vector.broadcast %jit3A_1459 : f32 to vector<8x3072xf32>
    %select_n3A_1461 = arith.select %eq3A_1456, %broadcast_in_dim3A_1460, %mul3A_1458 : vector<8x3072xi1>, vector<8x3072xf32>
    %eq3A_1462 = vector.broadcast %select_n3A : vector<1x3072xf32> to vector<8x3072xf32>
    %eq3A_1463 = arith.cmpf oeq, %select_n3A_1461, %eq3A_1462 : vector<8x3072xf32>
    %add3A_1464 = arith.constant 5.200000e+02 : f32
    %add3A_1465 = vector.broadcast %add3A_1464 : f32 to vector<8x3072xf32>
    %add3A_1466 = arith.addf %convert_element_type3A, %add3A_1465 : vector<8x3072xf32>
    %jit3A_1467 = arith.constant 1.024000e+03 : f32
    %broadcast_in_dim3A_1468 = vector.broadcast %jit3A_1467 : f32 to vector<8x3072xf32>
    %select_n3A_1469 = arith.select %eq3A_1463, %add3A_1466, %broadcast_in_dim3A_1468 : vector<8x3072xi1>, vector<8x3072xf32>
    %min3A_1470 = arith.minimumf %min3A_1452, %select_n3A_1469 : vector<8x3072xf32>
    %slice3A_1471 = vector.extract_strided_slice %max3A_16 {offsets = [528, 0], sizes = [8, 3072], strides = [1, 1]} : vector<1024x3072xf32> to vector<8x3072xf32>
    %eq3A_1472 = arith.constant 0.000000e+00 : f32
    %eq3A_1473 = vector.broadcast %eq3A_1472 : f32 to vector<8x3072xf32>
    %eq3A_1474 = arith.cmpf oeq, %slice3A_1471, %eq3A_1473 : vector<8x3072xf32>
    %rsqrt3A_1475 = math.rsqrt %slice3A_1471 : vector<8x3072xf32>
    %mul3A_1476 = arith.mulf %slice3A_1471, %rsqrt3A_1475 : vector<8x3072xf32>
    %jit3A_1477 = arith.constant 0.000000e+00 : f32
    %broadcast_in_dim3A_1478 = vector.broadcast %jit3A_1477 : f32 to vector<8x3072xf32>
    %select_n3A_1479 = arith.select %eq3A_1474, %broadcast_in_dim3A_1478, %mul3A_1476 : vector<8x3072xi1>, vector<8x3072xf32>
    %eq3A_1480 = vector.broadcast %select_n3A : vector<1x3072xf32> to vector<8x3072xf32>
    %eq3A_1481 = arith.cmpf oeq, %select_n3A_1479, %eq3A_1480 : vector<8x3072xf32>
    %add3A_1482 = arith.constant 5.280000e+02 : f32
    %add3A_1483 = vector.broadcast %add3A_1482 : f32 to vector<8x3072xf32>
    %add3A_1484 = arith.addf %convert_element_type3A, %add3A_1483 : vector<8x3072xf32>
    %jit3A_1485 = arith.constant 1.024000e+03 : f32
    %broadcast_in_dim3A_1486 = vector.broadcast %jit3A_1485 : f32 to vector<8x3072xf32>
    %select_n3A_1487 = arith.select %eq3A_1481, %add3A_1484, %broadcast_in_dim3A_1486 : vector<8x3072xi1>, vector<8x3072xf32>
    %min3A_1488 = arith.minimumf %min3A_1470, %select_n3A_1487 : vector<8x3072xf32>
    %slice3A_1489 = vector.extract_strided_slice %max3A_16 {offsets = [536, 0], sizes = [8, 3072], strides = [1, 1]} : vector<1024x3072xf32> to vector<8x3072xf32>
    %eq3A_1490 = arith.constant 0.000000e+00 : f32
    %eq3A_1491 = vector.broadcast %eq3A_1490 : f32 to vector<8x3072xf32>
    %eq3A_1492 = arith.cmpf oeq, %slice3A_1489, %eq3A_1491 : vector<8x3072xf32>
    %rsqrt3A_1493 = math.rsqrt %slice3A_1489 : vector<8x3072xf32>
    %mul3A_1494 = arith.mulf %slice3A_1489, %rsqrt3A_1493 : vector<8x3072xf32>
    %jit3A_1495 = arith.constant 0.000000e+00 : f32
    %broadcast_in_dim3A_1496 = vector.broadcast %jit3A_1495 : f32 to vector<8x3072xf32>
    %select_n3A_1497 = arith.select %eq3A_1492, %broadcast_in_dim3A_1496, %mul3A_1494 : vector<8x3072xi1>, vector<8x3072xf32>
    %eq3A_1498 = vector.broadcast %select_n3A : vector<1x3072xf32> to vector<8x3072xf32>
    %eq3A_1499 = arith.cmpf oeq, %select_n3A_1497, %eq3A_1498 : vector<8x3072xf32>
    %add3A_1500 = arith.constant 5.360000e+02 : f32
    %add3A_1501 = vector.broadcast %add3A_1500 : f32 to vector<8x3072xf32>
    %add3A_1502 = arith.addf %convert_element_type3A, %add3A_1501 : vector<8x3072xf32>
    %jit3A_1503 = arith.constant 1.024000e+03 : f32
    %broadcast_in_dim3A_1504 = vector.broadcast %jit3A_1503 : f32 to vector<8x3072xf32>
    %select_n3A_1505 = arith.select %eq3A_1499, %add3A_1502, %broadcast_in_dim3A_1504 : vector<8x3072xi1>, vector<8x3072xf32>
    %min3A_1506 = arith.minimumf %min3A_1488, %select_n3A_1505 : vector<8x3072xf32>
    %slice3A_1507 = vector.extract_strided_slice %max3A_16 {offsets = [544, 0], sizes = [8, 3072], strides = [1, 1]} : vector<1024x3072xf32> to vector<8x3072xf32>
    %eq3A_1508 = arith.constant 0.000000e+00 : f32
    %eq3A_1509 = vector.broadcast %eq3A_1508 : f32 to vector<8x3072xf32>
    %eq3A_1510 = arith.cmpf oeq, %slice3A_1507, %eq3A_1509 : vector<8x3072xf32>
    %rsqrt3A_1511 = math.rsqrt %slice3A_1507 : vector<8x3072xf32>
    %mul3A_1512 = arith.mulf %slice3A_1507, %rsqrt3A_1511 : vector<8x3072xf32>
    %jit3A_1513 = arith.constant 0.000000e+00 : f32
    %broadcast_in_dim3A_1514 = vector.broadcast %jit3A_1513 : f32 to vector<8x3072xf32>
    %select_n3A_1515 = arith.select %eq3A_1510, %broadcast_in_dim3A_1514, %mul3A_1512 : vector<8x3072xi1>, vector<8x3072xf32>
    %eq3A_1516 = vector.broadcast %select_n3A : vector<1x3072xf32> to vector<8x3072xf32>
    %eq3A_1517 = arith.cmpf oeq, %select_n3A_1515, %eq3A_1516 : vector<8x3072xf32>
    %add3A_1518 = arith.constant 5.440000e+02 : f32
    %add3A_1519 = vector.broadcast %add3A_1518 : f32 to vector<8x3072xf32>
    %add3A_1520 = arith.addf %convert_element_type3A, %add3A_1519 : vector<8x3072xf32>
    %jit3A_1521 = arith.constant 1.024000e+03 : f32
    %broadcast_in_dim3A_1522 = vector.broadcast %jit3A_1521 : f32 to vector<8x3072xf32>
    %select_n3A_1523 = arith.select %eq3A_1517, %add3A_1520, %broadcast_in_dim3A_1522 : vector<8x3072xi1>, vector<8x3072xf32>
    %min3A_1524 = arith.minimumf %min3A_1506, %select_n3A_1523 : vector<8x3072xf32>
    %slice3A_1525 = vector.extract_strided_slice %max3A_16 {offsets = [552, 0], sizes = [8, 3072], strides = [1, 1]} : vector<1024x3072xf32> to vector<8x3072xf32>
    %eq3A_1526 = arith.constant 0.000000e+00 : f32
    %eq3A_1527 = vector.broadcast %eq3A_1526 : f32 to vector<8x3072xf32>
    %eq3A_1528 = arith.cmpf oeq, %slice3A_1525, %eq3A_1527 : vector<8x3072xf32>
    %rsqrt3A_1529 = math.rsqrt %slice3A_1525 : vector<8x3072xf32>
    %mul3A_1530 = arith.mulf %slice3A_1525, %rsqrt3A_1529 : vector<8x3072xf32>
    %jit3A_1531 = arith.constant 0.000000e+00 : f32
    %broadcast_in_dim3A_1532 = vector.broadcast %jit3A_1531 : f32 to vector<8x3072xf32>
    %select_n3A_1533 = arith.select %eq3A_1528, %broadcast_in_dim3A_1532, %mul3A_1530 : vector<8x3072xi1>, vector<8x3072xf32>
    %eq3A_1534 = vector.broadcast %select_n3A : vector<1x3072xf32> to vector<8x3072xf32>
    %eq3A_1535 = arith.cmpf oeq, %select_n3A_1533, %eq3A_1534 : vector<8x3072xf32>
    %add3A_1536 = arith.constant 5.520000e+02 : f32
    %add3A_1537 = vector.broadcast %add3A_1536 : f32 to vector<8x3072xf32>
    %add3A_1538 = arith.addf %convert_element_type3A, %add3A_1537 : vector<8x3072xf32>
    %jit3A_1539 = arith.constant 1.024000e+03 : f32
    %broadcast_in_dim3A_1540 = vector.broadcast %jit3A_1539 : f32 to vector<8x3072xf32>
    %select_n3A_1541 = arith.select %eq3A_1535, %add3A_1538, %broadcast_in_dim3A_1540 : vector<8x3072xi1>, vector<8x3072xf32>
    %min3A_1542 = arith.minimumf %min3A_1524, %select_n3A_1541 : vector<8x3072xf32>
    %slice3A_1543 = vector.extract_strided_slice %max3A_16 {offsets = [560, 0], sizes = [8, 3072], strides = [1, 1]} : vector<1024x3072xf32> to vector<8x3072xf32>
    %eq3A_1544 = arith.constant 0.000000e+00 : f32
    %eq3A_1545 = vector.broadcast %eq3A_1544 : f32 to vector<8x3072xf32>
    %eq3A_1546 = arith.cmpf oeq, %slice3A_1543, %eq3A_1545 : vector<8x3072xf32>
    %rsqrt3A_1547 = math.rsqrt %slice3A_1543 : vector<8x3072xf32>
    %mul3A_1548 = arith.mulf %slice3A_1543, %rsqrt3A_1547 : vector<8x3072xf32>
    %jit3A_1549 = arith.constant 0.000000e+00 : f32
    %broadcast_in_dim3A_1550 = vector.broadcast %jit3A_1549 : f32 to vector<8x3072xf32>
    %select_n3A_1551 = arith.select %eq3A_1546, %broadcast_in_dim3A_1550, %mul3A_1548 : vector<8x3072xi1>, vector<8x3072xf32>
    %eq3A_1552 = vector.broadcast %select_n3A : vector<1x3072xf32> to vector<8x3072xf32>
    %eq3A_1553 = arith.cmpf oeq, %select_n3A_1551, %eq3A_1552 : vector<8x3072xf32>
    %add3A_1554 = arith.constant 5.600000e+02 : f32
    %add3A_1555 = vector.broadcast %add3A_1554 : f32 to vector<8x3072xf32>
    %add3A_1556 = arith.addf %convert_element_type3A, %add3A_1555 : vector<8x3072xf32>
    %jit3A_1557 = arith.constant 1.024000e+03 : f32
    %broadcast_in_dim3A_1558 = vector.broadcast %jit3A_1557 : f32 to vector<8x3072xf32>
    %select_n3A_1559 = arith.select %eq3A_1553, %add3A_1556, %broadcast_in_dim3A_1558 : vector<8x3072xi1>, vector<8x3072xf32>
    %min3A_1560 = arith.minimumf %min3A_1542, %select_n3A_1559 : vector<8x3072xf32>
    %slice3A_1561 = vector.extract_strided_slice %max3A_16 {offsets = [568, 0], sizes = [8, 3072], strides = [1, 1]} : vector<1024x3072xf32> to vector<8x3072xf32>
    %eq3A_1562 = arith.constant 0.000000e+00 : f32
    %eq3A_1563 = vector.broadcast %eq3A_1562 : f32 to vector<8x3072xf32>
    %eq3A_1564 = arith.cmpf oeq, %slice3A_1561, %eq3A_1563 : vector<8x3072xf32>
    %rsqrt3A_1565 = math.rsqrt %slice3A_1561 : vector<8x3072xf32>
    %mul3A_1566 = arith.mulf %slice3A_1561, %rsqrt3A_1565 : vector<8x3072xf32>
    %jit3A_1567 = arith.constant 0.000000e+00 : f32
    %broadcast_in_dim3A_1568 = vector.broadcast %jit3A_1567 : f32 to vector<8x3072xf32>
    %select_n3A_1569 = arith.select %eq3A_1564, %broadcast_in_dim3A_1568, %mul3A_1566 : vector<8x3072xi1>, vector<8x3072xf32>
    %eq3A_1570 = vector.broadcast %select_n3A : vector<1x3072xf32> to vector<8x3072xf32>
    %eq3A_1571 = arith.cmpf oeq, %select_n3A_1569, %eq3A_1570 : vector<8x3072xf32>
    %add3A_1572 = arith.constant 5.680000e+02 : f32
    %add3A_1573 = vector.broadcast %add3A_1572 : f32 to vector<8x3072xf32>
    %add3A_1574 = arith.addf %convert_element_type3A, %add3A_1573 : vector<8x3072xf32>
    %jit3A_1575 = arith.constant 1.024000e+03 : f32
    %broadcast_in_dim3A_1576 = vector.broadcast %jit3A_1575 : f32 to vector<8x3072xf32>
    %select_n3A_1577 = arith.select %eq3A_1571, %add3A_1574, %broadcast_in_dim3A_1576 : vector<8x3072xi1>, vector<8x3072xf32>
    %min3A_1578 = arith.minimumf %min3A_1560, %select_n3A_1577 : vector<8x3072xf32>
    %slice3A_1579 = vector.extract_strided_slice %max3A_16 {offsets = [576, 0], sizes = [8, 3072], strides = [1, 1]} : vector<1024x3072xf32> to vector<8x3072xf32>
    %eq3A_1580 = arith.constant 0.000000e+00 : f32
    %eq3A_1581 = vector.broadcast %eq3A_1580 : f32 to vector<8x3072xf32>
    %eq3A_1582 = arith.cmpf oeq, %slice3A_1579, %eq3A_1581 : vector<8x3072xf32>
    %rsqrt3A_1583 = math.rsqrt %slice3A_1579 : vector<8x3072xf32>
    %mul3A_1584 = arith.mulf %slice3A_1579, %rsqrt3A_1583 : vector<8x3072xf32>
    %jit3A_1585 = arith.constant 0.000000e+00 : f32
    %broadcast_in_dim3A_1586 = vector.broadcast %jit3A_1585 : f32 to vector<8x3072xf32>
    %select_n3A_1587 = arith.select %eq3A_1582, %broadcast_in_dim3A_1586, %mul3A_1584 : vector<8x3072xi1>, vector<8x3072xf32>
    %eq3A_1588 = vector.broadcast %select_n3A : vector<1x3072xf32> to vector<8x3072xf32>
    %eq3A_1589 = arith.cmpf oeq, %select_n3A_1587, %eq3A_1588 : vector<8x3072xf32>
    %add3A_1590 = arith.constant 5.760000e+02 : f32
    %add3A_1591 = vector.broadcast %add3A_1590 : f32 to vector<8x3072xf32>
    %add3A_1592 = arith.addf %convert_element_type3A, %add3A_1591 : vector<8x3072xf32>
    %jit3A_1593 = arith.constant 1.024000e+03 : f32
    %broadcast_in_dim3A_1594 = vector.broadcast %jit3A_1593 : f32 to vector<8x3072xf32>
    %select_n3A_1595 = arith.select %eq3A_1589, %add3A_1592, %broadcast_in_dim3A_1594 : vector<8x3072xi1>, vector<8x3072xf32>
    %min3A_1596 = arith.minimumf %min3A_1578, %select_n3A_1595 : vector<8x3072xf32>
    %slice3A_1597 = vector.extract_strided_slice %max3A_16 {offsets = [584, 0], sizes = [8, 3072], strides = [1, 1]} : vector<1024x3072xf32> to vector<8x3072xf32>
    %eq3A_1598 = arith.constant 0.000000e+00 : f32
    %eq3A_1599 = vector.broadcast %eq3A_1598 : f32 to vector<8x3072xf32>
    %eq3A_1600 = arith.cmpf oeq, %slice3A_1597, %eq3A_1599 : vector<8x3072xf32>
    %rsqrt3A_1601 = math.rsqrt %slice3A_1597 : vector<8x3072xf32>
    %mul3A_1602 = arith.mulf %slice3A_1597, %rsqrt3A_1601 : vector<8x3072xf32>
    %jit3A_1603 = arith.constant 0.000000e+00 : f32
    %broadcast_in_dim3A_1604 = vector.broadcast %jit3A_1603 : f32 to vector<8x3072xf32>
    %select_n3A_1605 = arith.select %eq3A_1600, %broadcast_in_dim3A_1604, %mul3A_1602 : vector<8x3072xi1>, vector<8x3072xf32>
    %eq3A_1606 = vector.broadcast %select_n3A : vector<1x3072xf32> to vector<8x3072xf32>
    %eq3A_1607 = arith.cmpf oeq, %select_n3A_1605, %eq3A_1606 : vector<8x3072xf32>
    %add3A_1608 = arith.constant 5.840000e+02 : f32
    %add3A_1609 = vector.broadcast %add3A_1608 : f32 to vector<8x3072xf32>
    %add3A_1610 = arith.addf %convert_element_type3A, %add3A_1609 : vector<8x3072xf32>
    %jit3A_1611 = arith.constant 1.024000e+03 : f32
    %broadcast_in_dim3A_1612 = vector.broadcast %jit3A_1611 : f32 to vector<8x3072xf32>
    %select_n3A_1613 = arith.select %eq3A_1607, %add3A_1610, %broadcast_in_dim3A_1612 : vector<8x3072xi1>, vector<8x3072xf32>
    %min3A_1614 = arith.minimumf %min3A_1596, %select_n3A_1613 : vector<8x3072xf32>
    %slice3A_1615 = vector.extract_strided_slice %max3A_16 {offsets = [592, 0], sizes = [8, 3072], strides = [1, 1]} : vector<1024x3072xf32> to vector<8x3072xf32>
    %eq3A_1616 = arith.constant 0.000000e+00 : f32
    %eq3A_1617 = vector.broadcast %eq3A_1616 : f32 to vector<8x3072xf32>
    %eq3A_1618 = arith.cmpf oeq, %slice3A_1615, %eq3A_1617 : vector<8x3072xf32>
    %rsqrt3A_1619 = math.rsqrt %slice3A_1615 : vector<8x3072xf32>
    %mul3A_1620 = arith.mulf %slice3A_1615, %rsqrt3A_1619 : vector<8x3072xf32>
    %jit3A_1621 = arith.constant 0.000000e+00 : f32
    %broadcast_in_dim3A_1622 = vector.broadcast %jit3A_1621 : f32 to vector<8x3072xf32>
    %select_n3A_1623 = arith.select %eq3A_1618, %broadcast_in_dim3A_1622, %mul3A_1620 : vector<8x3072xi1>, vector<8x3072xf32>
    %eq3A_1624 = vector.broadcast %select_n3A : vector<1x3072xf32> to vector<8x3072xf32>
    %eq3A_1625 = arith.cmpf oeq, %select_n3A_1623, %eq3A_1624 : vector<8x3072xf32>
    %add3A_1626 = arith.constant 5.920000e+02 : f32
    %add3A_1627 = vector.broadcast %add3A_1626 : f32 to vector<8x3072xf32>
    %add3A_1628 = arith.addf %convert_element_type3A, %add3A_1627 : vector<8x3072xf32>
    %jit3A_1629 = arith.constant 1.024000e+03 : f32
    %broadcast_in_dim3A_1630 = vector.broadcast %jit3A_1629 : f32 to vector<8x3072xf32>
    %select_n3A_1631 = arith.select %eq3A_1625, %add3A_1628, %broadcast_in_dim3A_1630 : vector<8x3072xi1>, vector<8x3072xf32>
    %min3A_1632 = arith.minimumf %min3A_1614, %select_n3A_1631 : vector<8x3072xf32>
    %slice3A_1633 = vector.extract_strided_slice %max3A_16 {offsets = [600, 0], sizes = [8, 3072], strides = [1, 1]} : vector<1024x3072xf32> to vector<8x3072xf32>
    %eq3A_1634 = arith.constant 0.000000e+00 : f32
    %eq3A_1635 = vector.broadcast %eq3A_1634 : f32 to vector<8x3072xf32>
    %eq3A_1636 = arith.cmpf oeq, %slice3A_1633, %eq3A_1635 : vector<8x3072xf32>
    %rsqrt3A_1637 = math.rsqrt %slice3A_1633 : vector<8x3072xf32>
    %mul3A_1638 = arith.mulf %slice3A_1633, %rsqrt3A_1637 : vector<8x3072xf32>
    %jit3A_1639 = arith.constant 0.000000e+00 : f32
    %broadcast_in_dim3A_1640 = vector.broadcast %jit3A_1639 : f32 to vector<8x3072xf32>
    %select_n3A_1641 = arith.select %eq3A_1636, %broadcast_in_dim3A_1640, %mul3A_1638 : vector<8x3072xi1>, vector<8x3072xf32>
    %eq3A_1642 = vector.broadcast %select_n3A : vector<1x3072xf32> to vector<8x3072xf32>
    %eq3A_1643 = arith.cmpf oeq, %select_n3A_1641, %eq3A_1642 : vector<8x3072xf32>
    %add3A_1644 = arith.constant 6.000000e+02 : f32
    %add3A_1645 = vector.broadcast %add3A_1644 : f32 to vector<8x3072xf32>
    %add3A_1646 = arith.addf %convert_element_type3A, %add3A_1645 : vector<8x3072xf32>
    %jit3A_1647 = arith.constant 1.024000e+03 : f32
    %broadcast_in_dim3A_1648 = vector.broadcast %jit3A_1647 : f32 to vector<8x3072xf32>
    %select_n3A_1649 = arith.select %eq3A_1643, %add3A_1646, %broadcast_in_dim3A_1648 : vector<8x3072xi1>, vector<8x3072xf32>
    %min3A_1650 = arith.minimumf %min3A_1632, %select_n3A_1649 : vector<8x3072xf32>
    %slice3A_1651 = vector.extract_strided_slice %max3A_16 {offsets = [608, 0], sizes = [8, 3072], strides = [1, 1]} : vector<1024x3072xf32> to vector<8x3072xf32>
    %eq3A_1652 = arith.constant 0.000000e+00 : f32
    %eq3A_1653 = vector.broadcast %eq3A_1652 : f32 to vector<8x3072xf32>
    %eq3A_1654 = arith.cmpf oeq, %slice3A_1651, %eq3A_1653 : vector<8x3072xf32>
    %rsqrt3A_1655 = math.rsqrt %slice3A_1651 : vector<8x3072xf32>
    %mul3A_1656 = arith.mulf %slice3A_1651, %rsqrt3A_1655 : vector<8x3072xf32>
    %jit3A_1657 = arith.constant 0.000000e+00 : f32
    %broadcast_in_dim3A_1658 = vector.broadcast %jit3A_1657 : f32 to vector<8x3072xf32>
    %select_n3A_1659 = arith.select %eq3A_1654, %broadcast_in_dim3A_1658, %mul3A_1656 : vector<8x3072xi1>, vector<8x3072xf32>
    %eq3A_1660 = vector.broadcast %select_n3A : vector<1x3072xf32> to vector<8x3072xf32>
    %eq3A_1661 = arith.cmpf oeq, %select_n3A_1659, %eq3A_1660 : vector<8x3072xf32>
    %add3A_1662 = arith.constant 6.080000e+02 : f32
    %add3A_1663 = vector.broadcast %add3A_1662 : f32 to vector<8x3072xf32>
    %add3A_1664 = arith.addf %convert_element_type3A, %add3A_1663 : vector<8x3072xf32>
    %jit3A_1665 = arith.constant 1.024000e+03 : f32
    %broadcast_in_dim3A_1666 = vector.broadcast %jit3A_1665 : f32 to vector<8x3072xf32>
    %select_n3A_1667 = arith.select %eq3A_1661, %add3A_1664, %broadcast_in_dim3A_1666 : vector<8x3072xi1>, vector<8x3072xf32>
    %min3A_1668 = arith.minimumf %min3A_1650, %select_n3A_1667 : vector<8x3072xf32>
    %slice3A_1669 = vector.extract_strided_slice %max3A_16 {offsets = [616, 0], sizes = [8, 3072], strides = [1, 1]} : vector<1024x3072xf32> to vector<8x3072xf32>
    %eq3A_1670 = arith.constant 0.000000e+00 : f32
    %eq3A_1671 = vector.broadcast %eq3A_1670 : f32 to vector<8x3072xf32>
    %eq3A_1672 = arith.cmpf oeq, %slice3A_1669, %eq3A_1671 : vector<8x3072xf32>
    %rsqrt3A_1673 = math.rsqrt %slice3A_1669 : vector<8x3072xf32>
    %mul3A_1674 = arith.mulf %slice3A_1669, %rsqrt3A_1673 : vector<8x3072xf32>
    %jit3A_1675 = arith.constant 0.000000e+00 : f32
    %broadcast_in_dim3A_1676 = vector.broadcast %jit3A_1675 : f32 to vector<8x3072xf32>
    %select_n3A_1677 = arith.select %eq3A_1672, %broadcast_in_dim3A_1676, %mul3A_1674 : vector<8x3072xi1>, vector<8x3072xf32>
    %eq3A_1678 = vector.broadcast %select_n3A : vector<1x3072xf32> to vector<8x3072xf32>
    %eq3A_1679 = arith.cmpf oeq, %select_n3A_1677, %eq3A_1678 : vector<8x3072xf32>
    %add3A_1680 = arith.constant 6.160000e+02 : f32
    %add3A_1681 = vector.broadcast %add3A_1680 : f32 to vector<8x3072xf32>
    %add3A_1682 = arith.addf %convert_element_type3A, %add3A_1681 : vector<8x3072xf32>
    %jit3A_1683 = arith.constant 1.024000e+03 : f32
    %broadcast_in_dim3A_1684 = vector.broadcast %jit3A_1683 : f32 to vector<8x3072xf32>
    %select_n3A_1685 = arith.select %eq3A_1679, %add3A_1682, %broadcast_in_dim3A_1684 : vector<8x3072xi1>, vector<8x3072xf32>
    %min3A_1686 = arith.minimumf %min3A_1668, %select_n3A_1685 : vector<8x3072xf32>
    %slice3A_1687 = vector.extract_strided_slice %max3A_16 {offsets = [624, 0], sizes = [8, 3072], strides = [1, 1]} : vector<1024x3072xf32> to vector<8x3072xf32>
    %eq3A_1688 = arith.constant 0.000000e+00 : f32
    %eq3A_1689 = vector.broadcast %eq3A_1688 : f32 to vector<8x3072xf32>
    %eq3A_1690 = arith.cmpf oeq, %slice3A_1687, %eq3A_1689 : vector<8x3072xf32>
    %rsqrt3A_1691 = math.rsqrt %slice3A_1687 : vector<8x3072xf32>
    %mul3A_1692 = arith.mulf %slice3A_1687, %rsqrt3A_1691 : vector<8x3072xf32>
    %jit3A_1693 = arith.constant 0.000000e+00 : f32
    %broadcast_in_dim3A_1694 = vector.broadcast %jit3A_1693 : f32 to vector<8x3072xf32>
    %select_n3A_1695 = arith.select %eq3A_1690, %broadcast_in_dim3A_1694, %mul3A_1692 : vector<8x3072xi1>, vector<8x3072xf32>
    %eq3A_1696 = vector.broadcast %select_n3A : vector<1x3072xf32> to vector<8x3072xf32>
    %eq3A_1697 = arith.cmpf oeq, %select_n3A_1695, %eq3A_1696 : vector<8x3072xf32>
    %add3A_1698 = arith.constant 6.240000e+02 : f32
    %add3A_1699 = vector.broadcast %add3A_1698 : f32 to vector<8x3072xf32>
    %add3A_1700 = arith.addf %convert_element_type3A, %add3A_1699 : vector<8x3072xf32>
    %jit3A_1701 = arith.constant 1.024000e+03 : f32
    %broadcast_in_dim3A_1702 = vector.broadcast %jit3A_1701 : f32 to vector<8x3072xf32>
    %select_n3A_1703 = arith.select %eq3A_1697, %add3A_1700, %broadcast_in_dim3A_1702 : vector<8x3072xi1>, vector<8x3072xf32>
    %min3A_1704 = arith.minimumf %min3A_1686, %select_n3A_1703 : vector<8x3072xf32>
    %slice3A_1705 = vector.extract_strided_slice %max3A_16 {offsets = [632, 0], sizes = [8, 3072], strides = [1, 1]} : vector<1024x3072xf32> to vector<8x3072xf32>
    %eq3A_1706 = arith.constant 0.000000e+00 : f32
    %eq3A_1707 = vector.broadcast %eq3A_1706 : f32 to vector<8x3072xf32>
    %eq3A_1708 = arith.cmpf oeq, %slice3A_1705, %eq3A_1707 : vector<8x3072xf32>
    %rsqrt3A_1709 = math.rsqrt %slice3A_1705 : vector<8x3072xf32>
    %mul3A_1710 = arith.mulf %slice3A_1705, %rsqrt3A_1709 : vector<8x3072xf32>
    %jit3A_1711 = arith.constant 0.000000e+00 : f32
    %broadcast_in_dim3A_1712 = vector.broadcast %jit3A_1711 : f32 to vector<8x3072xf32>
    %select_n3A_1713 = arith.select %eq3A_1708, %broadcast_in_dim3A_1712, %mul3A_1710 : vector<8x3072xi1>, vector<8x3072xf32>
    %eq3A_1714 = vector.broadcast %select_n3A : vector<1x3072xf32> to vector<8x3072xf32>
    %eq3A_1715 = arith.cmpf oeq, %select_n3A_1713, %eq3A_1714 : vector<8x3072xf32>
    %add3A_1716 = arith.constant 6.320000e+02 : f32
    %add3A_1717 = vector.broadcast %add3A_1716 : f32 to vector<8x3072xf32>
    %add3A_1718 = arith.addf %convert_element_type3A, %add3A_1717 : vector<8x3072xf32>
    %jit3A_1719 = arith.constant 1.024000e+03 : f32
    %broadcast_in_dim3A_1720 = vector.broadcast %jit3A_1719 : f32 to vector<8x3072xf32>
    %select_n3A_1721 = arith.select %eq3A_1715, %add3A_1718, %broadcast_in_dim3A_1720 : vector<8x3072xi1>, vector<8x3072xf32>
    %min3A_1722 = arith.minimumf %min3A_1704, %select_n3A_1721 : vector<8x3072xf32>
    %slice3A_1723 = vector.extract_strided_slice %max3A_16 {offsets = [640, 0], sizes = [8, 3072], strides = [1, 1]} : vector<1024x3072xf32> to vector<8x3072xf32>
    %eq3A_1724 = arith.constant 0.000000e+00 : f32
    %eq3A_1725 = vector.broadcast %eq3A_1724 : f32 to vector<8x3072xf32>
    %eq3A_1726 = arith.cmpf oeq, %slice3A_1723, %eq3A_1725 : vector<8x3072xf32>
    %rsqrt3A_1727 = math.rsqrt %slice3A_1723 : vector<8x3072xf32>
    %mul3A_1728 = arith.mulf %slice3A_1723, %rsqrt3A_1727 : vector<8x3072xf32>
    %jit3A_1729 = arith.constant 0.000000e+00 : f32
    %broadcast_in_dim3A_1730 = vector.broadcast %jit3A_1729 : f32 to vector<8x3072xf32>
    %select_n3A_1731 = arith.select %eq3A_1726, %broadcast_in_dim3A_1730, %mul3A_1728 : vector<8x3072xi1>, vector<8x3072xf32>
    %eq3A_1732 = vector.broadcast %select_n3A : vector<1x3072xf32> to vector<8x3072xf32>
    %eq3A_1733 = arith.cmpf oeq, %select_n3A_1731, %eq3A_1732 : vector<8x3072xf32>
    %add3A_1734 = arith.constant 6.400000e+02 : f32
    %add3A_1735 = vector.broadcast %add3A_1734 : f32 to vector<8x3072xf32>
    %add3A_1736 = arith.addf %convert_element_type3A, %add3A_1735 : vector<8x3072xf32>
    %jit3A_1737 = arith.constant 1.024000e+03 : f32
    %broadcast_in_dim3A_1738 = vector.broadcast %jit3A_1737 : f32 to vector<8x3072xf32>
    %select_n3A_1739 = arith.select %eq3A_1733, %add3A_1736, %broadcast_in_dim3A_1738 : vector<8x3072xi1>, vector<8x3072xf32>
    %min3A_1740 = arith.minimumf %min3A_1722, %select_n3A_1739 : vector<8x3072xf32>
    %slice3A_1741 = vector.extract_strided_slice %max3A_16 {offsets = [648, 0], sizes = [8, 3072], strides = [1, 1]} : vector<1024x3072xf32> to vector<8x3072xf32>
    %eq3A_1742 = arith.constant 0.000000e+00 : f32
    %eq3A_1743 = vector.broadcast %eq3A_1742 : f32 to vector<8x3072xf32>
    %eq3A_1744 = arith.cmpf oeq, %slice3A_1741, %eq3A_1743 : vector<8x3072xf32>
    %rsqrt3A_1745 = math.rsqrt %slice3A_1741 : vector<8x3072xf32>
    %mul3A_1746 = arith.mulf %slice3A_1741, %rsqrt3A_1745 : vector<8x3072xf32>
    %jit3A_1747 = arith.constant 0.000000e+00 : f32
    %broadcast_in_dim3A_1748 = vector.broadcast %jit3A_1747 : f32 to vector<8x3072xf32>
    %select_n3A_1749 = arith.select %eq3A_1744, %broadcast_in_dim3A_1748, %mul3A_1746 : vector<8x3072xi1>, vector<8x3072xf32>
    %eq3A_1750 = vector.broadcast %select_n3A : vector<1x3072xf32> to vector<8x3072xf32>
    %eq3A_1751 = arith.cmpf oeq, %select_n3A_1749, %eq3A_1750 : vector<8x3072xf32>
    %add3A_1752 = arith.constant 6.480000e+02 : f32
    %add3A_1753 = vector.broadcast %add3A_1752 : f32 to vector<8x3072xf32>
    %add3A_1754 = arith.addf %convert_element_type3A, %add3A_1753 : vector<8x3072xf32>
    %jit3A_1755 = arith.constant 1.024000e+03 : f32
    %broadcast_in_dim3A_1756 = vector.broadcast %jit3A_1755 : f32 to vector<8x3072xf32>
    %select_n3A_1757 = arith.select %eq3A_1751, %add3A_1754, %broadcast_in_dim3A_1756 : vector<8x3072xi1>, vector<8x3072xf32>
    %min3A_1758 = arith.minimumf %min3A_1740, %select_n3A_1757 : vector<8x3072xf32>
    %slice3A_1759 = vector.extract_strided_slice %max3A_16 {offsets = [656, 0], sizes = [8, 3072], strides = [1, 1]} : vector<1024x3072xf32> to vector<8x3072xf32>
    %eq3A_1760 = arith.constant 0.000000e+00 : f32
    %eq3A_1761 = vector.broadcast %eq3A_1760 : f32 to vector<8x3072xf32>
    %eq3A_1762 = arith.cmpf oeq, %slice3A_1759, %eq3A_1761 : vector<8x3072xf32>
    %rsqrt3A_1763 = math.rsqrt %slice3A_1759 : vector<8x3072xf32>
    %mul3A_1764 = arith.mulf %slice3A_1759, %rsqrt3A_1763 : vector<8x3072xf32>
    %jit3A_1765 = arith.constant 0.000000e+00 : f32
    %broadcast_in_dim3A_1766 = vector.broadcast %jit3A_1765 : f32 to vector<8x3072xf32>
    %select_n3A_1767 = arith.select %eq3A_1762, %broadcast_in_dim3A_1766, %mul3A_1764 : vector<8x3072xi1>, vector<8x3072xf32>
    %eq3A_1768 = vector.broadcast %select_n3A : vector<1x3072xf32> to vector<8x3072xf32>
    %eq3A_1769 = arith.cmpf oeq, %select_n3A_1767, %eq3A_1768 : vector<8x3072xf32>
    %add3A_1770 = arith.constant 6.560000e+02 : f32
    %add3A_1771 = vector.broadcast %add3A_1770 : f32 to vector<8x3072xf32>
    %add3A_1772 = arith.addf %convert_element_type3A, %add3A_1771 : vector<8x3072xf32>
    %jit3A_1773 = arith.constant 1.024000e+03 : f32
    %broadcast_in_dim3A_1774 = vector.broadcast %jit3A_1773 : f32 to vector<8x3072xf32>
    %select_n3A_1775 = arith.select %eq3A_1769, %add3A_1772, %broadcast_in_dim3A_1774 : vector<8x3072xi1>, vector<8x3072xf32>
    %min3A_1776 = arith.minimumf %min3A_1758, %select_n3A_1775 : vector<8x3072xf32>
    %slice3A_1777 = vector.extract_strided_slice %max3A_16 {offsets = [664, 0], sizes = [8, 3072], strides = [1, 1]} : vector<1024x3072xf32> to vector<8x3072xf32>
    %eq3A_1778 = arith.constant 0.000000e+00 : f32
    %eq3A_1779 = vector.broadcast %eq3A_1778 : f32 to vector<8x3072xf32>
    %eq3A_1780 = arith.cmpf oeq, %slice3A_1777, %eq3A_1779 : vector<8x3072xf32>
    %rsqrt3A_1781 = math.rsqrt %slice3A_1777 : vector<8x3072xf32>
    %mul3A_1782 = arith.mulf %slice3A_1777, %rsqrt3A_1781 : vector<8x3072xf32>
    %jit3A_1783 = arith.constant 0.000000e+00 : f32
    %broadcast_in_dim3A_1784 = vector.broadcast %jit3A_1783 : f32 to vector<8x3072xf32>
    %select_n3A_1785 = arith.select %eq3A_1780, %broadcast_in_dim3A_1784, %mul3A_1782 : vector<8x3072xi1>, vector<8x3072xf32>
    %eq3A_1786 = vector.broadcast %select_n3A : vector<1x3072xf32> to vector<8x3072xf32>
    %eq3A_1787 = arith.cmpf oeq, %select_n3A_1785, %eq3A_1786 : vector<8x3072xf32>
    %add3A_1788 = arith.constant 6.640000e+02 : f32
    %add3A_1789 = vector.broadcast %add3A_1788 : f32 to vector<8x3072xf32>
    %add3A_1790 = arith.addf %convert_element_type3A, %add3A_1789 : vector<8x3072xf32>
    %jit3A_1791 = arith.constant 1.024000e+03 : f32
    %broadcast_in_dim3A_1792 = vector.broadcast %jit3A_1791 : f32 to vector<8x3072xf32>
    %select_n3A_1793 = arith.select %eq3A_1787, %add3A_1790, %broadcast_in_dim3A_1792 : vector<8x3072xi1>, vector<8x3072xf32>
    %min3A_1794 = arith.minimumf %min3A_1776, %select_n3A_1793 : vector<8x3072xf32>
    %slice3A_1795 = vector.extract_strided_slice %max3A_16 {offsets = [672, 0], sizes = [8, 3072], strides = [1, 1]} : vector<1024x3072xf32> to vector<8x3072xf32>
    %eq3A_1796 = arith.constant 0.000000e+00 : f32
    %eq3A_1797 = vector.broadcast %eq3A_1796 : f32 to vector<8x3072xf32>
    %eq3A_1798 = arith.cmpf oeq, %slice3A_1795, %eq3A_1797 : vector<8x3072xf32>
    %rsqrt3A_1799 = math.rsqrt %slice3A_1795 : vector<8x3072xf32>
    %mul3A_1800 = arith.mulf %slice3A_1795, %rsqrt3A_1799 : vector<8x3072xf32>
    %jit3A_1801 = arith.constant 0.000000e+00 : f32
    %broadcast_in_dim3A_1802 = vector.broadcast %jit3A_1801 : f32 to vector<8x3072xf32>
    %select_n3A_1803 = arith.select %eq3A_1798, %broadcast_in_dim3A_1802, %mul3A_1800 : vector<8x3072xi1>, vector<8x3072xf32>
    %eq3A_1804 = vector.broadcast %select_n3A : vector<1x3072xf32> to vector<8x3072xf32>
    %eq3A_1805 = arith.cmpf oeq, %select_n3A_1803, %eq3A_1804 : vector<8x3072xf32>
    %add3A_1806 = arith.constant 6.720000e+02 : f32
    %add3A_1807 = vector.broadcast %add3A_1806 : f32 to vector<8x3072xf32>
    %add3A_1808 = arith.addf %convert_element_type3A, %add3A_1807 : vector<8x3072xf32>
    %jit3A_1809 = arith.constant 1.024000e+03 : f32
    %broadcast_in_dim3A_1810 = vector.broadcast %jit3A_1809 : f32 to vector<8x3072xf32>
    %select_n3A_1811 = arith.select %eq3A_1805, %add3A_1808, %broadcast_in_dim3A_1810 : vector<8x3072xi1>, vector<8x3072xf32>
    %min3A_1812 = arith.minimumf %min3A_1794, %select_n3A_1811 : vector<8x3072xf32>
    %slice3A_1813 = vector.extract_strided_slice %max3A_16 {offsets = [680, 0], sizes = [8, 3072], strides = [1, 1]} : vector<1024x3072xf32> to vector<8x3072xf32>
    %eq3A_1814 = arith.constant 0.000000e+00 : f32
    %eq3A_1815 = vector.broadcast %eq3A_1814 : f32 to vector<8x3072xf32>
    %eq3A_1816 = arith.cmpf oeq, %slice3A_1813, %eq3A_1815 : vector<8x3072xf32>
    %rsqrt3A_1817 = math.rsqrt %slice3A_1813 : vector<8x3072xf32>
    %mul3A_1818 = arith.mulf %slice3A_1813, %rsqrt3A_1817 : vector<8x3072xf32>
    %jit3A_1819 = arith.constant 0.000000e+00 : f32
    %broadcast_in_dim3A_1820 = vector.broadcast %jit3A_1819 : f32 to vector<8x3072xf32>
    %select_n3A_1821 = arith.select %eq3A_1816, %broadcast_in_dim3A_1820, %mul3A_1818 : vector<8x3072xi1>, vector<8x3072xf32>
    %eq3A_1822 = vector.broadcast %select_n3A : vector<1x3072xf32> to vector<8x3072xf32>
    %eq3A_1823 = arith.cmpf oeq, %select_n3A_1821, %eq3A_1822 : vector<8x3072xf32>
    %add3A_1824 = arith.constant 6.800000e+02 : f32
    %add3A_1825 = vector.broadcast %add3A_1824 : f32 to vector<8x3072xf32>
    %add3A_1826 = arith.addf %convert_element_type3A, %add3A_1825 : vector<8x3072xf32>
    %jit3A_1827 = arith.constant 1.024000e+03 : f32
    %broadcast_in_dim3A_1828 = vector.broadcast %jit3A_1827 : f32 to vector<8x3072xf32>
    %select_n3A_1829 = arith.select %eq3A_1823, %add3A_1826, %broadcast_in_dim3A_1828 : vector<8x3072xi1>, vector<8x3072xf32>
    %min3A_1830 = arith.minimumf %min3A_1812, %select_n3A_1829 : vector<8x3072xf32>
    %slice3A_1831 = vector.extract_strided_slice %max3A_16 {offsets = [688, 0], sizes = [8, 3072], strides = [1, 1]} : vector<1024x3072xf32> to vector<8x3072xf32>
    %eq3A_1832 = arith.constant 0.000000e+00 : f32
    %eq3A_1833 = vector.broadcast %eq3A_1832 : f32 to vector<8x3072xf32>
    %eq3A_1834 = arith.cmpf oeq, %slice3A_1831, %eq3A_1833 : vector<8x3072xf32>
    %rsqrt3A_1835 = math.rsqrt %slice3A_1831 : vector<8x3072xf32>
    %mul3A_1836 = arith.mulf %slice3A_1831, %rsqrt3A_1835 : vector<8x3072xf32>
    %jit3A_1837 = arith.constant 0.000000e+00 : f32
    %broadcast_in_dim3A_1838 = vector.broadcast %jit3A_1837 : f32 to vector<8x3072xf32>
    %select_n3A_1839 = arith.select %eq3A_1834, %broadcast_in_dim3A_1838, %mul3A_1836 : vector<8x3072xi1>, vector<8x3072xf32>
    %eq3A_1840 = vector.broadcast %select_n3A : vector<1x3072xf32> to vector<8x3072xf32>
    %eq3A_1841 = arith.cmpf oeq, %select_n3A_1839, %eq3A_1840 : vector<8x3072xf32>
    %add3A_1842 = arith.constant 6.880000e+02 : f32
    %add3A_1843 = vector.broadcast %add3A_1842 : f32 to vector<8x3072xf32>
    %add3A_1844 = arith.addf %convert_element_type3A, %add3A_1843 : vector<8x3072xf32>
    %jit3A_1845 = arith.constant 1.024000e+03 : f32
    %broadcast_in_dim3A_1846 = vector.broadcast %jit3A_1845 : f32 to vector<8x3072xf32>
    %select_n3A_1847 = arith.select %eq3A_1841, %add3A_1844, %broadcast_in_dim3A_1846 : vector<8x3072xi1>, vector<8x3072xf32>
    %min3A_1848 = arith.minimumf %min3A_1830, %select_n3A_1847 : vector<8x3072xf32>
    %slice3A_1849 = vector.extract_strided_slice %max3A_16 {offsets = [696, 0], sizes = [8, 3072], strides = [1, 1]} : vector<1024x3072xf32> to vector<8x3072xf32>
    %eq3A_1850 = arith.constant 0.000000e+00 : f32
    %eq3A_1851 = vector.broadcast %eq3A_1850 : f32 to vector<8x3072xf32>
    %eq3A_1852 = arith.cmpf oeq, %slice3A_1849, %eq3A_1851 : vector<8x3072xf32>
    %rsqrt3A_1853 = math.rsqrt %slice3A_1849 : vector<8x3072xf32>
    %mul3A_1854 = arith.mulf %slice3A_1849, %rsqrt3A_1853 : vector<8x3072xf32>
    %jit3A_1855 = arith.constant 0.000000e+00 : f32
    %broadcast_in_dim3A_1856 = vector.broadcast %jit3A_1855 : f32 to vector<8x3072xf32>
    %select_n3A_1857 = arith.select %eq3A_1852, %broadcast_in_dim3A_1856, %mul3A_1854 : vector<8x3072xi1>, vector<8x3072xf32>
    %eq3A_1858 = vector.broadcast %select_n3A : vector<1x3072xf32> to vector<8x3072xf32>
    %eq3A_1859 = arith.cmpf oeq, %select_n3A_1857, %eq3A_1858 : vector<8x3072xf32>
    %add3A_1860 = arith.constant 6.960000e+02 : f32
    %add3A_1861 = vector.broadcast %add3A_1860 : f32 to vector<8x3072xf32>
    %add3A_1862 = arith.addf %convert_element_type3A, %add3A_1861 : vector<8x3072xf32>
    %jit3A_1863 = arith.constant 1.024000e+03 : f32
    %broadcast_in_dim3A_1864 = vector.broadcast %jit3A_1863 : f32 to vector<8x3072xf32>
    %select_n3A_1865 = arith.select %eq3A_1859, %add3A_1862, %broadcast_in_dim3A_1864 : vector<8x3072xi1>, vector<8x3072xf32>
    %min3A_1866 = arith.minimumf %min3A_1848, %select_n3A_1865 : vector<8x3072xf32>
    %slice3A_1867 = vector.extract_strided_slice %max3A_16 {offsets = [704, 0], sizes = [8, 3072], strides = [1, 1]} : vector<1024x3072xf32> to vector<8x3072xf32>
    %eq3A_1868 = arith.constant 0.000000e+00 : f32
    %eq3A_1869 = vector.broadcast %eq3A_1868 : f32 to vector<8x3072xf32>
    %eq3A_1870 = arith.cmpf oeq, %slice3A_1867, %eq3A_1869 : vector<8x3072xf32>
    %rsqrt3A_1871 = math.rsqrt %slice3A_1867 : vector<8x3072xf32>
    %mul3A_1872 = arith.mulf %slice3A_1867, %rsqrt3A_1871 : vector<8x3072xf32>
    %jit3A_1873 = arith.constant 0.000000e+00 : f32
    %broadcast_in_dim3A_1874 = vector.broadcast %jit3A_1873 : f32 to vector<8x3072xf32>
    %select_n3A_1875 = arith.select %eq3A_1870, %broadcast_in_dim3A_1874, %mul3A_1872 : vector<8x3072xi1>, vector<8x3072xf32>
    %eq3A_1876 = vector.broadcast %select_n3A : vector<1x3072xf32> to vector<8x3072xf32>
    %eq3A_1877 = arith.cmpf oeq, %select_n3A_1875, %eq3A_1876 : vector<8x3072xf32>
    %add3A_1878 = arith.constant 7.040000e+02 : f32
    %add3A_1879 = vector.broadcast %add3A_1878 : f32 to vector<8x3072xf32>
    %add3A_1880 = arith.addf %convert_element_type3A, %add3A_1879 : vector<8x3072xf32>
    %jit3A_1881 = arith.constant 1.024000e+03 : f32
    %broadcast_in_dim3A_1882 = vector.broadcast %jit3A_1881 : f32 to vector<8x3072xf32>
    %select_n3A_1883 = arith.select %eq3A_1877, %add3A_1880, %broadcast_in_dim3A_1882 : vector<8x3072xi1>, vector<8x3072xf32>
    %min3A_1884 = arith.minimumf %min3A_1866, %select_n3A_1883 : vector<8x3072xf32>
    %slice3A_1885 = vector.extract_strided_slice %max3A_16 {offsets = [712, 0], sizes = [8, 3072], strides = [1, 1]} : vector<1024x3072xf32> to vector<8x3072xf32>
    %eq3A_1886 = arith.constant 0.000000e+00 : f32
    %eq3A_1887 = vector.broadcast %eq3A_1886 : f32 to vector<8x3072xf32>
    %eq3A_1888 = arith.cmpf oeq, %slice3A_1885, %eq3A_1887 : vector<8x3072xf32>
    %rsqrt3A_1889 = math.rsqrt %slice3A_1885 : vector<8x3072xf32>
    %mul3A_1890 = arith.mulf %slice3A_1885, %rsqrt3A_1889 : vector<8x3072xf32>
    %jit3A_1891 = arith.constant 0.000000e+00 : f32
    %broadcast_in_dim3A_1892 = vector.broadcast %jit3A_1891 : f32 to vector<8x3072xf32>
    %select_n3A_1893 = arith.select %eq3A_1888, %broadcast_in_dim3A_1892, %mul3A_1890 : vector<8x3072xi1>, vector<8x3072xf32>
    %eq3A_1894 = vector.broadcast %select_n3A : vector<1x3072xf32> to vector<8x3072xf32>
    %eq3A_1895 = arith.cmpf oeq, %select_n3A_1893, %eq3A_1894 : vector<8x3072xf32>
    %add3A_1896 = arith.constant 7.120000e+02 : f32
    %add3A_1897 = vector.broadcast %add3A_1896 : f32 to vector<8x3072xf32>
    %add3A_1898 = arith.addf %convert_element_type3A, %add3A_1897 : vector<8x3072xf32>
    %jit3A_1899 = arith.constant 1.024000e+03 : f32
    %broadcast_in_dim3A_1900 = vector.broadcast %jit3A_1899 : f32 to vector<8x3072xf32>
    %select_n3A_1901 = arith.select %eq3A_1895, %add3A_1898, %broadcast_in_dim3A_1900 : vector<8x3072xi1>, vector<8x3072xf32>
    %min3A_1902 = arith.minimumf %min3A_1884, %select_n3A_1901 : vector<8x3072xf32>
    %slice3A_1903 = vector.extract_strided_slice %max3A_16 {offsets = [720, 0], sizes = [8, 3072], strides = [1, 1]} : vector<1024x3072xf32> to vector<8x3072xf32>
    %eq3A_1904 = arith.constant 0.000000e+00 : f32
    %eq3A_1905 = vector.broadcast %eq3A_1904 : f32 to vector<8x3072xf32>
    %eq3A_1906 = arith.cmpf oeq, %slice3A_1903, %eq3A_1905 : vector<8x3072xf32>
    %rsqrt3A_1907 = math.rsqrt %slice3A_1903 : vector<8x3072xf32>
    %mul3A_1908 = arith.mulf %slice3A_1903, %rsqrt3A_1907 : vector<8x3072xf32>
    %jit3A_1909 = arith.constant 0.000000e+00 : f32
    %broadcast_in_dim3A_1910 = vector.broadcast %jit3A_1909 : f32 to vector<8x3072xf32>
    %select_n3A_1911 = arith.select %eq3A_1906, %broadcast_in_dim3A_1910, %mul3A_1908 : vector<8x3072xi1>, vector<8x3072xf32>
    %eq3A_1912 = vector.broadcast %select_n3A : vector<1x3072xf32> to vector<8x3072xf32>
    %eq3A_1913 = arith.cmpf oeq, %select_n3A_1911, %eq3A_1912 : vector<8x3072xf32>
    %add3A_1914 = arith.constant 7.200000e+02 : f32
    %add3A_1915 = vector.broadcast %add3A_1914 : f32 to vector<8x3072xf32>
    %add3A_1916 = arith.addf %convert_element_type3A, %add3A_1915 : vector<8x3072xf32>
    %jit3A_1917 = arith.constant 1.024000e+03 : f32
    %broadcast_in_dim3A_1918 = vector.broadcast %jit3A_1917 : f32 to vector<8x3072xf32>
    %select_n3A_1919 = arith.select %eq3A_1913, %add3A_1916, %broadcast_in_dim3A_1918 : vector<8x3072xi1>, vector<8x3072xf32>
    %min3A_1920 = arith.minimumf %min3A_1902, %select_n3A_1919 : vector<8x3072xf32>
    %slice3A_1921 = vector.extract_strided_slice %max3A_16 {offsets = [728, 0], sizes = [8, 3072], strides = [1, 1]} : vector<1024x3072xf32> to vector<8x3072xf32>
    %eq3A_1922 = arith.constant 0.000000e+00 : f32
    %eq3A_1923 = vector.broadcast %eq3A_1922 : f32 to vector<8x3072xf32>
    %eq3A_1924 = arith.cmpf oeq, %slice3A_1921, %eq3A_1923 : vector<8x3072xf32>
    %rsqrt3A_1925 = math.rsqrt %slice3A_1921 : vector<8x3072xf32>
    %mul3A_1926 = arith.mulf %slice3A_1921, %rsqrt3A_1925 : vector<8x3072xf32>
    %jit3A_1927 = arith.constant 0.000000e+00 : f32
    %broadcast_in_dim3A_1928 = vector.broadcast %jit3A_1927 : f32 to vector<8x3072xf32>
    %select_n3A_1929 = arith.select %eq3A_1924, %broadcast_in_dim3A_1928, %mul3A_1926 : vector<8x3072xi1>, vector<8x3072xf32>
    %eq3A_1930 = vector.broadcast %select_n3A : vector<1x3072xf32> to vector<8x3072xf32>
    %eq3A_1931 = arith.cmpf oeq, %select_n3A_1929, %eq3A_1930 : vector<8x3072xf32>
    %add3A_1932 = arith.constant 7.280000e+02 : f32
    %add3A_1933 = vector.broadcast %add3A_1932 : f32 to vector<8x3072xf32>
    %add3A_1934 = arith.addf %convert_element_type3A, %add3A_1933 : vector<8x3072xf32>
    %jit3A_1935 = arith.constant 1.024000e+03 : f32
    %broadcast_in_dim3A_1936 = vector.broadcast %jit3A_1935 : f32 to vector<8x3072xf32>
    %select_n3A_1937 = arith.select %eq3A_1931, %add3A_1934, %broadcast_in_dim3A_1936 : vector<8x3072xi1>, vector<8x3072xf32>
    %min3A_1938 = arith.minimumf %min3A_1920, %select_n3A_1937 : vector<8x3072xf32>
    %slice3A_1939 = vector.extract_strided_slice %max3A_16 {offsets = [736, 0], sizes = [8, 3072], strides = [1, 1]} : vector<1024x3072xf32> to vector<8x3072xf32>
    %eq3A_1940 = arith.constant 0.000000e+00 : f32
    %eq3A_1941 = vector.broadcast %eq3A_1940 : f32 to vector<8x3072xf32>
    %eq3A_1942 = arith.cmpf oeq, %slice3A_1939, %eq3A_1941 : vector<8x3072xf32>
    %rsqrt3A_1943 = math.rsqrt %slice3A_1939 : vector<8x3072xf32>
    %mul3A_1944 = arith.mulf %slice3A_1939, %rsqrt3A_1943 : vector<8x3072xf32>
    %jit3A_1945 = arith.constant 0.000000e+00 : f32
    %broadcast_in_dim3A_1946 = vector.broadcast %jit3A_1945 : f32 to vector<8x3072xf32>
    %select_n3A_1947 = arith.select %eq3A_1942, %broadcast_in_dim3A_1946, %mul3A_1944 : vector<8x3072xi1>, vector<8x3072xf32>
    %eq3A_1948 = vector.broadcast %select_n3A : vector<1x3072xf32> to vector<8x3072xf32>
    %eq3A_1949 = arith.cmpf oeq, %select_n3A_1947, %eq3A_1948 : vector<8x3072xf32>
    %add3A_1950 = arith.constant 7.360000e+02 : f32
    %add3A_1951 = vector.broadcast %add3A_1950 : f32 to vector<8x3072xf32>
    %add3A_1952 = arith.addf %convert_element_type3A, %add3A_1951 : vector<8x3072xf32>
    %jit3A_1953 = arith.constant 1.024000e+03 : f32
    %broadcast_in_dim3A_1954 = vector.broadcast %jit3A_1953 : f32 to vector<8x3072xf32>
    %select_n3A_1955 = arith.select %eq3A_1949, %add3A_1952, %broadcast_in_dim3A_1954 : vector<8x3072xi1>, vector<8x3072xf32>
    %min3A_1956 = arith.minimumf %min3A_1938, %select_n3A_1955 : vector<8x3072xf32>
    %slice3A_1957 = vector.extract_strided_slice %max3A_16 {offsets = [744, 0], sizes = [8, 3072], strides = [1, 1]} : vector<1024x3072xf32> to vector<8x3072xf32>
    %eq3A_1958 = arith.constant 0.000000e+00 : f32
    %eq3A_1959 = vector.broadcast %eq3A_1958 : f32 to vector<8x3072xf32>
    %eq3A_1960 = arith.cmpf oeq, %slice3A_1957, %eq3A_1959 : vector<8x3072xf32>
    %rsqrt3A_1961 = math.rsqrt %slice3A_1957 : vector<8x3072xf32>
    %mul3A_1962 = arith.mulf %slice3A_1957, %rsqrt3A_1961 : vector<8x3072xf32>
    %jit3A_1963 = arith.constant 0.000000e+00 : f32
    %broadcast_in_dim3A_1964 = vector.broadcast %jit3A_1963 : f32 to vector<8x3072xf32>
    %select_n3A_1965 = arith.select %eq3A_1960, %broadcast_in_dim3A_1964, %mul3A_1962 : vector<8x3072xi1>, vector<8x3072xf32>
    %eq3A_1966 = vector.broadcast %select_n3A : vector<1x3072xf32> to vector<8x3072xf32>
    %eq3A_1967 = arith.cmpf oeq, %select_n3A_1965, %eq3A_1966 : vector<8x3072xf32>
    %add3A_1968 = arith.constant 7.440000e+02 : f32
    %add3A_1969 = vector.broadcast %add3A_1968 : f32 to vector<8x3072xf32>
    %add3A_1970 = arith.addf %convert_element_type3A, %add3A_1969 : vector<8x3072xf32>
    %jit3A_1971 = arith.constant 1.024000e+03 : f32
    %broadcast_in_dim3A_1972 = vector.broadcast %jit3A_1971 : f32 to vector<8x3072xf32>
    %select_n3A_1973 = arith.select %eq3A_1967, %add3A_1970, %broadcast_in_dim3A_1972 : vector<8x3072xi1>, vector<8x3072xf32>
    %min3A_1974 = arith.minimumf %min3A_1956, %select_n3A_1973 : vector<8x3072xf32>
    %slice3A_1975 = vector.extract_strided_slice %max3A_16 {offsets = [752, 0], sizes = [8, 3072], strides = [1, 1]} : vector<1024x3072xf32> to vector<8x3072xf32>
    %eq3A_1976 = arith.constant 0.000000e+00 : f32
    %eq3A_1977 = vector.broadcast %eq3A_1976 : f32 to vector<8x3072xf32>
    %eq3A_1978 = arith.cmpf oeq, %slice3A_1975, %eq3A_1977 : vector<8x3072xf32>
    %rsqrt3A_1979 = math.rsqrt %slice3A_1975 : vector<8x3072xf32>
    %mul3A_1980 = arith.mulf %slice3A_1975, %rsqrt3A_1979 : vector<8x3072xf32>
    %jit3A_1981 = arith.constant 0.000000e+00 : f32
    %broadcast_in_dim3A_1982 = vector.broadcast %jit3A_1981 : f32 to vector<8x3072xf32>
    %select_n3A_1983 = arith.select %eq3A_1978, %broadcast_in_dim3A_1982, %mul3A_1980 : vector<8x3072xi1>, vector<8x3072xf32>
    %eq3A_1984 = vector.broadcast %select_n3A : vector<1x3072xf32> to vector<8x3072xf32>
    %eq3A_1985 = arith.cmpf oeq, %select_n3A_1983, %eq3A_1984 : vector<8x3072xf32>
    %add3A_1986 = arith.constant 7.520000e+02 : f32
    %add3A_1987 = vector.broadcast %add3A_1986 : f32 to vector<8x3072xf32>
    %add3A_1988 = arith.addf %convert_element_type3A, %add3A_1987 : vector<8x3072xf32>
    %jit3A_1989 = arith.constant 1.024000e+03 : f32
    %broadcast_in_dim3A_1990 = vector.broadcast %jit3A_1989 : f32 to vector<8x3072xf32>
    %select_n3A_1991 = arith.select %eq3A_1985, %add3A_1988, %broadcast_in_dim3A_1990 : vector<8x3072xi1>, vector<8x3072xf32>
    %min3A_1992 = arith.minimumf %min3A_1974, %select_n3A_1991 : vector<8x3072xf32>
    %slice3A_1993 = vector.extract_strided_slice %max3A_16 {offsets = [760, 0], sizes = [8, 3072], strides = [1, 1]} : vector<1024x3072xf32> to vector<8x3072xf32>
    %eq3A_1994 = arith.constant 0.000000e+00 : f32
    %eq3A_1995 = vector.broadcast %eq3A_1994 : f32 to vector<8x3072xf32>
    %eq3A_1996 = arith.cmpf oeq, %slice3A_1993, %eq3A_1995 : vector<8x3072xf32>
    %rsqrt3A_1997 = math.rsqrt %slice3A_1993 : vector<8x3072xf32>
    %mul3A_1998 = arith.mulf %slice3A_1993, %rsqrt3A_1997 : vector<8x3072xf32>
    %jit3A_1999 = arith.constant 0.000000e+00 : f32
    %broadcast_in_dim3A_2000 = vector.broadcast %jit3A_1999 : f32 to vector<8x3072xf32>
    %select_n3A_2001 = arith.select %eq3A_1996, %broadcast_in_dim3A_2000, %mul3A_1998 : vector<8x3072xi1>, vector<8x3072xf32>
    %eq3A_2002 = vector.broadcast %select_n3A : vector<1x3072xf32> to vector<8x3072xf32>
    %eq3A_2003 = arith.cmpf oeq, %select_n3A_2001, %eq3A_2002 : vector<8x3072xf32>
    %add3A_2004 = arith.constant 7.600000e+02 : f32
    %add3A_2005 = vector.broadcast %add3A_2004 : f32 to vector<8x3072xf32>
    %add3A_2006 = arith.addf %convert_element_type3A, %add3A_2005 : vector<8x3072xf32>
    %jit3A_2007 = arith.constant 1.024000e+03 : f32
    %broadcast_in_dim3A_2008 = vector.broadcast %jit3A_2007 : f32 to vector<8x3072xf32>
    %select_n3A_2009 = arith.select %eq3A_2003, %add3A_2006, %broadcast_in_dim3A_2008 : vector<8x3072xi1>, vector<8x3072xf32>
    %min3A_2010 = arith.minimumf %min3A_1992, %select_n3A_2009 : vector<8x3072xf32>
    %slice3A_2011 = vector.extract_strided_slice %max3A_16 {offsets = [768, 0], sizes = [8, 3072], strides = [1, 1]} : vector<1024x3072xf32> to vector<8x3072xf32>
    %eq3A_2012 = arith.constant 0.000000e+00 : f32
    %eq3A_2013 = vector.broadcast %eq3A_2012 : f32 to vector<8x3072xf32>
    %eq3A_2014 = arith.cmpf oeq, %slice3A_2011, %eq3A_2013 : vector<8x3072xf32>
    %rsqrt3A_2015 = math.rsqrt %slice3A_2011 : vector<8x3072xf32>
    %mul3A_2016 = arith.mulf %slice3A_2011, %rsqrt3A_2015 : vector<8x3072xf32>
    %jit3A_2017 = arith.constant 0.000000e+00 : f32
    %broadcast_in_dim3A_2018 = vector.broadcast %jit3A_2017 : f32 to vector<8x3072xf32>
    %select_n3A_2019 = arith.select %eq3A_2014, %broadcast_in_dim3A_2018, %mul3A_2016 : vector<8x3072xi1>, vector<8x3072xf32>
    %eq3A_2020 = vector.broadcast %select_n3A : vector<1x3072xf32> to vector<8x3072xf32>
    %eq3A_2021 = arith.cmpf oeq, %select_n3A_2019, %eq3A_2020 : vector<8x3072xf32>
    %add3A_2022 = arith.constant 7.680000e+02 : f32
    %add3A_2023 = vector.broadcast %add3A_2022 : f32 to vector<8x3072xf32>
    %add3A_2024 = arith.addf %convert_element_type3A, %add3A_2023 : vector<8x3072xf32>
    %jit3A_2025 = arith.constant 1.024000e+03 : f32
    %broadcast_in_dim3A_2026 = vector.broadcast %jit3A_2025 : f32 to vector<8x3072xf32>
    %select_n3A_2027 = arith.select %eq3A_2021, %add3A_2024, %broadcast_in_dim3A_2026 : vector<8x3072xi1>, vector<8x3072xf32>
    %min3A_2028 = arith.minimumf %min3A_2010, %select_n3A_2027 : vector<8x3072xf32>
    %slice3A_2029 = vector.extract_strided_slice %max3A_16 {offsets = [776, 0], sizes = [8, 3072], strides = [1, 1]} : vector<1024x3072xf32> to vector<8x3072xf32>
    %eq3A_2030 = arith.constant 0.000000e+00 : f32
    %eq3A_2031 = vector.broadcast %eq3A_2030 : f32 to vector<8x3072xf32>
    %eq3A_2032 = arith.cmpf oeq, %slice3A_2029, %eq3A_2031 : vector<8x3072xf32>
    %rsqrt3A_2033 = math.rsqrt %slice3A_2029 : vector<8x3072xf32>
    %mul3A_2034 = arith.mulf %slice3A_2029, %rsqrt3A_2033 : vector<8x3072xf32>
    %jit3A_2035 = arith.constant 0.000000e+00 : f32
    %broadcast_in_dim3A_2036 = vector.broadcast %jit3A_2035 : f32 to vector<8x3072xf32>
    %select_n3A_2037 = arith.select %eq3A_2032, %broadcast_in_dim3A_2036, %mul3A_2034 : vector<8x3072xi1>, vector<8x3072xf32>
    %eq3A_2038 = vector.broadcast %select_n3A : vector<1x3072xf32> to vector<8x3072xf32>
    %eq3A_2039 = arith.cmpf oeq, %select_n3A_2037, %eq3A_2038 : vector<8x3072xf32>
    %add3A_2040 = arith.constant 7.760000e+02 : f32
    %add3A_2041 = vector.broadcast %add3A_2040 : f32 to vector<8x3072xf32>
    %add3A_2042 = arith.addf %convert_element_type3A, %add3A_2041 : vector<8x3072xf32>
    %jit3A_2043 = arith.constant 1.024000e+03 : f32
    %broadcast_in_dim3A_2044 = vector.broadcast %jit3A_2043 : f32 to vector<8x3072xf32>
    %select_n3A_2045 = arith.select %eq3A_2039, %add3A_2042, %broadcast_in_dim3A_2044 : vector<8x3072xi1>, vector<8x3072xf32>
    %min3A_2046 = arith.minimumf %min3A_2028, %select_n3A_2045 : vector<8x3072xf32>
    %slice3A_2047 = vector.extract_strided_slice %max3A_16 {offsets = [784, 0], sizes = [8, 3072], strides = [1, 1]} : vector<1024x3072xf32> to vector<8x3072xf32>
    %eq3A_2048 = arith.constant 0.000000e+00 : f32
    %eq3A_2049 = vector.broadcast %eq3A_2048 : f32 to vector<8x3072xf32>
    %eq3A_2050 = arith.cmpf oeq, %slice3A_2047, %eq3A_2049 : vector<8x3072xf32>
    %rsqrt3A_2051 = math.rsqrt %slice3A_2047 : vector<8x3072xf32>
    %mul3A_2052 = arith.mulf %slice3A_2047, %rsqrt3A_2051 : vector<8x3072xf32>
    %jit3A_2053 = arith.constant 0.000000e+00 : f32
    %broadcast_in_dim3A_2054 = vector.broadcast %jit3A_2053 : f32 to vector<8x3072xf32>
    %select_n3A_2055 = arith.select %eq3A_2050, %broadcast_in_dim3A_2054, %mul3A_2052 : vector<8x3072xi1>, vector<8x3072xf32>
    %eq3A_2056 = vector.broadcast %select_n3A : vector<1x3072xf32> to vector<8x3072xf32>
    %eq3A_2057 = arith.cmpf oeq, %select_n3A_2055, %eq3A_2056 : vector<8x3072xf32>
    %add3A_2058 = arith.constant 7.840000e+02 : f32
    %add3A_2059 = vector.broadcast %add3A_2058 : f32 to vector<8x3072xf32>
    %add3A_2060 = arith.addf %convert_element_type3A, %add3A_2059 : vector<8x3072xf32>
    %jit3A_2061 = arith.constant 1.024000e+03 : f32
    %broadcast_in_dim3A_2062 = vector.broadcast %jit3A_2061 : f32 to vector<8x3072xf32>
    %select_n3A_2063 = arith.select %eq3A_2057, %add3A_2060, %broadcast_in_dim3A_2062 : vector<8x3072xi1>, vector<8x3072xf32>
    %min3A_2064 = arith.minimumf %min3A_2046, %select_n3A_2063 : vector<8x3072xf32>
    %slice3A_2065 = vector.extract_strided_slice %max3A_16 {offsets = [792, 0], sizes = [8, 3072], strides = [1, 1]} : vector<1024x3072xf32> to vector<8x3072xf32>
    %eq3A_2066 = arith.constant 0.000000e+00 : f32
    %eq3A_2067 = vector.broadcast %eq3A_2066 : f32 to vector<8x3072xf32>
    %eq3A_2068 = arith.cmpf oeq, %slice3A_2065, %eq3A_2067 : vector<8x3072xf32>
    %rsqrt3A_2069 = math.rsqrt %slice3A_2065 : vector<8x3072xf32>
    %mul3A_2070 = arith.mulf %slice3A_2065, %rsqrt3A_2069 : vector<8x3072xf32>
    %jit3A_2071 = arith.constant 0.000000e+00 : f32
    %broadcast_in_dim3A_2072 = vector.broadcast %jit3A_2071 : f32 to vector<8x3072xf32>
    %select_n3A_2073 = arith.select %eq3A_2068, %broadcast_in_dim3A_2072, %mul3A_2070 : vector<8x3072xi1>, vector<8x3072xf32>
    %eq3A_2074 = vector.broadcast %select_n3A : vector<1x3072xf32> to vector<8x3072xf32>
    %eq3A_2075 = arith.cmpf oeq, %select_n3A_2073, %eq3A_2074 : vector<8x3072xf32>
    %add3A_2076 = arith.constant 7.920000e+02 : f32
    %add3A_2077 = vector.broadcast %add3A_2076 : f32 to vector<8x3072xf32>
    %add3A_2078 = arith.addf %convert_element_type3A, %add3A_2077 : vector<8x3072xf32>
    %jit3A_2079 = arith.constant 1.024000e+03 : f32
    %broadcast_in_dim3A_2080 = vector.broadcast %jit3A_2079 : f32 to vector<8x3072xf32>
    %select_n3A_2081 = arith.select %eq3A_2075, %add3A_2078, %broadcast_in_dim3A_2080 : vector<8x3072xi1>, vector<8x3072xf32>
    %min3A_2082 = arith.minimumf %min3A_2064, %select_n3A_2081 : vector<8x3072xf32>
    %slice3A_2083 = vector.extract_strided_slice %max3A_16 {offsets = [800, 0], sizes = [8, 3072], strides = [1, 1]} : vector<1024x3072xf32> to vector<8x3072xf32>
    %eq3A_2084 = arith.constant 0.000000e+00 : f32
    %eq3A_2085 = vector.broadcast %eq3A_2084 : f32 to vector<8x3072xf32>
    %eq3A_2086 = arith.cmpf oeq, %slice3A_2083, %eq3A_2085 : vector<8x3072xf32>
    %rsqrt3A_2087 = math.rsqrt %slice3A_2083 : vector<8x3072xf32>
    %mul3A_2088 = arith.mulf %slice3A_2083, %rsqrt3A_2087 : vector<8x3072xf32>
    %jit3A_2089 = arith.constant 0.000000e+00 : f32
    %broadcast_in_dim3A_2090 = vector.broadcast %jit3A_2089 : f32 to vector<8x3072xf32>
    %select_n3A_2091 = arith.select %eq3A_2086, %broadcast_in_dim3A_2090, %mul3A_2088 : vector<8x3072xi1>, vector<8x3072xf32>
    %eq3A_2092 = vector.broadcast %select_n3A : vector<1x3072xf32> to vector<8x3072xf32>
    %eq3A_2093 = arith.cmpf oeq, %select_n3A_2091, %eq3A_2092 : vector<8x3072xf32>
    %add3A_2094 = arith.constant 8.000000e+02 : f32
    %add3A_2095 = vector.broadcast %add3A_2094 : f32 to vector<8x3072xf32>
    %add3A_2096 = arith.addf %convert_element_type3A, %add3A_2095 : vector<8x3072xf32>
    %jit3A_2097 = arith.constant 1.024000e+03 : f32
    %broadcast_in_dim3A_2098 = vector.broadcast %jit3A_2097 : f32 to vector<8x3072xf32>
    %select_n3A_2099 = arith.select %eq3A_2093, %add3A_2096, %broadcast_in_dim3A_2098 : vector<8x3072xi1>, vector<8x3072xf32>
    %min3A_2100 = arith.minimumf %min3A_2082, %select_n3A_2099 : vector<8x3072xf32>
    %slice3A_2101 = vector.extract_strided_slice %max3A_16 {offsets = [808, 0], sizes = [8, 3072], strides = [1, 1]} : vector<1024x3072xf32> to vector<8x3072xf32>
    %eq3A_2102 = arith.constant 0.000000e+00 : f32
    %eq3A_2103 = vector.broadcast %eq3A_2102 : f32 to vector<8x3072xf32>
    %eq3A_2104 = arith.cmpf oeq, %slice3A_2101, %eq3A_2103 : vector<8x3072xf32>
    %rsqrt3A_2105 = math.rsqrt %slice3A_2101 : vector<8x3072xf32>
    %mul3A_2106 = arith.mulf %slice3A_2101, %rsqrt3A_2105 : vector<8x3072xf32>
    %jit3A_2107 = arith.constant 0.000000e+00 : f32
    %broadcast_in_dim3A_2108 = vector.broadcast %jit3A_2107 : f32 to vector<8x3072xf32>
    %select_n3A_2109 = arith.select %eq3A_2104, %broadcast_in_dim3A_2108, %mul3A_2106 : vector<8x3072xi1>, vector<8x3072xf32>
    %eq3A_2110 = vector.broadcast %select_n3A : vector<1x3072xf32> to vector<8x3072xf32>
    %eq3A_2111 = arith.cmpf oeq, %select_n3A_2109, %eq3A_2110 : vector<8x3072xf32>
    %add3A_2112 = arith.constant 8.080000e+02 : f32
    %add3A_2113 = vector.broadcast %add3A_2112 : f32 to vector<8x3072xf32>
    %add3A_2114 = arith.addf %convert_element_type3A, %add3A_2113 : vector<8x3072xf32>
    %jit3A_2115 = arith.constant 1.024000e+03 : f32
    %broadcast_in_dim3A_2116 = vector.broadcast %jit3A_2115 : f32 to vector<8x3072xf32>
    %select_n3A_2117 = arith.select %eq3A_2111, %add3A_2114, %broadcast_in_dim3A_2116 : vector<8x3072xi1>, vector<8x3072xf32>
    %min3A_2118 = arith.minimumf %min3A_2100, %select_n3A_2117 : vector<8x3072xf32>
    %slice3A_2119 = vector.extract_strided_slice %max3A_16 {offsets = [816, 0], sizes = [8, 3072], strides = [1, 1]} : vector<1024x3072xf32> to vector<8x3072xf32>
    %eq3A_2120 = arith.constant 0.000000e+00 : f32
    %eq3A_2121 = vector.broadcast %eq3A_2120 : f32 to vector<8x3072xf32>
    %eq3A_2122 = arith.cmpf oeq, %slice3A_2119, %eq3A_2121 : vector<8x3072xf32>
    %rsqrt3A_2123 = math.rsqrt %slice3A_2119 : vector<8x3072xf32>
    %mul3A_2124 = arith.mulf %slice3A_2119, %rsqrt3A_2123 : vector<8x3072xf32>
    %jit3A_2125 = arith.constant 0.000000e+00 : f32
    %broadcast_in_dim3A_2126 = vector.broadcast %jit3A_2125 : f32 to vector<8x3072xf32>
    %select_n3A_2127 = arith.select %eq3A_2122, %broadcast_in_dim3A_2126, %mul3A_2124 : vector<8x3072xi1>, vector<8x3072xf32>
    %eq3A_2128 = vector.broadcast %select_n3A : vector<1x3072xf32> to vector<8x3072xf32>
    %eq3A_2129 = arith.cmpf oeq, %select_n3A_2127, %eq3A_2128 : vector<8x3072xf32>
    %add3A_2130 = arith.constant 8.160000e+02 : f32
    %add3A_2131 = vector.broadcast %add3A_2130 : f32 to vector<8x3072xf32>
    %add3A_2132 = arith.addf %convert_element_type3A, %add3A_2131 : vector<8x3072xf32>
    %jit3A_2133 = arith.constant 1.024000e+03 : f32
    %broadcast_in_dim3A_2134 = vector.broadcast %jit3A_2133 : f32 to vector<8x3072xf32>
    %select_n3A_2135 = arith.select %eq3A_2129, %add3A_2132, %broadcast_in_dim3A_2134 : vector<8x3072xi1>, vector<8x3072xf32>
    %min3A_2136 = arith.minimumf %min3A_2118, %select_n3A_2135 : vector<8x3072xf32>
    %slice3A_2137 = vector.extract_strided_slice %max3A_16 {offsets = [824, 0], sizes = [8, 3072], strides = [1, 1]} : vector<1024x3072xf32> to vector<8x3072xf32>
    %eq3A_2138 = arith.constant 0.000000e+00 : f32
    %eq3A_2139 = vector.broadcast %eq3A_2138 : f32 to vector<8x3072xf32>
    %eq3A_2140 = arith.cmpf oeq, %slice3A_2137, %eq3A_2139 : vector<8x3072xf32>
    %rsqrt3A_2141 = math.rsqrt %slice3A_2137 : vector<8x3072xf32>
    %mul3A_2142 = arith.mulf %slice3A_2137, %rsqrt3A_2141 : vector<8x3072xf32>
    %jit3A_2143 = arith.constant 0.000000e+00 : f32
    %broadcast_in_dim3A_2144 = vector.broadcast %jit3A_2143 : f32 to vector<8x3072xf32>
    %select_n3A_2145 = arith.select %eq3A_2140, %broadcast_in_dim3A_2144, %mul3A_2142 : vector<8x3072xi1>, vector<8x3072xf32>
    %eq3A_2146 = vector.broadcast %select_n3A : vector<1x3072xf32> to vector<8x3072xf32>
    %eq3A_2147 = arith.cmpf oeq, %select_n3A_2145, %eq3A_2146 : vector<8x3072xf32>
    %add3A_2148 = arith.constant 8.240000e+02 : f32
    %add3A_2149 = vector.broadcast %add3A_2148 : f32 to vector<8x3072xf32>
    %add3A_2150 = arith.addf %convert_element_type3A, %add3A_2149 : vector<8x3072xf32>
    %jit3A_2151 = arith.constant 1.024000e+03 : f32
    %broadcast_in_dim3A_2152 = vector.broadcast %jit3A_2151 : f32 to vector<8x3072xf32>
    %select_n3A_2153 = arith.select %eq3A_2147, %add3A_2150, %broadcast_in_dim3A_2152 : vector<8x3072xi1>, vector<8x3072xf32>
    %min3A_2154 = arith.minimumf %min3A_2136, %select_n3A_2153 : vector<8x3072xf32>
    %slice3A_2155 = vector.extract_strided_slice %max3A_16 {offsets = [832, 0], sizes = [8, 3072], strides = [1, 1]} : vector<1024x3072xf32> to vector<8x3072xf32>
    %eq3A_2156 = arith.constant 0.000000e+00 : f32
    %eq3A_2157 = vector.broadcast %eq3A_2156 : f32 to vector<8x3072xf32>
    %eq3A_2158 = arith.cmpf oeq, %slice3A_2155, %eq3A_2157 : vector<8x3072xf32>
    %rsqrt3A_2159 = math.rsqrt %slice3A_2155 : vector<8x3072xf32>
    %mul3A_2160 = arith.mulf %slice3A_2155, %rsqrt3A_2159 : vector<8x3072xf32>
    %jit3A_2161 = arith.constant 0.000000e+00 : f32
    %broadcast_in_dim3A_2162 = vector.broadcast %jit3A_2161 : f32 to vector<8x3072xf32>
    %select_n3A_2163 = arith.select %eq3A_2158, %broadcast_in_dim3A_2162, %mul3A_2160 : vector<8x3072xi1>, vector<8x3072xf32>
    %eq3A_2164 = vector.broadcast %select_n3A : vector<1x3072xf32> to vector<8x3072xf32>
    %eq3A_2165 = arith.cmpf oeq, %select_n3A_2163, %eq3A_2164 : vector<8x3072xf32>
    %add3A_2166 = arith.constant 8.320000e+02 : f32
    %add3A_2167 = vector.broadcast %add3A_2166 : f32 to vector<8x3072xf32>
    %add3A_2168 = arith.addf %convert_element_type3A, %add3A_2167 : vector<8x3072xf32>
    %jit3A_2169 = arith.constant 1.024000e+03 : f32
    %broadcast_in_dim3A_2170 = vector.broadcast %jit3A_2169 : f32 to vector<8x3072xf32>
    %select_n3A_2171 = arith.select %eq3A_2165, %add3A_2168, %broadcast_in_dim3A_2170 : vector<8x3072xi1>, vector<8x3072xf32>
    %min3A_2172 = arith.minimumf %min3A_2154, %select_n3A_2171 : vector<8x3072xf32>
    %slice3A_2173 = vector.extract_strided_slice %max3A_16 {offsets = [840, 0], sizes = [8, 3072], strides = [1, 1]} : vector<1024x3072xf32> to vector<8x3072xf32>
    %eq3A_2174 = arith.constant 0.000000e+00 : f32
    %eq3A_2175 = vector.broadcast %eq3A_2174 : f32 to vector<8x3072xf32>
    %eq3A_2176 = arith.cmpf oeq, %slice3A_2173, %eq3A_2175 : vector<8x3072xf32>
    %rsqrt3A_2177 = math.rsqrt %slice3A_2173 : vector<8x3072xf32>
    %mul3A_2178 = arith.mulf %slice3A_2173, %rsqrt3A_2177 : vector<8x3072xf32>
    %jit3A_2179 = arith.constant 0.000000e+00 : f32
    %broadcast_in_dim3A_2180 = vector.broadcast %jit3A_2179 : f32 to vector<8x3072xf32>
    %select_n3A_2181 = arith.select %eq3A_2176, %broadcast_in_dim3A_2180, %mul3A_2178 : vector<8x3072xi1>, vector<8x3072xf32>
    %eq3A_2182 = vector.broadcast %select_n3A : vector<1x3072xf32> to vector<8x3072xf32>
    %eq3A_2183 = arith.cmpf oeq, %select_n3A_2181, %eq3A_2182 : vector<8x3072xf32>
    %add3A_2184 = arith.constant 8.400000e+02 : f32
    %add3A_2185 = vector.broadcast %add3A_2184 : f32 to vector<8x3072xf32>
    %add3A_2186 = arith.addf %convert_element_type3A, %add3A_2185 : vector<8x3072xf32>
    %jit3A_2187 = arith.constant 1.024000e+03 : f32
    %broadcast_in_dim3A_2188 = vector.broadcast %jit3A_2187 : f32 to vector<8x3072xf32>
    %select_n3A_2189 = arith.select %eq3A_2183, %add3A_2186, %broadcast_in_dim3A_2188 : vector<8x3072xi1>, vector<8x3072xf32>
    %min3A_2190 = arith.minimumf %min3A_2172, %select_n3A_2189 : vector<8x3072xf32>
    %slice3A_2191 = vector.extract_strided_slice %max3A_16 {offsets = [848, 0], sizes = [8, 3072], strides = [1, 1]} : vector<1024x3072xf32> to vector<8x3072xf32>
    %eq3A_2192 = arith.constant 0.000000e+00 : f32
    %eq3A_2193 = vector.broadcast %eq3A_2192 : f32 to vector<8x3072xf32>
    %eq3A_2194 = arith.cmpf oeq, %slice3A_2191, %eq3A_2193 : vector<8x3072xf32>
    %rsqrt3A_2195 = math.rsqrt %slice3A_2191 : vector<8x3072xf32>
    %mul3A_2196 = arith.mulf %slice3A_2191, %rsqrt3A_2195 : vector<8x3072xf32>
    %jit3A_2197 = arith.constant 0.000000e+00 : f32
    %broadcast_in_dim3A_2198 = vector.broadcast %jit3A_2197 : f32 to vector<8x3072xf32>
    %select_n3A_2199 = arith.select %eq3A_2194, %broadcast_in_dim3A_2198, %mul3A_2196 : vector<8x3072xi1>, vector<8x3072xf32>
    %eq3A_2200 = vector.broadcast %select_n3A : vector<1x3072xf32> to vector<8x3072xf32>
    %eq3A_2201 = arith.cmpf oeq, %select_n3A_2199, %eq3A_2200 : vector<8x3072xf32>
    %add3A_2202 = arith.constant 8.480000e+02 : f32
    %add3A_2203 = vector.broadcast %add3A_2202 : f32 to vector<8x3072xf32>
    %add3A_2204 = arith.addf %convert_element_type3A, %add3A_2203 : vector<8x3072xf32>
    %jit3A_2205 = arith.constant 1.024000e+03 : f32
    %broadcast_in_dim3A_2206 = vector.broadcast %jit3A_2205 : f32 to vector<8x3072xf32>
    %select_n3A_2207 = arith.select %eq3A_2201, %add3A_2204, %broadcast_in_dim3A_2206 : vector<8x3072xi1>, vector<8x3072xf32>
    %min3A_2208 = arith.minimumf %min3A_2190, %select_n3A_2207 : vector<8x3072xf32>
    %slice3A_2209 = vector.extract_strided_slice %max3A_16 {offsets = [856, 0], sizes = [8, 3072], strides = [1, 1]} : vector<1024x3072xf32> to vector<8x3072xf32>
    %eq3A_2210 = arith.constant 0.000000e+00 : f32
    %eq3A_2211 = vector.broadcast %eq3A_2210 : f32 to vector<8x3072xf32>
    %eq3A_2212 = arith.cmpf oeq, %slice3A_2209, %eq3A_2211 : vector<8x3072xf32>
    %rsqrt3A_2213 = math.rsqrt %slice3A_2209 : vector<8x3072xf32>
    %mul3A_2214 = arith.mulf %slice3A_2209, %rsqrt3A_2213 : vector<8x3072xf32>
    %jit3A_2215 = arith.constant 0.000000e+00 : f32
    %broadcast_in_dim3A_2216 = vector.broadcast %jit3A_2215 : f32 to vector<8x3072xf32>
    %select_n3A_2217 = arith.select %eq3A_2212, %broadcast_in_dim3A_2216, %mul3A_2214 : vector<8x3072xi1>, vector<8x3072xf32>
    %eq3A_2218 = vector.broadcast %select_n3A : vector<1x3072xf32> to vector<8x3072xf32>
    %eq3A_2219 = arith.cmpf oeq, %select_n3A_2217, %eq3A_2218 : vector<8x3072xf32>
    %add3A_2220 = arith.constant 8.560000e+02 : f32
    %add3A_2221 = vector.broadcast %add3A_2220 : f32 to vector<8x3072xf32>
    %add3A_2222 = arith.addf %convert_element_type3A, %add3A_2221 : vector<8x3072xf32>
    %jit3A_2223 = arith.constant 1.024000e+03 : f32
    %broadcast_in_dim3A_2224 = vector.broadcast %jit3A_2223 : f32 to vector<8x3072xf32>
    %select_n3A_2225 = arith.select %eq3A_2219, %add3A_2222, %broadcast_in_dim3A_2224 : vector<8x3072xi1>, vector<8x3072xf32>
    %min3A_2226 = arith.minimumf %min3A_2208, %select_n3A_2225 : vector<8x3072xf32>
    %slice3A_2227 = vector.extract_strided_slice %max3A_16 {offsets = [864, 0], sizes = [8, 3072], strides = [1, 1]} : vector<1024x3072xf32> to vector<8x3072xf32>
    %eq3A_2228 = arith.constant 0.000000e+00 : f32
    %eq3A_2229 = vector.broadcast %eq3A_2228 : f32 to vector<8x3072xf32>
    %eq3A_2230 = arith.cmpf oeq, %slice3A_2227, %eq3A_2229 : vector<8x3072xf32>
    %rsqrt3A_2231 = math.rsqrt %slice3A_2227 : vector<8x3072xf32>
    %mul3A_2232 = arith.mulf %slice3A_2227, %rsqrt3A_2231 : vector<8x3072xf32>
    %jit3A_2233 = arith.constant 0.000000e+00 : f32
    %broadcast_in_dim3A_2234 = vector.broadcast %jit3A_2233 : f32 to vector<8x3072xf32>
    %select_n3A_2235 = arith.select %eq3A_2230, %broadcast_in_dim3A_2234, %mul3A_2232 : vector<8x3072xi1>, vector<8x3072xf32>
    %eq3A_2236 = vector.broadcast %select_n3A : vector<1x3072xf32> to vector<8x3072xf32>
    %eq3A_2237 = arith.cmpf oeq, %select_n3A_2235, %eq3A_2236 : vector<8x3072xf32>
    %add3A_2238 = arith.constant 8.640000e+02 : f32
    %add3A_2239 = vector.broadcast %add3A_2238 : f32 to vector<8x3072xf32>
    %add3A_2240 = arith.addf %convert_element_type3A, %add3A_2239 : vector<8x3072xf32>
    %jit3A_2241 = arith.constant 1.024000e+03 : f32
    %broadcast_in_dim3A_2242 = vector.broadcast %jit3A_2241 : f32 to vector<8x3072xf32>
    %select_n3A_2243 = arith.select %eq3A_2237, %add3A_2240, %broadcast_in_dim3A_2242 : vector<8x3072xi1>, vector<8x3072xf32>
    %min3A_2244 = arith.minimumf %min3A_2226, %select_n3A_2243 : vector<8x3072xf32>
    %slice3A_2245 = vector.extract_strided_slice %max3A_16 {offsets = [872, 0], sizes = [8, 3072], strides = [1, 1]} : vector<1024x3072xf32> to vector<8x3072xf32>
    %eq3A_2246 = arith.constant 0.000000e+00 : f32
    %eq3A_2247 = vector.broadcast %eq3A_2246 : f32 to vector<8x3072xf32>
    %eq3A_2248 = arith.cmpf oeq, %slice3A_2245, %eq3A_2247 : vector<8x3072xf32>
    %rsqrt3A_2249 = math.rsqrt %slice3A_2245 : vector<8x3072xf32>
    %mul3A_2250 = arith.mulf %slice3A_2245, %rsqrt3A_2249 : vector<8x3072xf32>
    %jit3A_2251 = arith.constant 0.000000e+00 : f32
    %broadcast_in_dim3A_2252 = vector.broadcast %jit3A_2251 : f32 to vector<8x3072xf32>
    %select_n3A_2253 = arith.select %eq3A_2248, %broadcast_in_dim3A_2252, %mul3A_2250 : vector<8x3072xi1>, vector<8x3072xf32>
    %eq3A_2254 = vector.broadcast %select_n3A : vector<1x3072xf32> to vector<8x3072xf32>
    %eq3A_2255 = arith.cmpf oeq, %select_n3A_2253, %eq3A_2254 : vector<8x3072xf32>
    %add3A_2256 = arith.constant 8.720000e+02 : f32
    %add3A_2257 = vector.broadcast %add3A_2256 : f32 to vector<8x3072xf32>
    %add3A_2258 = arith.addf %convert_element_type3A, %add3A_2257 : vector<8x3072xf32>
    %jit3A_2259 = arith.constant 1.024000e+03 : f32
    %broadcast_in_dim3A_2260 = vector.broadcast %jit3A_2259 : f32 to vector<8x3072xf32>
    %select_n3A_2261 = arith.select %eq3A_2255, %add3A_2258, %broadcast_in_dim3A_2260 : vector<8x3072xi1>, vector<8x3072xf32>
    %min3A_2262 = arith.minimumf %min3A_2244, %select_n3A_2261 : vector<8x3072xf32>
    %slice3A_2263 = vector.extract_strided_slice %max3A_16 {offsets = [880, 0], sizes = [8, 3072], strides = [1, 1]} : vector<1024x3072xf32> to vector<8x3072xf32>
    %eq3A_2264 = arith.constant 0.000000e+00 : f32
    %eq3A_2265 = vector.broadcast %eq3A_2264 : f32 to vector<8x3072xf32>
    %eq3A_2266 = arith.cmpf oeq, %slice3A_2263, %eq3A_2265 : vector<8x3072xf32>
    %rsqrt3A_2267 = math.rsqrt %slice3A_2263 : vector<8x3072xf32>
    %mul3A_2268 = arith.mulf %slice3A_2263, %rsqrt3A_2267 : vector<8x3072xf32>
    %jit3A_2269 = arith.constant 0.000000e+00 : f32
    %broadcast_in_dim3A_2270 = vector.broadcast %jit3A_2269 : f32 to vector<8x3072xf32>
    %select_n3A_2271 = arith.select %eq3A_2266, %broadcast_in_dim3A_2270, %mul3A_2268 : vector<8x3072xi1>, vector<8x3072xf32>
    %eq3A_2272 = vector.broadcast %select_n3A : vector<1x3072xf32> to vector<8x3072xf32>
    %eq3A_2273 = arith.cmpf oeq, %select_n3A_2271, %eq3A_2272 : vector<8x3072xf32>
    %add3A_2274 = arith.constant 8.800000e+02 : f32
    %add3A_2275 = vector.broadcast %add3A_2274 : f32 to vector<8x3072xf32>
    %add3A_2276 = arith.addf %convert_element_type3A, %add3A_2275 : vector<8x3072xf32>
    %jit3A_2277 = arith.constant 1.024000e+03 : f32
    %broadcast_in_dim3A_2278 = vector.broadcast %jit3A_2277 : f32 to vector<8x3072xf32>
    %select_n3A_2279 = arith.select %eq3A_2273, %add3A_2276, %broadcast_in_dim3A_2278 : vector<8x3072xi1>, vector<8x3072xf32>
    %min3A_2280 = arith.minimumf %min3A_2262, %select_n3A_2279 : vector<8x3072xf32>
    %slice3A_2281 = vector.extract_strided_slice %max3A_16 {offsets = [888, 0], sizes = [8, 3072], strides = [1, 1]} : vector<1024x3072xf32> to vector<8x3072xf32>
    %eq3A_2282 = arith.constant 0.000000e+00 : f32
    %eq3A_2283 = vector.broadcast %eq3A_2282 : f32 to vector<8x3072xf32>
    %eq3A_2284 = arith.cmpf oeq, %slice3A_2281, %eq3A_2283 : vector<8x3072xf32>
    %rsqrt3A_2285 = math.rsqrt %slice3A_2281 : vector<8x3072xf32>
    %mul3A_2286 = arith.mulf %slice3A_2281, %rsqrt3A_2285 : vector<8x3072xf32>
    %jit3A_2287 = arith.constant 0.000000e+00 : f32
    %broadcast_in_dim3A_2288 = vector.broadcast %jit3A_2287 : f32 to vector<8x3072xf32>
    %select_n3A_2289 = arith.select %eq3A_2284, %broadcast_in_dim3A_2288, %mul3A_2286 : vector<8x3072xi1>, vector<8x3072xf32>
    %eq3A_2290 = vector.broadcast %select_n3A : vector<1x3072xf32> to vector<8x3072xf32>
    %eq3A_2291 = arith.cmpf oeq, %select_n3A_2289, %eq3A_2290 : vector<8x3072xf32>
    %add3A_2292 = arith.constant 8.880000e+02 : f32
    %add3A_2293 = vector.broadcast %add3A_2292 : f32 to vector<8x3072xf32>
    %add3A_2294 = arith.addf %convert_element_type3A, %add3A_2293 : vector<8x3072xf32>
    %jit3A_2295 = arith.constant 1.024000e+03 : f32
    %broadcast_in_dim3A_2296 = vector.broadcast %jit3A_2295 : f32 to vector<8x3072xf32>
    %select_n3A_2297 = arith.select %eq3A_2291, %add3A_2294, %broadcast_in_dim3A_2296 : vector<8x3072xi1>, vector<8x3072xf32>
    %min3A_2298 = arith.minimumf %min3A_2280, %select_n3A_2297 : vector<8x3072xf32>
    %slice3A_2299 = vector.extract_strided_slice %max3A_16 {offsets = [896, 0], sizes = [8, 3072], strides = [1, 1]} : vector<1024x3072xf32> to vector<8x3072xf32>
    %eq3A_2300 = arith.constant 0.000000e+00 : f32
    %eq3A_2301 = vector.broadcast %eq3A_2300 : f32 to vector<8x3072xf32>
    %eq3A_2302 = arith.cmpf oeq, %slice3A_2299, %eq3A_2301 : vector<8x3072xf32>
    %rsqrt3A_2303 = math.rsqrt %slice3A_2299 : vector<8x3072xf32>
    %mul3A_2304 = arith.mulf %slice3A_2299, %rsqrt3A_2303 : vector<8x3072xf32>
    %jit3A_2305 = arith.constant 0.000000e+00 : f32
    %broadcast_in_dim3A_2306 = vector.broadcast %jit3A_2305 : f32 to vector<8x3072xf32>
    %select_n3A_2307 = arith.select %eq3A_2302, %broadcast_in_dim3A_2306, %mul3A_2304 : vector<8x3072xi1>, vector<8x3072xf32>
    %eq3A_2308 = vector.broadcast %select_n3A : vector<1x3072xf32> to vector<8x3072xf32>
    %eq3A_2309 = arith.cmpf oeq, %select_n3A_2307, %eq3A_2308 : vector<8x3072xf32>
    %add3A_2310 = arith.constant 8.960000e+02 : f32
    %add3A_2311 = vector.broadcast %add3A_2310 : f32 to vector<8x3072xf32>
    %add3A_2312 = arith.addf %convert_element_type3A, %add3A_2311 : vector<8x3072xf32>
    %jit3A_2313 = arith.constant 1.024000e+03 : f32
    %broadcast_in_dim3A_2314 = vector.broadcast %jit3A_2313 : f32 to vector<8x3072xf32>
    %select_n3A_2315 = arith.select %eq3A_2309, %add3A_2312, %broadcast_in_dim3A_2314 : vector<8x3072xi1>, vector<8x3072xf32>
    %min3A_2316 = arith.minimumf %min3A_2298, %select_n3A_2315 : vector<8x3072xf32>
    %slice3A_2317 = vector.extract_strided_slice %max3A_16 {offsets = [904, 0], sizes = [8, 3072], strides = [1, 1]} : vector<1024x3072xf32> to vector<8x3072xf32>
    %eq3A_2318 = arith.constant 0.000000e+00 : f32
    %eq3A_2319 = vector.broadcast %eq3A_2318 : f32 to vector<8x3072xf32>
    %eq3A_2320 = arith.cmpf oeq, %slice3A_2317, %eq3A_2319 : vector<8x3072xf32>
    %rsqrt3A_2321 = math.rsqrt %slice3A_2317 : vector<8x3072xf32>
    %mul3A_2322 = arith.mulf %slice3A_2317, %rsqrt3A_2321 : vector<8x3072xf32>
    %jit3A_2323 = arith.constant 0.000000e+00 : f32
    %broadcast_in_dim3A_2324 = vector.broadcast %jit3A_2323 : f32 to vector<8x3072xf32>
    %select_n3A_2325 = arith.select %eq3A_2320, %broadcast_in_dim3A_2324, %mul3A_2322 : vector<8x3072xi1>, vector<8x3072xf32>
    %eq3A_2326 = vector.broadcast %select_n3A : vector<1x3072xf32> to vector<8x3072xf32>
    %eq3A_2327 = arith.cmpf oeq, %select_n3A_2325, %eq3A_2326 : vector<8x3072xf32>
    %add3A_2328 = arith.constant 9.040000e+02 : f32
    %add3A_2329 = vector.broadcast %add3A_2328 : f32 to vector<8x3072xf32>
    %add3A_2330 = arith.addf %convert_element_type3A, %add3A_2329 : vector<8x3072xf32>
    %jit3A_2331 = arith.constant 1.024000e+03 : f32
    %broadcast_in_dim3A_2332 = vector.broadcast %jit3A_2331 : f32 to vector<8x3072xf32>
    %select_n3A_2333 = arith.select %eq3A_2327, %add3A_2330, %broadcast_in_dim3A_2332 : vector<8x3072xi1>, vector<8x3072xf32>
    %min3A_2334 = arith.minimumf %min3A_2316, %select_n3A_2333 : vector<8x3072xf32>
    %slice3A_2335 = vector.extract_strided_slice %max3A_16 {offsets = [912, 0], sizes = [8, 3072], strides = [1, 1]} : vector<1024x3072xf32> to vector<8x3072xf32>
    %eq3A_2336 = arith.constant 0.000000e+00 : f32
    %eq3A_2337 = vector.broadcast %eq3A_2336 : f32 to vector<8x3072xf32>
    %eq3A_2338 = arith.cmpf oeq, %slice3A_2335, %eq3A_2337 : vector<8x3072xf32>
    %rsqrt3A_2339 = math.rsqrt %slice3A_2335 : vector<8x3072xf32>
    %mul3A_2340 = arith.mulf %slice3A_2335, %rsqrt3A_2339 : vector<8x3072xf32>
    %jit3A_2341 = arith.constant 0.000000e+00 : f32
    %broadcast_in_dim3A_2342 = vector.broadcast %jit3A_2341 : f32 to vector<8x3072xf32>
    %select_n3A_2343 = arith.select %eq3A_2338, %broadcast_in_dim3A_2342, %mul3A_2340 : vector<8x3072xi1>, vector<8x3072xf32>
    %eq3A_2344 = vector.broadcast %select_n3A : vector<1x3072xf32> to vector<8x3072xf32>
    %eq3A_2345 = arith.cmpf oeq, %select_n3A_2343, %eq3A_2344 : vector<8x3072xf32>
    %add3A_2346 = arith.constant 9.120000e+02 : f32
    %add3A_2347 = vector.broadcast %add3A_2346 : f32 to vector<8x3072xf32>
    %add3A_2348 = arith.addf %convert_element_type3A, %add3A_2347 : vector<8x3072xf32>
    %jit3A_2349 = arith.constant 1.024000e+03 : f32
    %broadcast_in_dim3A_2350 = vector.broadcast %jit3A_2349 : f32 to vector<8x3072xf32>
    %select_n3A_2351 = arith.select %eq3A_2345, %add3A_2348, %broadcast_in_dim3A_2350 : vector<8x3072xi1>, vector<8x3072xf32>
    %min3A_2352 = arith.minimumf %min3A_2334, %select_n3A_2351 : vector<8x3072xf32>
    %slice3A_2353 = vector.extract_strided_slice %max3A_16 {offsets = [920, 0], sizes = [8, 3072], strides = [1, 1]} : vector<1024x3072xf32> to vector<8x3072xf32>
    %eq3A_2354 = arith.constant 0.000000e+00 : f32
    %eq3A_2355 = vector.broadcast %eq3A_2354 : f32 to vector<8x3072xf32>
    %eq3A_2356 = arith.cmpf oeq, %slice3A_2353, %eq3A_2355 : vector<8x3072xf32>
    %rsqrt3A_2357 = math.rsqrt %slice3A_2353 : vector<8x3072xf32>
    %mul3A_2358 = arith.mulf %slice3A_2353, %rsqrt3A_2357 : vector<8x3072xf32>
    %jit3A_2359 = arith.constant 0.000000e+00 : f32
    %broadcast_in_dim3A_2360 = vector.broadcast %jit3A_2359 : f32 to vector<8x3072xf32>
    %select_n3A_2361 = arith.select %eq3A_2356, %broadcast_in_dim3A_2360, %mul3A_2358 : vector<8x3072xi1>, vector<8x3072xf32>
    %eq3A_2362 = vector.broadcast %select_n3A : vector<1x3072xf32> to vector<8x3072xf32>
    %eq3A_2363 = arith.cmpf oeq, %select_n3A_2361, %eq3A_2362 : vector<8x3072xf32>
    %add3A_2364 = arith.constant 9.200000e+02 : f32
    %add3A_2365 = vector.broadcast %add3A_2364 : f32 to vector<8x3072xf32>
    %add3A_2366 = arith.addf %convert_element_type3A, %add3A_2365 : vector<8x3072xf32>
    %jit3A_2367 = arith.constant 1.024000e+03 : f32
    %broadcast_in_dim3A_2368 = vector.broadcast %jit3A_2367 : f32 to vector<8x3072xf32>
    %select_n3A_2369 = arith.select %eq3A_2363, %add3A_2366, %broadcast_in_dim3A_2368 : vector<8x3072xi1>, vector<8x3072xf32>
    %min3A_2370 = arith.minimumf %min3A_2352, %select_n3A_2369 : vector<8x3072xf32>
    %slice3A_2371 = vector.extract_strided_slice %max3A_16 {offsets = [928, 0], sizes = [8, 3072], strides = [1, 1]} : vector<1024x3072xf32> to vector<8x3072xf32>
    %eq3A_2372 = arith.constant 0.000000e+00 : f32
    %eq3A_2373 = vector.broadcast %eq3A_2372 : f32 to vector<8x3072xf32>
    %eq3A_2374 = arith.cmpf oeq, %slice3A_2371, %eq3A_2373 : vector<8x3072xf32>
    %rsqrt3A_2375 = math.rsqrt %slice3A_2371 : vector<8x3072xf32>
    %mul3A_2376 = arith.mulf %slice3A_2371, %rsqrt3A_2375 : vector<8x3072xf32>
    %jit3A_2377 = arith.constant 0.000000e+00 : f32
    %broadcast_in_dim3A_2378 = vector.broadcast %jit3A_2377 : f32 to vector<8x3072xf32>
    %select_n3A_2379 = arith.select %eq3A_2374, %broadcast_in_dim3A_2378, %mul3A_2376 : vector<8x3072xi1>, vector<8x3072xf32>
    %eq3A_2380 = vector.broadcast %select_n3A : vector<1x3072xf32> to vector<8x3072xf32>
    %eq3A_2381 = arith.cmpf oeq, %select_n3A_2379, %eq3A_2380 : vector<8x3072xf32>
    %add3A_2382 = arith.constant 9.280000e+02 : f32
    %add3A_2383 = vector.broadcast %add3A_2382 : f32 to vector<8x3072xf32>
    %add3A_2384 = arith.addf %convert_element_type3A, %add3A_2383 : vector<8x3072xf32>
    %jit3A_2385 = arith.constant 1.024000e+03 : f32
    %broadcast_in_dim3A_2386 = vector.broadcast %jit3A_2385 : f32 to vector<8x3072xf32>
    %select_n3A_2387 = arith.select %eq3A_2381, %add3A_2384, %broadcast_in_dim3A_2386 : vector<8x3072xi1>, vector<8x3072xf32>
    %min3A_2388 = arith.minimumf %min3A_2370, %select_n3A_2387 : vector<8x3072xf32>
    %slice3A_2389 = vector.extract_strided_slice %max3A_16 {offsets = [936, 0], sizes = [8, 3072], strides = [1, 1]} : vector<1024x3072xf32> to vector<8x3072xf32>
    %eq3A_2390 = arith.constant 0.000000e+00 : f32
    %eq3A_2391 = vector.broadcast %eq3A_2390 : f32 to vector<8x3072xf32>
    %eq3A_2392 = arith.cmpf oeq, %slice3A_2389, %eq3A_2391 : vector<8x3072xf32>
    %rsqrt3A_2393 = math.rsqrt %slice3A_2389 : vector<8x3072xf32>
    %mul3A_2394 = arith.mulf %slice3A_2389, %rsqrt3A_2393 : vector<8x3072xf32>
    %jit3A_2395 = arith.constant 0.000000e+00 : f32
    %broadcast_in_dim3A_2396 = vector.broadcast %jit3A_2395 : f32 to vector<8x3072xf32>
    %select_n3A_2397 = arith.select %eq3A_2392, %broadcast_in_dim3A_2396, %mul3A_2394 : vector<8x3072xi1>, vector<8x3072xf32>
    %eq3A_2398 = vector.broadcast %select_n3A : vector<1x3072xf32> to vector<8x3072xf32>
    %eq3A_2399 = arith.cmpf oeq, %select_n3A_2397, %eq3A_2398 : vector<8x3072xf32>
    %add3A_2400 = arith.constant 9.360000e+02 : f32
    %add3A_2401 = vector.broadcast %add3A_2400 : f32 to vector<8x3072xf32>
    %add3A_2402 = arith.addf %convert_element_type3A, %add3A_2401 : vector<8x3072xf32>
    %jit3A_2403 = arith.constant 1.024000e+03 : f32
    %broadcast_in_dim3A_2404 = vector.broadcast %jit3A_2403 : f32 to vector<8x3072xf32>
    %select_n3A_2405 = arith.select %eq3A_2399, %add3A_2402, %broadcast_in_dim3A_2404 : vector<8x3072xi1>, vector<8x3072xf32>
    %min3A_2406 = arith.minimumf %min3A_2388, %select_n3A_2405 : vector<8x3072xf32>
    %slice3A_2407 = vector.extract_strided_slice %max3A_16 {offsets = [944, 0], sizes = [8, 3072], strides = [1, 1]} : vector<1024x3072xf32> to vector<8x3072xf32>
    %eq3A_2408 = arith.constant 0.000000e+00 : f32
    %eq3A_2409 = vector.broadcast %eq3A_2408 : f32 to vector<8x3072xf32>
    %eq3A_2410 = arith.cmpf oeq, %slice3A_2407, %eq3A_2409 : vector<8x3072xf32>
    %rsqrt3A_2411 = math.rsqrt %slice3A_2407 : vector<8x3072xf32>
    %mul3A_2412 = arith.mulf %slice3A_2407, %rsqrt3A_2411 : vector<8x3072xf32>
    %jit3A_2413 = arith.constant 0.000000e+00 : f32
    %broadcast_in_dim3A_2414 = vector.broadcast %jit3A_2413 : f32 to vector<8x3072xf32>
    %select_n3A_2415 = arith.select %eq3A_2410, %broadcast_in_dim3A_2414, %mul3A_2412 : vector<8x3072xi1>, vector<8x3072xf32>
    %eq3A_2416 = vector.broadcast %select_n3A : vector<1x3072xf32> to vector<8x3072xf32>
    %eq3A_2417 = arith.cmpf oeq, %select_n3A_2415, %eq3A_2416 : vector<8x3072xf32>
    %add3A_2418 = arith.constant 9.440000e+02 : f32
    %add3A_2419 = vector.broadcast %add3A_2418 : f32 to vector<8x3072xf32>
    %add3A_2420 = arith.addf %convert_element_type3A, %add3A_2419 : vector<8x3072xf32>
    %jit3A_2421 = arith.constant 1.024000e+03 : f32
    %broadcast_in_dim3A_2422 = vector.broadcast %jit3A_2421 : f32 to vector<8x3072xf32>
    %select_n3A_2423 = arith.select %eq3A_2417, %add3A_2420, %broadcast_in_dim3A_2422 : vector<8x3072xi1>, vector<8x3072xf32>
    %min3A_2424 = arith.minimumf %min3A_2406, %select_n3A_2423 : vector<8x3072xf32>
    %slice3A_2425 = vector.extract_strided_slice %max3A_16 {offsets = [952, 0], sizes = [8, 3072], strides = [1, 1]} : vector<1024x3072xf32> to vector<8x3072xf32>
    %eq3A_2426 = arith.constant 0.000000e+00 : f32
    %eq3A_2427 = vector.broadcast %eq3A_2426 : f32 to vector<8x3072xf32>
    %eq3A_2428 = arith.cmpf oeq, %slice3A_2425, %eq3A_2427 : vector<8x3072xf32>
    %rsqrt3A_2429 = math.rsqrt %slice3A_2425 : vector<8x3072xf32>
    %mul3A_2430 = arith.mulf %slice3A_2425, %rsqrt3A_2429 : vector<8x3072xf32>
    %jit3A_2431 = arith.constant 0.000000e+00 : f32
    %broadcast_in_dim3A_2432 = vector.broadcast %jit3A_2431 : f32 to vector<8x3072xf32>
    %select_n3A_2433 = arith.select %eq3A_2428, %broadcast_in_dim3A_2432, %mul3A_2430 : vector<8x3072xi1>, vector<8x3072xf32>
    %eq3A_2434 = vector.broadcast %select_n3A : vector<1x3072xf32> to vector<8x3072xf32>
    %eq3A_2435 = arith.cmpf oeq, %select_n3A_2433, %eq3A_2434 : vector<8x3072xf32>
    %add3A_2436 = arith.constant 9.520000e+02 : f32
    %add3A_2437 = vector.broadcast %add3A_2436 : f32 to vector<8x3072xf32>
    %add3A_2438 = arith.addf %convert_element_type3A, %add3A_2437 : vector<8x3072xf32>
    %jit3A_2439 = arith.constant 1.024000e+03 : f32
    %broadcast_in_dim3A_2440 = vector.broadcast %jit3A_2439 : f32 to vector<8x3072xf32>
    %select_n3A_2441 = arith.select %eq3A_2435, %add3A_2438, %broadcast_in_dim3A_2440 : vector<8x3072xi1>, vector<8x3072xf32>
    %min3A_2442 = arith.minimumf %min3A_2424, %select_n3A_2441 : vector<8x3072xf32>
    %slice3A_2443 = vector.extract_strided_slice %max3A_16 {offsets = [960, 0], sizes = [8, 3072], strides = [1, 1]} : vector<1024x3072xf32> to vector<8x3072xf32>
    %eq3A_2444 = arith.constant 0.000000e+00 : f32
    %eq3A_2445 = vector.broadcast %eq3A_2444 : f32 to vector<8x3072xf32>
    %eq3A_2446 = arith.cmpf oeq, %slice3A_2443, %eq3A_2445 : vector<8x3072xf32>
    %rsqrt3A_2447 = math.rsqrt %slice3A_2443 : vector<8x3072xf32>
    %mul3A_2448 = arith.mulf %slice3A_2443, %rsqrt3A_2447 : vector<8x3072xf32>
    %jit3A_2449 = arith.constant 0.000000e+00 : f32
    %broadcast_in_dim3A_2450 = vector.broadcast %jit3A_2449 : f32 to vector<8x3072xf32>
    %select_n3A_2451 = arith.select %eq3A_2446, %broadcast_in_dim3A_2450, %mul3A_2448 : vector<8x3072xi1>, vector<8x3072xf32>
    %eq3A_2452 = vector.broadcast %select_n3A : vector<1x3072xf32> to vector<8x3072xf32>
    %eq3A_2453 = arith.cmpf oeq, %select_n3A_2451, %eq3A_2452 : vector<8x3072xf32>
    %add3A_2454 = arith.constant 9.600000e+02 : f32
    %add3A_2455 = vector.broadcast %add3A_2454 : f32 to vector<8x3072xf32>
    %add3A_2456 = arith.addf %convert_element_type3A, %add3A_2455 : vector<8x3072xf32>
    %jit3A_2457 = arith.constant 1.024000e+03 : f32
    %broadcast_in_dim3A_2458 = vector.broadcast %jit3A_2457 : f32 to vector<8x3072xf32>
    %select_n3A_2459 = arith.select %eq3A_2453, %add3A_2456, %broadcast_in_dim3A_2458 : vector<8x3072xi1>, vector<8x3072xf32>
    %min3A_2460 = arith.minimumf %min3A_2442, %select_n3A_2459 : vector<8x3072xf32>
    %slice3A_2461 = vector.extract_strided_slice %max3A_16 {offsets = [968, 0], sizes = [8, 3072], strides = [1, 1]} : vector<1024x3072xf32> to vector<8x3072xf32>
    %eq3A_2462 = arith.constant 0.000000e+00 : f32
    %eq3A_2463 = vector.broadcast %eq3A_2462 : f32 to vector<8x3072xf32>
    %eq3A_2464 = arith.cmpf oeq, %slice3A_2461, %eq3A_2463 : vector<8x3072xf32>
    %rsqrt3A_2465 = math.rsqrt %slice3A_2461 : vector<8x3072xf32>
    %mul3A_2466 = arith.mulf %slice3A_2461, %rsqrt3A_2465 : vector<8x3072xf32>
    %jit3A_2467 = arith.constant 0.000000e+00 : f32
    %broadcast_in_dim3A_2468 = vector.broadcast %jit3A_2467 : f32 to vector<8x3072xf32>
    %select_n3A_2469 = arith.select %eq3A_2464, %broadcast_in_dim3A_2468, %mul3A_2466 : vector<8x3072xi1>, vector<8x3072xf32>
    %eq3A_2470 = vector.broadcast %select_n3A : vector<1x3072xf32> to vector<8x3072xf32>
    %eq3A_2471 = arith.cmpf oeq, %select_n3A_2469, %eq3A_2470 : vector<8x3072xf32>
    %add3A_2472 = arith.constant 9.680000e+02 : f32
    %add3A_2473 = vector.broadcast %add3A_2472 : f32 to vector<8x3072xf32>
    %add3A_2474 = arith.addf %convert_element_type3A, %add3A_2473 : vector<8x3072xf32>
    %jit3A_2475 = arith.constant 1.024000e+03 : f32
    %broadcast_in_dim3A_2476 = vector.broadcast %jit3A_2475 : f32 to vector<8x3072xf32>
    %select_n3A_2477 = arith.select %eq3A_2471, %add3A_2474, %broadcast_in_dim3A_2476 : vector<8x3072xi1>, vector<8x3072xf32>
    %min3A_2478 = arith.minimumf %min3A_2460, %select_n3A_2477 : vector<8x3072xf32>
    %slice3A_2479 = vector.extract_strided_slice %max3A_16 {offsets = [976, 0], sizes = [8, 3072], strides = [1, 1]} : vector<1024x3072xf32> to vector<8x3072xf32>
    %eq3A_2480 = arith.constant 0.000000e+00 : f32
    %eq3A_2481 = vector.broadcast %eq3A_2480 : f32 to vector<8x3072xf32>
    %eq3A_2482 = arith.cmpf oeq, %slice3A_2479, %eq3A_2481 : vector<8x3072xf32>
    %rsqrt3A_2483 = math.rsqrt %slice3A_2479 : vector<8x3072xf32>
    %mul3A_2484 = arith.mulf %slice3A_2479, %rsqrt3A_2483 : vector<8x3072xf32>
    %jit3A_2485 = arith.constant 0.000000e+00 : f32
    %broadcast_in_dim3A_2486 = vector.broadcast %jit3A_2485 : f32 to vector<8x3072xf32>
    %select_n3A_2487 = arith.select %eq3A_2482, %broadcast_in_dim3A_2486, %mul3A_2484 : vector<8x3072xi1>, vector<8x3072xf32>
    %eq3A_2488 = vector.broadcast %select_n3A : vector<1x3072xf32> to vector<8x3072xf32>
    %eq3A_2489 = arith.cmpf oeq, %select_n3A_2487, %eq3A_2488 : vector<8x3072xf32>
    %add3A_2490 = arith.constant 9.760000e+02 : f32
    %add3A_2491 = vector.broadcast %add3A_2490 : f32 to vector<8x3072xf32>
    %add3A_2492 = arith.addf %convert_element_type3A, %add3A_2491 : vector<8x3072xf32>
    %jit3A_2493 = arith.constant 1.024000e+03 : f32
    %broadcast_in_dim3A_2494 = vector.broadcast %jit3A_2493 : f32 to vector<8x3072xf32>
    %select_n3A_2495 = arith.select %eq3A_2489, %add3A_2492, %broadcast_in_dim3A_2494 : vector<8x3072xi1>, vector<8x3072xf32>
    %min3A_2496 = arith.minimumf %min3A_2478, %select_n3A_2495 : vector<8x3072xf32>
    %slice3A_2497 = vector.extract_strided_slice %max3A_16 {offsets = [984, 0], sizes = [8, 3072], strides = [1, 1]} : vector<1024x3072xf32> to vector<8x3072xf32>
    %eq3A_2498 = arith.constant 0.000000e+00 : f32
    %eq3A_2499 = vector.broadcast %eq3A_2498 : f32 to vector<8x3072xf32>
    %eq3A_2500 = arith.cmpf oeq, %slice3A_2497, %eq3A_2499 : vector<8x3072xf32>
    %rsqrt3A_2501 = math.rsqrt %slice3A_2497 : vector<8x3072xf32>
    %mul3A_2502 = arith.mulf %slice3A_2497, %rsqrt3A_2501 : vector<8x3072xf32>
    %jit3A_2503 = arith.constant 0.000000e+00 : f32
    %broadcast_in_dim3A_2504 = vector.broadcast %jit3A_2503 : f32 to vector<8x3072xf32>
    %select_n3A_2505 = arith.select %eq3A_2500, %broadcast_in_dim3A_2504, %mul3A_2502 : vector<8x3072xi1>, vector<8x3072xf32>
    %eq3A_2506 = vector.broadcast %select_n3A : vector<1x3072xf32> to vector<8x3072xf32>
    %eq3A_2507 = arith.cmpf oeq, %select_n3A_2505, %eq3A_2506 : vector<8x3072xf32>
    %add3A_2508 = arith.constant 9.840000e+02 : f32
    %add3A_2509 = vector.broadcast %add3A_2508 : f32 to vector<8x3072xf32>
    %add3A_2510 = arith.addf %convert_element_type3A, %add3A_2509 : vector<8x3072xf32>
    %jit3A_2511 = arith.constant 1.024000e+03 : f32
    %broadcast_in_dim3A_2512 = vector.broadcast %jit3A_2511 : f32 to vector<8x3072xf32>
    %select_n3A_2513 = arith.select %eq3A_2507, %add3A_2510, %broadcast_in_dim3A_2512 : vector<8x3072xi1>, vector<8x3072xf32>
    %min3A_2514 = arith.minimumf %min3A_2496, %select_n3A_2513 : vector<8x3072xf32>
    %slice3A_2515 = vector.extract_strided_slice %max3A_16 {offsets = [992, 0], sizes = [8, 3072], strides = [1, 1]} : vector<1024x3072xf32> to vector<8x3072xf32>
    %eq3A_2516 = arith.constant 0.000000e+00 : f32
    %eq3A_2517 = vector.broadcast %eq3A_2516 : f32 to vector<8x3072xf32>
    %eq3A_2518 = arith.cmpf oeq, %slice3A_2515, %eq3A_2517 : vector<8x3072xf32>
    %rsqrt3A_2519 = math.rsqrt %slice3A_2515 : vector<8x3072xf32>
    %mul3A_2520 = arith.mulf %slice3A_2515, %rsqrt3A_2519 : vector<8x3072xf32>
    %jit3A_2521 = arith.constant 0.000000e+00 : f32
    %broadcast_in_dim3A_2522 = vector.broadcast %jit3A_2521 : f32 to vector<8x3072xf32>
    %select_n3A_2523 = arith.select %eq3A_2518, %broadcast_in_dim3A_2522, %mul3A_2520 : vector<8x3072xi1>, vector<8x3072xf32>
    %eq3A_2524 = vector.broadcast %select_n3A : vector<1x3072xf32> to vector<8x3072xf32>
    %eq3A_2525 = arith.cmpf oeq, %select_n3A_2523, %eq3A_2524 : vector<8x3072xf32>
    %add3A_2526 = arith.constant 9.920000e+02 : f32
    %add3A_2527 = vector.broadcast %add3A_2526 : f32 to vector<8x3072xf32>
    %add3A_2528 = arith.addf %convert_element_type3A, %add3A_2527 : vector<8x3072xf32>
    %jit3A_2529 = arith.constant 1.024000e+03 : f32
    %broadcast_in_dim3A_2530 = vector.broadcast %jit3A_2529 : f32 to vector<8x3072xf32>
    %select_n3A_2531 = arith.select %eq3A_2525, %add3A_2528, %broadcast_in_dim3A_2530 : vector<8x3072xi1>, vector<8x3072xf32>
    %min3A_2532 = arith.minimumf %min3A_2514, %select_n3A_2531 : vector<8x3072xf32>
    %slice3A_2533 = vector.extract_strided_slice %max3A_16 {offsets = [1000, 0], sizes = [8, 3072], strides = [1, 1]} : vector<1024x3072xf32> to vector<8x3072xf32>
    %eq3A_2534 = arith.constant 0.000000e+00 : f32
    %eq3A_2535 = vector.broadcast %eq3A_2534 : f32 to vector<8x3072xf32>
    %eq3A_2536 = arith.cmpf oeq, %slice3A_2533, %eq3A_2535 : vector<8x3072xf32>
    %rsqrt3A_2537 = math.rsqrt %slice3A_2533 : vector<8x3072xf32>
    %mul3A_2538 = arith.mulf %slice3A_2533, %rsqrt3A_2537 : vector<8x3072xf32>
    %jit3A_2539 = arith.constant 0.000000e+00 : f32
    %broadcast_in_dim3A_2540 = vector.broadcast %jit3A_2539 : f32 to vector<8x3072xf32>
    %select_n3A_2541 = arith.select %eq3A_2536, %broadcast_in_dim3A_2540, %mul3A_2538 : vector<8x3072xi1>, vector<8x3072xf32>
    %eq3A_2542 = vector.broadcast %select_n3A : vector<1x3072xf32> to vector<8x3072xf32>
    %eq3A_2543 = arith.cmpf oeq, %select_n3A_2541, %eq3A_2542 : vector<8x3072xf32>
    %add3A_2544 = arith.constant 1.000000e+03 : f32
    %add3A_2545 = vector.broadcast %add3A_2544 : f32 to vector<8x3072xf32>
    %add3A_2546 = arith.addf %convert_element_type3A, %add3A_2545 : vector<8x3072xf32>
    %jit3A_2547 = arith.constant 1.024000e+03 : f32
    %broadcast_in_dim3A_2548 = vector.broadcast %jit3A_2547 : f32 to vector<8x3072xf32>
    %select_n3A_2549 = arith.select %eq3A_2543, %add3A_2546, %broadcast_in_dim3A_2548 : vector<8x3072xi1>, vector<8x3072xf32>
    %min3A_2550 = arith.minimumf %min3A_2532, %select_n3A_2549 : vector<8x3072xf32>
    %slice3A_2551 = vector.extract_strided_slice %max3A_16 {offsets = [1008, 0], sizes = [8, 3072], strides = [1, 1]} : vector<1024x3072xf32> to vector<8x3072xf32>
    %eq3A_2552 = arith.constant 0.000000e+00 : f32
    %eq3A_2553 = vector.broadcast %eq3A_2552 : f32 to vector<8x3072xf32>
    %eq3A_2554 = arith.cmpf oeq, %slice3A_2551, %eq3A_2553 : vector<8x3072xf32>
    %rsqrt3A_2555 = math.rsqrt %slice3A_2551 : vector<8x3072xf32>
    %mul3A_2556 = arith.mulf %slice3A_2551, %rsqrt3A_2555 : vector<8x3072xf32>
    %jit3A_2557 = arith.constant 0.000000e+00 : f32
    %broadcast_in_dim3A_2558 = vector.broadcast %jit3A_2557 : f32 to vector<8x3072xf32>
    %select_n3A_2559 = arith.select %eq3A_2554, %broadcast_in_dim3A_2558, %mul3A_2556 : vector<8x3072xi1>, vector<8x3072xf32>
    %eq3A_2560 = vector.broadcast %select_n3A : vector<1x3072xf32> to vector<8x3072xf32>
    %eq3A_2561 = arith.cmpf oeq, %select_n3A_2559, %eq3A_2560 : vector<8x3072xf32>
    %add3A_2562 = arith.constant 1.008000e+03 : f32
    %add3A_2563 = vector.broadcast %add3A_2562 : f32 to vector<8x3072xf32>
    %add3A_2564 = arith.addf %convert_element_type3A, %add3A_2563 : vector<8x3072xf32>
    %jit3A_2565 = arith.constant 1.024000e+03 : f32
    %broadcast_in_dim3A_2566 = vector.broadcast %jit3A_2565 : f32 to vector<8x3072xf32>
    %select_n3A_2567 = arith.select %eq3A_2561, %add3A_2564, %broadcast_in_dim3A_2566 : vector<8x3072xi1>, vector<8x3072xf32>
    %min3A_2568 = arith.minimumf %min3A_2550, %select_n3A_2567 : vector<8x3072xf32>
    %slice3A_2569 = vector.extract_strided_slice %max3A_16 {offsets = [1016, 0], sizes = [8, 3072], strides = [1, 1]} : vector<1024x3072xf32> to vector<8x3072xf32>
    %eq3A_2570 = arith.constant 0.000000e+00 : f32
    %eq3A_2571 = vector.broadcast %eq3A_2570 : f32 to vector<8x3072xf32>
    %eq3A_2572 = arith.cmpf oeq, %slice3A_2569, %eq3A_2571 : vector<8x3072xf32>
    %rsqrt3A_2573 = math.rsqrt %slice3A_2569 : vector<8x3072xf32>
    %mul3A_2574 = arith.mulf %slice3A_2569, %rsqrt3A_2573 : vector<8x3072xf32>
    %jit3A_2575 = arith.constant 0.000000e+00 : f32
    %broadcast_in_dim3A_2576 = vector.broadcast %jit3A_2575 : f32 to vector<8x3072xf32>
    %select_n3A_2577 = arith.select %eq3A_2572, %broadcast_in_dim3A_2576, %mul3A_2574 : vector<8x3072xi1>, vector<8x3072xf32>
    %eq3A_2578 = vector.broadcast %select_n3A : vector<1x3072xf32> to vector<8x3072xf32>
    %eq3A_2579 = arith.cmpf oeq, %select_n3A_2577, %eq3A_2578 : vector<8x3072xf32>
    %add3A_2580 = arith.constant 1.016000e+03 : f32
    %add3A_2581 = vector.broadcast %add3A_2580 : f32 to vector<8x3072xf32>
    %add3A_2582 = arith.addf %convert_element_type3A, %add3A_2581 : vector<8x3072xf32>
    %jit3A_2583 = arith.constant 1.024000e+03 : f32
    %broadcast_in_dim3A_2584 = vector.broadcast %jit3A_2583 : f32 to vector<8x3072xf32>
    %select_n3A_2585 = arith.select %eq3A_2579, %add3A_2582, %broadcast_in_dim3A_2584 : vector<8x3072xi1>, vector<8x3072xf32>
    %min3A_2586 = arith.minimumf %min3A_2568, %select_n3A_2585 : vector<8x3072xf32>
    %slice3A_2587 = vector.extract_strided_slice %min3A_2586 {offsets = [0, 0], sizes = [4, 3072], strides = [1, 1]} : vector<8x3072xf32> to vector<4x3072xf32>
    %slice3A_2588 = vector.extract_strided_slice %min3A_2586 {offsets = [4, 0], sizes = [4, 3072], strides = [1, 1]} : vector<8x3072xf32> to vector<4x3072xf32>
    %min3A_2589 = arith.minimumf %slice3A_2587, %slice3A_2588 : vector<4x3072xf32>
    %slice3A_2590 = vector.extract_strided_slice %min3A_2589 {offsets = [0, 0], sizes = [2, 3072], strides = [1, 1]} : vector<4x3072xf32> to vector<2x3072xf32>
    %slice3A_2591 = vector.extract_strided_slice %min3A_2589 {offsets = [2, 0], sizes = [2, 3072], strides = [1, 1]} : vector<4x3072xf32> to vector<2x3072xf32>
    %min3A_2592 = arith.minimumf %slice3A_2590, %slice3A_2591 : vector<2x3072xf32>
    %slice3A_2593 = vector.extract_strided_slice %min3A_2592 {offsets = [0, 0], sizes = [1, 3072], strides = [1, 1]} : vector<2x3072xf32> to vector<1x3072xf32>
    %slice3A_2594 = vector.extract_strided_slice %min3A_2592 {offsets = [1, 0], sizes = [1, 3072], strides = [1, 1]} : vector<2x3072xf32> to vector<1x3072xf32>
    %min3A_2595 = arith.minimumf %slice3A_2593, %slice3A_2594 : vector<1x3072xf32>
    %convert_element_type3A_2596 = arith.fptosi %min3A_2595 : vector<1x3072xf32> to vector<1x3072xi32>
    %reshape3A = vector.shape_cast %convert_element_type3A_2596 : vector<1x3072xi32> to vector<1x1x3072xi32>
    %swap3A = arith.constant 0 : index
    %swap3A_2597 = arith.constant 0 : index
    %swap3A_2598 = arith.constant 0 : index
    %swap3A_2599 = vector.load %arg5[%swap3A, %swap3A_2597, %swap3A_2598] : memref<1x1x3072xi32, #tpu.memory_space<vmem>>, vector<1x1x3072xi32>
    tpu.vector_store %arg5[%swap3A, %swap3A_2597, %swap3A_2598], %reshape3A {strides = array<i32>} : memref<1x1x3072xi32, #tpu.memory_space<vmem>>, vector<1x1x3072xi32>,
    %reduce_sum3A = vector.shape_cast %min3A_278 : vector<1x3072xf32> to vector<1x1x3072xf32>
    %reduce_sum3A_2600 = arith.constant dense<0.000000e+00> : vector<1xf32>
    %reduce_sum3A_2601 = vector.multi_reduction <add>, %reduce_sum3A, %reduce_sum3A_2600 [1, 2] : vector<1x1x3072xf32> to vector<1xf32>
    %reduce_sum3A_2602 = vector.shape_cast %reduce_sum3A_2601 : vector<1xf32> to vector<1x1x1xf32>
    %reduce_sum3A_2603 = vector.extract %reduce_sum3A_2602[0, 0, 0] : f32 from vector<1x1x1xf32>
    %reshape3A_2604 = vector.broadcast %reduce_sum3A_2603 : f32 to vector<1x1xf32>
    %eq3A_2605 = arith.constant 0 : i32
    %eq3A_2606 = arith.cmpi eq, %arg0, %eq3A_2605 : i32
    %convert_element_type3A_2607 = arith.extui %eq3A_2606 : i1 to i32
    %cond3A = arith.constant 0 : i32
    %cond3A_2608 = arith.cmpi ne, %convert_element_type3A_2607, %cond3A : i32
    scf.if %cond3A_2608 {
      %swap3A_2613 = arith.constant 0 : index
      %swap3A_2614 = arith.constant 0 : index
      %swap3A_2615 = vector.load %arg6[%swap3A_2613, %swap3A_2614] : memref<1x1xf32, #tpu.memory_space<vmem>>, vector<1x1xf32>
      tpu.vector_store %arg6[%swap3A_2613, %swap3A_2614], %reshape3A_2604 {strides = array<i32>} : memref<1x1xf32, #tpu.memory_space<vmem>>, vector<1x1xf32>,
    } else {
    }
    %gt3A = arith.constant 0 : i32
    %gt3A_2609 = arith.cmpi sgt, %arg0, %gt3A : i32
    %convert_element_type3A_2610 = arith.extui %gt3A_2609 : i1 to i32
    %cond3A_2611 = arith.constant 0 : i32
    %cond3A_2612 = arith.cmpi ne, %convert_element_type3A_2610, %cond3A_2611 : i32
    scf.if %cond3A_2612 {
      %get3A_2613 = arith.constant 0 : index
      %get3A_2614 = arith.constant 0 : index
      %get3A_2615 = vector.load %arg6[%get3A_2613, %get3A_2614] : memref<1x1xf32, #tpu.memory_space<vmem>>, vector<1x1xf32>
      %add3A_2616 = arith.addf %get3A_2615, %reshape3A_2604 : vector<1x1xf32>
      %swap3A_2617 = arith.constant 0 : index
      %swap3A_2618 = arith.constant 0 : index
      %swap3A_2619 = vector.load %arg6[%swap3A_2617, %swap3A_2618] : memref<1x1xf32, #tpu.memory_space<vmem>>, vector<1x1xf32>
      tpu.vector_store %arg6[%swap3A_2617, %swap3A_2618], %add3A_2616 {strides = array<i32>} : memref<1x1xf32, #tpu.memory_space<vmem>>, vector<1x1xf32>,
    } else {
    }
    return
  }
  func.func @transform_0(%arg0: i32) -> (i32, i32) {
    %c0_i32 = arith.constant 0 : i32
    %c0_i32_0 = arith.constant 0 : i32
    %c0_i32_1 = arith.constant 0 : i32
    return %c0_i32, %c0_i32_0 : i32, i32
  }
  func.func @transform_1(%arg0: i32) -> (i32, i32) {
    %c0_i32 = arith.constant 0 : i32
    %c0_i32_0 = arith.constant 0 : i32
    return %c0_i32, %arg0 : i32, i32
  }
  func.func @transform_2(%arg0: i32) -> (i32, i32) {
    %c0_i32 = arith.constant 0 : i32
    %c0_i32_0 = arith.constant 0 : i32
    return %c0_i32, %arg0 : i32, i32
  }
  func.func @transform_3(%arg0: i32) -> (i32, i32) {
    %c0_i32 = arith.constant 0 : i32
    %c0_i32_0 = arith.constant 0 : i32
    %c0_i32_1 = arith.constant 0 : i32
    return %c0_i32, %c0_i32_0 : i32, i32
  }
  func.func @transform_4(%arg0: i32) -> (i32, i32, i32) {
    %c0_i32 = arith.constant 0 : i32
    %c0_i32_0 = arith.constant 0 : i32
    %c0_i32_1 = arith.constant 0 : i32
    return %arg0, %c0_i32, %c0_i32_0 : i32, i32, i32
  }
  func.func @transform_5(%arg0: i32) -> (i32, i32) {
    %c0_i32 = arith.constant 0 : i32
    %c0_i32_0 = arith.constant 0 : i32
    %c0_i32_1 = arith.constant 0 : i32
    return %c0_i32, %c0_i32_0 : i32, i32
  }
}

</mosaic_0001>

<sc_bundles>
// kernel: kernel.4.cloned.1.call-start
scs
__scs_entry_jumppad:
0x0: {  	(pc) =	sbr.rel $0x88, $3  }
0x1: {  	(tag) =	ssettag $0x0;
	lr =	simm.s32 $0x1  }
0x2: {  	[smem:$0x3F9F] =	sst lr;
	_ =	strace $0xD0000000  }
0x3: {  	_ = 	snop  }
0x4: {  	_ = 	snop  }
0x5: {  	_ = 	snop  }
0x6: {  	_ = 	snop  }
0x7: {  	_ = 	snop  }
__scs_overlays_trampoline_lowered:
0x8: {  	[smem:$0x3FAE] =	sst s0  }
0x9: {  	[smem:$0x3FAF] =	sst s1  }
0xa: {  	[smem:$0x3FB0] =	sst s2  }
0xb: {  	[smem:$0x3FB1] =	sst s3  }
0xc: {  	[smem:$0x3FB2] =	sst s4  }
0xd: {  	[smem:$0x3FB3] =	sst s5  }
0xe: {  	[smem:$0x3FB4] =	sst s6  }
0xf: {  	[smem:$0x3FB5] =	sst s7  }
0x10: {  	[smem:$0x3FB6] =	sst s8  }
0x11: {  	[smem:$0x3FB7] =	sst s9;
	s0 =	simm.s32 @!p0 $0x0  }
0x12: {  	s1 =	sld [smem:$0x3F9D];
	s0 =	simm.s32 @p0 $0x1  }
0x13: {  	[smem:$0x3FB8] =	sst s0;
	s0 =	simm.s32 @!p1 $0x0  }
0x14: {  	s2 =	sld [smem:$0x3F9C];
	s0 =	simm.s32 @p1 $0x1  }
0x15: {  	[smem:$0x3FB9] =	sst s0;
	s0 =	simm.s32 @!p2 $0x0  }
0x16: {  	s3 =	sld [smem:$0x3FDB];
	s0 =	simm.s32 @p2 $0x1  }
0x17: {  	s4 =	simm.s32 $0x1BF5;
	[smem:$0x3FBB] =	sst s0  }
0x18: {  	s0 =	sld [smem:$0x3F9E];
	_ =	swait.ge [sflag:s4], $0x0  }
0x19: {  	s7 =	sld [smem:$0x3F9F]  }
0x1a: {  	s8 =	sadd.s32 $0xFFFFE003, lr  }
0x1b: {  	s9 =	sadd.s32 $0xFFFFFEF7, lr;
	s5 =	simm.s32 $0xFFFFFFFF;
	p2 =	slt.u32 s8, $0xFFFFF086  }
0x1c: {  	p1 =	slt.u32 s9, $0xF7A;
	s5 =	simm.s32 @!p2 $0x0  }
0x1d: {  	s5 =	simm.s32 @p1 $0x1;
	p0 =	seq.s32 s7, s2  }
0x1e: {  	s7 =	smul.u32 @!p0 $0xF7A, s2;
	p2 =	seq.s32 @!p0 s5, $0x0  }
0x1f: {  	s9 =	smul.u32 $0xF7A, s1;
	s8 =	simm.s32 @!p0 $0x1BF5;
	p2 =	por !p2, p0  }
0x20: {  	[sflag:s8] =	ssyncset.s32 @!p0 $0xFFFFF086;
	s6 =	sadd.s32 @!p0 s3, s7;
	s7 =	simm.s32 @!p0 $0x108  }
0x21: {  	s3 =	sadd.s32 s3, s9;
	s6 =	sadd.s32 @!p0 $0x88, s6;
	s7 =	simm.s32 @p2 $0x1082  }
0x22: {  	[simem:s7], [sflag:s8] =	dma.local @!p0 [hbm:s6], $0xF7A  }
0x23: {  	s9 =	sor.u32 $0xD0000000, s2;
	s6 =	simm.s32 $0x108;
	_ =	swait.ge @!p0 [sflag:s8], $0x0  }
0x24: {  	s3 =	sadd.s32 $0x88, s3;
	s6 =	simm.s32 @!p1 $0x1082;
	[sflag:s4] =	ssyncset.s32 $0xFFFFF086  }
0x25: {  	[simem:s6], [sflag:s4] =	dma.local [hbm:s3], $0xF7A  }
0x26: {  	[smem:$0x3F9F] =	sst s1;
	(tag) =	ssettag s2;
	_ =	strace s9  }
0x27: {  	s1 =	sld [smem:$0x3FAF]  }
0x28: {  	s2 =	sld [smem:$0x3FB0]  }
0x29: {  	s4 =	sld [smem:$0x3FB2]  }
0x2a: {  	p0 =	seq.s32 s5, $0x0;
	s5 =	sld [smem:$0x3FB3]  }
0x2b: {  	s6 =	sld [smem:$0x3FB4]  }
0x2c: {  	s7 =	sld [smem:$0x3FB5]  }
0x2d: {  	s3 =	simm.s32 $0x108;
	s8 =	sld [smem:$0x3FB6]  }
0x2e: {  	s3 =	simm.s32 @!p0 $0x1082;
	s9 =	sld [smem:$0x3FB7]  }
0x2f: {  	lr =	sadd.s32 s0, s3;
	s0 =	sld [smem:$0x3FAE]  }
0x30: {  	s3 =	sld [smem:$0x3FB1]  }
0x31: {  	[smem:$0x3FBA] =	sst s10  }
0x32: {  	s10 =	sld [smem:$0x3FB8];
	_ =	sdelay $0x3  }
0x33: {  	p0 =	seq.s32 s10, $0x1;
	s10 =	sld [smem:$0x3FBA];
	_ =	sdelay $0x3  }
0x34: {  	[smem:$0x3FBA] =	sst s10  }
0x35: {  	s10 =	sld [smem:$0x3FB9];
	_ =	sdelay $0x3  }
0x36: {  	p1 =	seq.s32 s10, $0x1;
	s10 =	sld [smem:$0x3FBA];
	_ =	sdelay $0x3  }
0x37: {  	[smem:$0x3FBA] =	sst s10  }
0x38: {  	s10 =	sld [smem:$0x3FBB]  }
0x39: {  	_ = 	snop;
	(pc) =	sbr.ind lr, $3  }
0x3a: {  	_ = 	snop  }
0x3b: {  	_ = 	snop  }
0x3c: {  	p2 =	seq.s32 s10, $0x1;
	s10 =	sld [smem:$0x3FBA]  }
0x3d: {  	_ =	shalt  }
0x3e: {  	_ =	shalt  }
0x3f: {  	_ =	shalt  }
0x40: {  	_ =	shalt  }
0x41: {  	_ =	shalt  }
0x42: {  	_ =	shalt  }
0x43: {  	_ =	shalt  }
0x44: {  	_ =	shalt  }
0x45: {  	_ =	shalt  }
0x46: {  	_ =	shalt  }
0x47: {  	_ =	shalt  }
0x48: {  	_ =	shalt  }
0x49: {  	_ =	shalt  }
0x4a: {  	_ =	shalt  }
0x4b: {  	_ =	shalt  }
0x4c: {  	_ =	shalt  }
0x4d: {  	_ =	shalt  }
0x4e: {  	_ =	shalt  }
0x4f: {  	_ =	shalt  }
0x50: {  	_ =	shalt  }
0x51: {  	_ =	shalt  }
0x52: {  	_ =	shalt  }
0x53: {  	_ =	shalt  }
0x54: {  	_ =	shalt  }
0x55: {  	_ =	shalt  }
0x56: {  	_ =	shalt  }
0x57: {  	_ =	shalt  }
0x58: {  	_ =	shalt  }
0x59: {  	_ =	shalt  }
0x5a: {  	_ =	shalt  }
0x5b: {  	_ =	shalt  }
0x5c: {  	_ =	shalt  }
0x5d: {  	_ =	shalt  }
0x5e: {  	_ =	shalt  }
0x5f: {  	_ =	shalt  }
0x60: {  	_ =	shalt  }
0x61: {  	_ =	shalt  }
0x62: {  	_ =	shalt  }
0x63: {  	_ =	shalt  }
0x64: {  	_ =	shalt  }
0x65: {  	_ =	shalt  }
0x66: {  	_ =	shalt  }
0x67: {  	_ =	shalt  }
0x68: {  	_ =	shalt  }
0x69: {  	_ =	shalt  }
0x6a: {  	_ =	shalt  }
0x6b: {  	_ =	shalt  }
0x6c: {  	_ =	shalt  }
0x6d: {  	_ =	shalt  }
0x6e: {  	_ =	shalt  }
0x6f: {  	_ =	shalt  }
0x70: {  	_ =	shalt  }
0x71: {  	_ =	shalt  }
0x72: {  	_ =	shalt  }
0x73: {  	_ =	shalt  }
0x74: {  	_ =	shalt  }
0x75: {  	_ =	shalt  }
0x76: {  	_ =	shalt  }
0x77: {  	_ =	shalt  }
0x78: {  	_ =	shalt  }
0x79: {  	_ =	shalt  }
0x7a: {  	_ =	shalt  }
0x7b: {  	_ =	shalt  }
0x7c: {  	_ =	shalt  }
0x7d: {  	_ =	shalt  }
0x7e: {  	_ =	shalt  }
0x7f: {  	_ =	shalt  }
0x80: {  	_ =	shalt  }
0x81: {  	_ =	shalt  }
0x82: {  	_ =	shalt  }
0x83: {  	_ =	shalt  }
0x84: {  	_ =	shalt  }
0x85: {  	_ =	shalt  }
0x86: {  	_ =	shalt  }
0x87: {  	_ =	shalt  }
.Lfunc_end0:
.L_simem_size_0:
called_computation_lowered:
.L_overlay_start_0:
0x88: {  	s2 =	sld [smem:$0x3FD9]  }
0x89: {  	s3 =	sld [smem:$0x3FFE];
	_ =	sdelay $0x1  }
0x8a: {  	s1 =	srdreg.scid  }
0x8b: {  	s0 =	sand.u32 $0x1, s1  }
0x8c: {  	s14 =	sshll.u32 s0, $0xA;
	s2 =	sadd.s32 s3, s2  }
0x8d: {  	s2 =	sadd.s32 s2, s14  }
0x8e: {  	[smem:$0x3FC6] =	sst s2  }
0x8f: {  	_ = 	snop  }
0x90: {  	s2 =	sld [smem:$0x3FD0];
	_ =	sdelay $0x2  }
0x91: {  	s15 =	simm.s32 $0xA;
	s4 =	simm.s32 $0x10  }
0x92: {  	[smem:s4], [sflag:s15] =	dma.local [hbm:s2], $0x1  }
0x93: {  	_ =	swait.eq [sflag:s15], $0x1  }
0x94: {  	[sflag:s15] =	ssyncset.done $0x0  }
0x95: {  	s16 =	sld [smem:$0x10];
	[sflag:s15] =	ssyncadd.s32 $0xFFFFFFFF  }
0x96: {  	s17 =	sld [smem:$0x11];
	(tm) =	ssettm $0x1  }
0x97: {  	s18 =	sld [smem:$0x3FFB];
	_ =	sdelay $0x3  }
0x98: {  	_ =	strace s18  }
0x99: {  	s4 =	sld [smem:$0x3FFC];
	_ =	sdelay $0x3  }
0x9a: {  	_ =	strace s4  }
0x9b: {  	s4 =	sld [smem:$0x3FFD];
	_ =	sdelay $0x3  }
0x9c: {  	_ =	strace s4  }
0x9d: {  	_ =	strace $0x8FFFFFFF  }
0x9e: {  	s19 =	sld [smem:$0x3FDB];
	_ =	sdelay $0x1  }
0x9f: {  	s5 =	simm.s32 $_scs_section_size  }
0xa0: {  	s6 =	simm.s32 $_size__tile_overlayer_lowered;
	s7 =	simm.s32 $_tile_overlayer_lowered  }
0xa1: {  	s22 =	simm.s32 $0x1BFF;
	s21 =	sshll.u32 s7, $0x1;
	s4 =	sadd.s32 s5, s19  }
0xa2: {  	s8 =	simm.s32 $0x0;
	s20 =	sshll.u32 s6, $0x1;
	s6 =	sadd.s32 s21, s4  }
0xa3: {  	[timem:s8], [sflag:s22] =	dma.local [hbm:s6], s20  }
0xa4: {  	_ =	swait.ge [sflag:s22], s20  }
0xa5: {  	s5 =	ssub.s32 $0x0, s20;
	[sflag:s22] =	ssyncset.done $0x0  }
0xa6: {  	[sflag:s22] =	ssyncadd.s32 s5;
	_ =	sdelay $0x1  }
0xa7: {  	s23 =	simm.s32 $0x1B8B  }
0xa8: {  	_ =	swait.ge [sflag:s23], $0x1  }
0xa9: {  	[sflag:s23] =	ssyncset.done $0x0  }
0xaa: {  	s25 =	simm.s32 $0x1B8E;
	s24 =	sld [smem:$0x3FFE];
	[sflag:s23] =	ssyncadd.s32 $0xFFFFFFFF  }
0xab: {  	s26 =	simm.s32 $execute0_lowered;
	[smem:$0x3FD2] =	sst s25  }
0xac: {  	s6 =	sshll.u32 s26, $0x1;
	_ =	strace $0x80000046;
	[dreg:$0x1] =	wrdreg $0xFFFFFFFF  }
0xad: {  	s28 =	simm.s32 $_size_execute0_lowered;
	s4 =	sadd.s32 s4, s6;
	[dreg:$0x0] =	wrdreg $0x0  }
0xae: {  	s6 =	sshll.u32 s28, $0x1;
	[dreg:$0x2] =	wrdreg s4  }
0xaf: {  	[dreg:$0x3] =	wrdreg s6  }
0xb0: {  	[dreg:$0x4] =	wrdreg $0xC0  }
0xb1: {  	_ =	task [dreg:s8], $0x5FFFF  }
0xb2: {  	[dreg:$0x1] =	wrdreg $0xFFFFFFFF  }
0xb3: {  	[dreg:$0x0] =	wrdreg $0x60  }
0xb4: {  	[dreg:$0x2] =	wrdreg s16  }
0xb5: {  	[dreg:$0x3] =	wrdreg s17  }
0xb6: {  	[dreg:$0x4] =	wrdreg s24  }
0xb7: {  	[dreg:$0x5] =	wrdreg $0x9  }
0xb8: {  	_ =	task.clear_ibuf [dreg:s8], $0x6FFFF;
	_ =	strace $0x90000046  }
0xb9: {  	s29 =	simm.s32 $0x9;
	_ =	strace $0x8000004F  }
0xba: {  	_ =	swait.ge [sflag:s29], $0x1  }
0xbb: {  	[sflag:s29] =	ssyncadd.s32 $0xFFFFFFFF  }
0xbc: {  	_ =	strace $0x9000004F  }
0xbd: {  	_ =	sfence  }
0xbe: {  	s30 =	sld [smem:$0x0];
	_ =	sdelay $0x2  }
0xbf: {  	s31 =	sshll.u32 s1, $0xD;
	s1 =	sshrl.u32 s1, $0x2  }
0xc0: {  	s3 =	sand.u32 $0x4000, s31;
	s1 =	sadd.s32 s1, s30  }
0xc1: {  	s0 =	sor.u32 s3, s0;
	s1 =	sshll.u32 s1, $0x11  }
0xc2: {  	s0 =	sor.u32 s1, s0  }
0xc3: {  	s0 =	sadd.s32 $0x8F2B, s0  }
0xc4: {  	[sflag:s0] =	ssyncadd.remote.s32 $0x1  }
0xc5: {  	_ =	sfence.sel $0xFFFF  }
0xc6: {  	[dreg:$0x0] =	wrdreg $0xFFFFFFFF;
	(pc) =	sbr.abs _section_cstart, $3  }
0xc7: {  	[dreg:$0x1] =	wrdreg $0xFFFFFFFF  }
0xc8: {  	_ =	task.clear_ibuf [dreg:s8], $0x2FFFF;
	_ =	strace $0x9FFFFFFF  }
0xc9: {  	(tm) =	ssettm $0x7FFFFFFF  }
tec
execute0_lowered:
.L_overlay_start_1:
0x0: {  	(tag) =	ssettag $0x1  }
0x1: {  	s0 =	rddreg [dreg:$0x0]  }
0x2: {  	s2 =	rddreg [dreg:$0x2]  }
0x3: {  	s1 =	srdreg.scid;
	[dreg:$0x4] =	wrdreg s0  }
0x4: {  	s9 =	simm.s32 $0x1;
	s10 =	simm.s32 $0x100;
	s0 =	rddreg [dreg:$0x1]  }
0x5: {  	s11 =	simm.s32 $0x0;
	s5 =	sand.u32 $0x1, s1;
	[dreg:$0x6] =	wrdreg s2  }
0x6: {  	s2 =	stileid.u32;
	s1 =	rddreg [dreg:$0x3];
	s3 =	sshll.u32 s5, $0x4  }
0x7: {  	s30 =	ssub.s32 $0x2, s5;
	s5 =	simm.s32 $0x3;
	s4 =	sor.u32 s2, s3  }
0x8: {  	s3 =	simm.s32 $0x0;
	s6 =	smul.u32 $0x3, s4;
	s7 =	sshll.u32 s4, $0x1  }
0x9: {  	s8 =	sshrl.u32 s30, $0x1;
	p0 =	slt.u32 s4, $0x8;
	s4 =	sadd.s32 $0x8, s7  }
0xa: {  	[smem:$0x7FF] =	sst s3;
	s8 =	ssub.s32 s30, s8;
	s4 =	smov.u32 @p0 s6  }
0xb: {  	_ =	strace $0x80000047;
	s5 =	simm.s32 @!p0 $0x2;
	s31 =	sshll.u32 s4, $0x5  }
0xc: {  	s8 =	smax.u32 s8, $0x1;
	[dreg:$0x5] =	wrdreg s10;
	s7 =	sand.u32 $0x1FFFFFE0, s31  }
0xd: {  	s10 =	simm.s32 $0x5;
	s6 =	sadd.s32 s0, s7;
	s7 =	sadd.s32 $0xFFFFFFFF, s5  }
.LBB2_1:
0xe: {  	_ =	strace $0x80000048;
	p2 =	sne.s32 s5, $0x1  }
.Ltmp0:
0xf: {  	p0 =	seq.s32 s5, $0x1;
	s13 =	simm.s32 $0x1;
	(pc) =	sbr.rel @!p2 .LBB2_2-.Ltmp0, $4  }
0x10: {  	[tilespmem:s3], [sflag:$0x1] =	stream.linear.gather [hbm4b:s6+s3], $0x100, $0x200038;
	[tilespmem:$0x10200] =	vst v63  }
0x11: {  	s12 =	simm.s32 $0x1;
	p1 =	por $0x1, $0x1;
	s13 =	simm.s32 @p0 $0x0  }
0x12: {  	p6 =	sgt.u32 s7, $0x0;
	p4 =	por p1, p1;
	p3 =	sne.s32 s13, $0x0  }
0x13: {  	_ =	strace $0x90000048;
	p5 =	por !p6, !p3;
	p6 =	por $0x0, $0x0  }
0x14: {  	p2 =	por !p5, !p5  }
0x15: {  	s21 =	sand.u32 $0x1, s3;
	s19 =	simm.s32 $0x2;
	s14 =	sadd.s32 @p2 s4, s13  }
0x16: {  	p1 =	por p3, p3;
	s15 =	sand.u32 @p2 $0x1, s9;
	s14 =	sshll.u32 @p2 s14, $0x5  }
0x17: {  	_ =	strace @p2 $0x80000049;
	s17 =	simm.s32 @p2 $0x0;
	s14 =	sand.u32 @p2 $0x1FFFFFE0, s14  }
0x18: {  	s16 =	sshll.u32 @p2 s15, $0x8;
	s15 =	sadd.s32 @p2 $0x1, s15;
	s14 =	sadd.s32 @p2 s0, s14  }
0x19: {  	[tilespmem:s16], [sflag:s15] =	stream.linear.gather @p2 [hbm4b:s14+s17], $0x100, $0x200038;
	[tilespmem:$0x10200] =	vst v63  }
0x1a: {  	s30 =	simm.s32 $0x0;
	p6 =	por $0x0, $0x0;
	_ =	strace @p2 $0x90000049  }
0x1b: {  	p0 =	sne.s32 s5, $0x2;
	s29 =	sadd.s32 $0x1, s21;
	_ =	strace $0x8000004A  }
0x1c: {  	s24 =	sadd.s32 $0x0, s4;
	p5 =	sgt.u32 s7, $0x1;
	_ =	swait.ge [sflag:s29], $0x100  }
0x1d: {  	s23 =	simm.s32 $0x1;
	s22 =	sshll.u32 s21, $0xF;
	[sflag:s29] =	ssyncset.done $0x0  }
0x1e: {  	s22 =	sor.u32 $0x200, s22;
	s16 =	sand.u32 @!p4 $0x1, s3;
	[sflag:s29] =	ssyncadd.s32 $0xFFFFFF00  }
0x1f: {  	s15 =	simm.s32 $0x1;
	s17 =	sadd.s32 $0x1, s13;
	_ =	strace $0x9000004A  }
0x20: {  	s14 =	sand.u32 $0x100, s30;
	s15 =	simm.s32 @!p2 $0x0;
	_ =	strace $0x8000004B  }
0x21: {  	p2 =	por p4, p4;
	p4 =	por p6, p6;
	s20 =	rddreg [dreg:$0x5]  }
0x22: {  	p3 =	seq.s32 s17, s5;
	p6 =	seq.s32 s7, $0x0;
	s31 =	rddreg [dreg:$0x4]  }
0x23: {  	[tilespmem:s22], [sflag:$0x5] =	stream.indirect.gather [hbm4b:s31+s20], $0x80, s14, s20, $0x2000b8;
	[tilespmem:$0x10200] =	vst v63  }
.Ltmp1:
0x24: {  	s18 =	sadd.s32 $0x1, s15;
	s17 =	simm.s32 @p3 $0x0;
	(pc) =	sbr.rel @!p0 .LBB2_4-.Ltmp1, $4  }
0x25: {  	p1 =	por p6, p1;
	p6 =	por $0x0, $0x0;
	_ =	swait.ge [sflag:s10], $0x8000  }
0x26: {  	s15 =	simm.s32 $0x0;
	p3 =	sne.s32 s13, s17;
	[sflag:s10] =	ssyncset.done $0x0  }
0x27: {  	s23 =	simm.s32 @!p6 $0x0;
	p5 =	por !p5, !p3;
	[sflag:s10] =	ssyncadd.s32 $0xFFFF8000  }
0x28: {  	s14 =	simm.s32 $0x0;
	s20 =	simm.s32 $0x0;
	_ =	strace $0x9000004B  }
.LBB2_5:
0x29: {  	_ =	strace @p1 $0x8000004C;
	s14 =	sadd.s32 s23, s14;
	s23 =	smov.u32 s12  }
0x2a: {  	s12 =	smov.u32 s19;
	s19 =	sadd.s32 $0x1, s19;
	p0 =	por p3, p3  }
0x2b: {  	s29 =	sshll.u32 @p1 s24, $0xC;
	s21 =	sadd.s32 @p1 $0x3, s21;
	s25 =	simm.s32 @!p0 $0x0  }
0x2c: {  	s26 =	rddreg [dreg:$0x6];
	s29 =	sand.u32 @p1 $0x1FFFF000, s29;
	s25 =	simm.s32 @p0 $0x1  }
0x2d: {  	s26 =	sadd.s32 @p1 s26, s29;
	s29 =	simm.s32 @p1 $0x0;
	p0 =	sne.s32 s5, s19  }
0x2e: {  	[hbm4b:s26+s29] =	stream.linear.scatter @p1 [tilespmem:s22], [sflag:s21], $0x8000, $0x200038;
	[tilespmem:$0x10200] =	vst v63  }
0x2f: {  	s21 =	sadd.s32 @!p2 $0x3, s16;
	s16 =	simm.s32 @!p0 $0x0  }
0x30: {  	s28 =	simm.s32 $0x1;
	[smem:$0x7FC] =	sst s25;
	s16 =	simm.s32 @p0 $0x1  }
0x31: {  	s28 =	simm.s32 @!p1 $0x0;
	_ =	strace @p1 $0x9000004C;
	[smem:$0x7FD] =	sst s16  }
0x32: {  	s20 =	sadd.s32 s28, s20;
	s25 =	sand.u32 @!p4 $0x1, s14;
	_ =	strace @!p2 $0x8000004D  }
0x33: {  	p1 =	por !p5, !p5;
	s16 =	smov.u32 s25;
	_ =	swait.ge @!p2 [sflag:s21], $0x8000  }
0x34: {  	s22 =	sand.u32 @p1 $0x1, s18;
	s25 =	sadd.s32 @p1 s4, s17;
	[sflag:s21] =	ssyncset.done @!p2 $0x0  }
0x35: {  	s26 =	sshll.u32 @p1 s22, $0x8;
	s25 =	sshll.u32 @p1 s25, $0x5;
	[sflag:s21] =	ssyncadd.s32 @!p2 $0xFFFF8000  }
0x36: {  	s21 =	sadd.s32 @p1 $0x1, s22;
	s22 =	sand.u32 @p1 $0x1FFFFFE0, s25;
	_ =	strace @!p2 $0x9000004D  }
0x37: {  	s25 =	simm.s32 @p1 $0x0;
	s22 =	sadd.s32 @p1 s0, s22;
	_ =	strace @p1 $0x80000049  }
0x38: {  	[tilespmem:s26], [sflag:s21] =	stream.linear.gather @p1 [hbm4b:s22+s25], $0x100, $0x200038;
	[tilespmem:$0x10200] =	vst v63  }
0x39: {  	s15 =	sadd.s32 s28, s15;
	s28 =	sand.u32 $0x1, s20;
	_ =	strace @p1 $0x90000049  }
0x3a: {  	s28 =	sadd.s32 $0x1, s28;
	_ =	strace $0x8000004A  }
0x3b: {  	_ =	swait.ge [sflag:s28], $0x100  }
0x3c: {  	[sflag:s28] =	ssyncset.done $0x0  }
0x3d: {  	s21 =	simm.s32 $0x1;
	[sflag:s28] =	ssyncadd.s32 $0xFFFFFF00  }
0x3e: {  	s21 =	simm.s32 @!p1 $0x0;
	_ =	strace $0x9000004A  }
0x3f: {  	s18 =	sadd.s32 s21, s18;
	s21 =	sand.u32 $0x1, s15;
	_ =	strace $0x8000004B  }
0x40: {  	s31 =	sshll.u32 s20, $0x8;
	s29 =	sshll.u32 s21, $0xF;
	s25 =	rddreg [dreg:$0x5]  }
0x41: {  	s31 =	sand.u32 $0x100, s31;
	s22 =	sor.u32 $0x200, s29;
	s26 =	rddreg [dreg:$0x4]  }
0x42: {  	[tilespmem:s22], [sflag:$0x5] =	stream.indirect.gather [hbm4b:s26+s25], $0x80, s31, s25, $0x2000b8;
	[tilespmem:$0x10200] =	vst v63  }
0x43: {  	_ =	swait.ge [sflag:s10], $0x8000  }
0x44: {  	[sflag:s10] =	ssyncset.done $0x0  }
0x45: {  	[sflag:s10] =	ssyncadd.s32 $0xFFFF8000  }
0x46: {  	s30 =	sadd.s32 $0x1, s17;
	_ =	strace $0x9000004B  }
0x47: {  	s24 =	sadd.s32 s4, s13;
	s13 =	smov.u32 s17;
	s31 =	sld [smem:$0x7FD]  }
0x48: {  	p0 =	sne.s32 s23, $0x0;
	s17 =	smov.u32 s30;
	p1 =	seq.s32 s30, s5  }
0x49: {  	s17 =	simm.s32 @p1 $0x0;
	p1 =	seq.s32 s7, s23;
	s23 =	simm.s32 $0x1  }
0x4a: {  	s23 =	simm.s32 @!p0 $0x0;
	p0 =	seq.s32 s31, $0x1  }
.Ltmp2:
0x4b: {  	s30 =	sld [smem:$0x7FC];
	(pc) =	sbr.rel @p0 .LBB2_5-.Ltmp2, $4  }
0x4c: {  	p3 =	seq.s32 s12, $0x0  }
0x4d: {  	p6 =	por p3, p3;
	p5 =	slt.u32 s12, s7  }
0x4e: {  	p2 =	por p4, p4;
	p3 =	sne.s32 s13, s17;
	p4 =	seq.s32 s30, $0x1  }
0x4f: {  	p5 =	por !p5, !p3;
	p1 =	por p1, p4;
	p4 =	por p6, p6  }
0x50: {  	p6 =	por $0x1, $0x1  }
.LBB2_7:
0x51: {  	p0 =	por !p1, !p6  }
0x52: {  	s25 =	simm.s32 $0x1;
	_ =	strace @!p0 $0x8000004C;
	s24 =	sshll.u32 @!p0 s24, $0xC  }
0x53: {  	p2 =	por p2, !p6;
	s19 =	rddreg [dreg:$0x6];
	s24 =	sand.u32 @!p0 $0x1FFFF000, s24  }
0x54: {  	s21 =	sadd.s32 @!p0 $0x3, s21;
	s19 =	sadd.s32 @!p0 s19, s24;
	s24 =	simm.s32 @!p0 $0x0  }
0x55: {  	[hbm4b:s19+s24] =	stream.linear.scatter @!p0 [tilespmem:s22], [sflag:s21], $0x8000, $0x200038;
	[tilespmem:$0x10200] =	vst v63  }
0x56: {  	p1 =	por !p5, !p5;
	s25 =	simm.s32 @p0 $0x0;
	_ =	strace @!p0 $0x9000004C  }
0x57: {  	s16 =	sadd.s32 @!p2 $0x3, s16;
	s17 =	sadd.s32 @p1 s4, s17;
	_ =	strace @!p2 $0x8000004D  }
0x58: {  	s18 =	sand.u32 @p1 $0x1, s18;
	s17 =	sshll.u32 @p1 s17, $0x5;
	_ =	swait.ge @!p2 [sflag:s16], $0x8000  }
0x59: {  	s17 =	sand.u32 @p1 $0x1FFFFFE0, s17;
	s19 =	sadd.s32 @p6 s25, s20;
	[sflag:s16] =	ssyncset.done @!p2 $0x0  }
0x5a: {  	s20 =	simm.s32 $0x0;
	s17 =	sadd.s32 @p1 s0, s17;
	[sflag:s16] =	ssyncadd.s32 @!p2 $0xFFFF8000  }
0x5b: {  	s20 =	smov.u32 @p6 s19;
	s19 =	sshll.u32 @p1 s18, $0x8;
	_ =	strace @!p2 $0x9000004D  }
0x5c: {  	s16 =	sadd.s32 @p1 $0x1, s18;
	s18 =	simm.s32 @p1 $0x0;
	_ =	strace @p1 $0x80000049  }
0x5d: {  	[tilespmem:s19], [sflag:s16] =	stream.linear.gather @p1 [hbm4b:s17+s18], $0x100, $0x200038;
	[tilespmem:$0x10200] =	vst v63  }
0x5e: {  	s26 =	sand.u32 $0x1, s20;
	_ =	strace @p1 $0x90000049  }
0x5f: {  	s16 =	sadd.s32 $0x1, s26;
	_ =	strace $0x8000004A  }
0x60: {  	_ =	swait.ge [sflag:s16], $0x100  }
0x61: {  	[sflag:s16] =	ssyncset.done $0x0  }
0x62: {  	s15 =	sadd.s32 @p6 s25, s15;
	[sflag:s16] =	ssyncadd.s32 $0xFFFFFF00;
	s16 =	simm.s32 $0x0  }
0x63: {  	_ =	strace $0x9000004A;
	s16 =	smov.u32 @p6 s15  }
0x64: {  	_ =	strace $0x8000004B;
	s16 =	sand.u32 $0x1, s16  }
0x65: {  	s30 =	sshll.u32 s20, $0x8;
	s28 =	rddreg [dreg:$0x5];
	s31 =	sshll.u32 s16, $0xF  }
0x66: {  	s18 =	sand.u32 $0x100, s30;
	s29 =	rddreg [dreg:$0x4];
	s19 =	sor.u32 $0x200, s31  }
0x67: {  	[tilespmem:s19], [sflag:$0x5] =	stream.indirect.gather [hbm4b:s29+s28], $0x80, s18, s28, $0x2000b8;
	[tilespmem:$0x10200] =	vst v63  }
0x68: {  	_ =	swait.ge [sflag:s10], $0x8000  }
0x69: {  	p3 =	por p3, p3;
	[sflag:s10] =	ssyncset.done $0x0  }
0x6a: {  	p5 =	seq.s32 s7, s12;
	s13 =	sadd.s32 s4, s13;
	[sflag:s10] =	ssyncadd.s32 $0xFFFF8000  }
0x6b: {  	s14 =	sadd.s32 @p6 s23, s14;
	p1 =	por p5, p3;
	_ =	strace $0x9000004B  }
0x6c: {  	s17 =	simm.s32 $0x0;
	s13 =	sshll.u32 @p1 s13, $0xC;
	_ =	strace @p1 $0x8000004C  }
0x6d: {  	s17 =	smov.u32 @p6 s14;
	s13 =	sand.u32 @p1 $0x1FFFF000, s13;
	s15 =	rddreg [dreg:$0x6]  }
0x6e: {  	s14 =	sadd.s32 @p1 $0x3, s16;
	s13 =	sadd.s32 @p1 s15, s13;
	s15 =	simm.s32 @p1 $0x0  }
0x6f: {  	[hbm4b:s13+s15] =	stream.linear.scatter @p1 [tilespmem:s19], [sflag:s14], $0x8000, $0x200038;
	[tilespmem:$0x10200] =	vst v63  }
0x70: {  	p0 =	por p4, p4;
	s13 =	sand.u32 @!p4 $0x1, s17;
	_ =	strace @p1 $0x9000004C  }
0x71: {  	s13 =	sadd.s32 @!p0 $0x3, s13;
	_ =	strace @!p0 $0x8000004D  }
0x72: {  	p1 =	sne.s32 s12, $0x0;
	s12 =	simm.s32 $0x1;
	_ =	swait.ge @!p0 [sflag:s13], $0x8000  }
0x73: {  	s12 =	simm.s32 @!p1 $0x0;
	[sflag:s13] =	ssyncset.done @!p0 $0x0  }
0x74: {  	s11 =	sadd.s32 $0x1, s11;
	s12 =	sadd.s32 s12, s17;
	[sflag:s13] =	ssyncadd.s32 @!p0 $0xFFFF8000  }
0x75: {  	s12 =	sand.u32 $0x1, s12;
	_ =	strace @!p0 $0x9000004D;
	p0 =	sne.s32 s11, s8  }
.Ltmp3:
0x76: {  	s12 =	sadd.s32 $0x3, s12;
	_ =	strace $0x8000004E;
	(pc) =	sbr.rel @p0 .LBB2_1-.Ltmp3, $4  }
.Ltmp4:
0x77: {  	_ =	swait.ge [sflag:s12], $0x8000;
	(pc) =	sbr.rel @!p0 .LBB2_8-.Ltmp4, $4  }
0x78: {  	[sflag:s12] =	ssyncset.done $0x0  }
0x79: {  	[sflag:s12] =	ssyncadd.s32 $0xFFFF8000  }
0x7a: {  	_ =	strace $0x9000004E  }
0x7b: {  	_ = 	snop  }
.LBB2_2:
.Ltmp5:
0x7c: {  	(pc) =	sbr.rel .LBB2_7-.Ltmp5, $4  }
0x7d: {  	_ = 	snop  }
0x7e: {  	s14 =	simm.s32 $0x0  }
0x7f: {  	s12 =	simm.s32 $0x0;
	s15 =	simm.s32 $0x0;
	s17 =	smov.u32 s13  }
0x80: {  	s20 =	simm.s32 $0x0;
	s18 =	simm.s32 $0x1;
	s13 =	simm.s32 $0x0  }
.LBB2_4:
.Ltmp6:
0x81: {  	(pc) =	sbr.rel .LBB2_7-.Ltmp6, $3  }
0x82: {  	_ =	sdelay $0x1  }
0x83: {  	s14 =	simm.s32 $0x0  }
0x84: {  	s15 =	simm.s32 $0x0;
	s20 =	simm.s32 $0x0;
	p6 =	por $0x1, $0x1  }
.LBB2_8:
0x85: {  	_ =	sfence.sel $0x180000  }
0x86: {  	[bflag:$0x0] =	sbarrier.arrive $0xFFFF  }
0x87: {  	p0 =	sne.s32 s2, $0x0;
	_ =	strace $0x90000047  }
0x88: {  	s0 =	sadd.s32 @!p0 $0x100000, s1;
	[bflag:$0x2] =	sbarrier.arrive $0xFFFF  }
0x89: {  	[sflag:s0] =	ssyncadd.tile.s32 @!p0 $0x1;
	_ =	shalt  }
.Lfunc_end2:
_tile_overlayer_lowered:
.L_overlay_start_2:
0x8a: {  	(tag) =	ssettag $0x2  }
0x8b: {  	s0 =	rddreg [dreg:$0x0];
	s2 =	stileid.u32  }
0x8c: {  	s1 =	rddreg [dreg:$0x1];
	p0 =	sne.s32 s2, $0x0  }
0x8d: {  	s3 =	rddreg [dreg:$0x2];
	[bflag:$0x3] =	sbarrier.arrive $0xFFFF;
	s2 =	simm.s32 @!p0 $0x1C01  }
0x8e: {  	[timem:s3], [sflag:s2] =	dma.local @!p0 [hbm:s0], s1  }
0x8f: {  	s0 =	simm.s32 @!p0 $0x1  }
0x90: {  	_ =	swait.ge @!p0 [sflag:s0], s1  }
0x91: {  	s1 =	ssub.s32 @!p0 $0x0, s1;
	[sflag:s0] =	ssyncset.done @!p0 $0x0  }
0x92: {  	[sflag:s0] =	ssyncadd.s32 @!p0 s1  }
0x93: {  	[bflag:$0x3] =	sbarrier.arrive $0xFFFF  }
0x94: {  	_ =	shalt  }

</sc_bundles>
